<compile_context>
chip_gen: v7x
topology: tpu7x:2x2x1
jax: 0.10.2.dev20260603
libtpu: 0.0.44.dev20260713+nightly
codegen_flags: <defaults>
</compile_context>

<pallas_src>
import functools

import jax
import jax.numpy as jnp
import numpy as np
from jax.experimental import pallas as pl
from jax.experimental.pallas import tpu as pltpu
from jax.experimental.pallas import tpu_sc as plsc

B = 8
FEAT_DIM = 384
GH = GW = 37
N = 2048
N_STEPS = 8
K = 6
HID = 128
STATE_DIM = 16
RB = 512
MB = 2048


def _dot(a, b, prec=jax.lax.Precision.DEFAULT):
    return jax.lax.dot_general(a, b, (((1,), (0,)), ((), ())),
                               precision=prec,
                               preferred_element_type=jnp.float32)


def _init_kernel(s_ref, img_ref, w1_ref, b1_ref, w2_ref, b2_ref, w3_ref,
                 b3_ref, out_ref):
    samp = _dot(s_ref[...], img_ref[0], jax.lax.Precision.HIGHEST)
    h = jnp.maximum(_dot(samp, w1_ref[...]) + b1_ref[...], 0.0)
    h = jnp.maximum(_dot(h, w2_ref[...]) + b2_ref[...], 0.0)
    out_ref[0] = _dot(h, w3_ref[...]) + b3_ref[...]


def _run_init(s_mat, img_f, params):
    full = lambda shape: pl.BlockSpec(shape, lambda b: (0,) * len(shape))
    return pl.pallas_call(
        _init_kernel,
        grid=(B,),
        in_specs=[
            full((N, GH * GW)),
            pl.BlockSpec((1, GH * GW, FEAT_DIM), lambda b: (b, 0, 0)),
            full((FEAT_DIM, 2 * HID)), full((1, 2 * HID)),
            full((2 * HID, HID)), full((1, HID)),
            full((HID, STATE_DIM)), full((1, STATE_DIM)),
        ],
        out_specs=pl.BlockSpec((1, N, STATE_DIM), lambda b: (b, 0, 0)),
        out_shape=jax.ShapeDtypeStruct((B, N, STATE_DIM), jnp.float32),
        compiler_params=pltpu.CompilerParams(
            dimension_semantics=("parallel",)),
    )(s_mat, img_f,
      params['init_W1'], params['init_b1'].reshape(1, -1),
      params['init_W2'], params['init_b2'].reshape(1, -1),
      params['init_W3'], params['init_b3'].reshape(1, -1))


def _topk_kernel(st_ref, stt_ref, out_ref):
    st = st_ref[0]
    stt = stt_ref[0]
    lane = jax.lax.broadcasted_iota(jnp.int32, (RB, STATE_DIM), 1)
    pc = jnp.where(lane < 3, st, 0.0)
    row = jax.lax.broadcasted_iota(jnp.int32, (STATE_DIM, N), 0)
    pr = jnp.where(row < 3, stt, 0.0)
    xc, yc, zc = pc[:, 0:1], pc[:, 1:2], pc[:, 2:3]
    xr, yr, zr = pr[0:1, :], pr[1:2, :], pr[2:3, :]
    sqc = xc * xc + yc * yc + zc * zc
    sqr = xr * xr + yr * yr + zr * zr
    dot = _dot(pc, pr)
    d2 = (sqc + sqr) - 2.0 * dot
    iota_f = jax.lax.broadcasted_iota(jnp.int32, (RB, N), 1).astype(
        jnp.float32)
    boff = pl.program_id(0) * N
    vals = d2
    for t in range(K + 1):
        m = jnp.min(vals, axis=1, keepdims=True)
        idxm = jnp.where(vals == m, iota_f, jnp.float32(N))
        sel = jnp.min(idxm, axis=1, keepdims=True)
        out_ref[0, :, pl.ds(t - 1 if t > 0 else 6, 1)] = (
            sel.astype(jnp.int32) + boff)
        if t < K:
            vals = jnp.where(iota_f == sel, jnp.inf, vals)


def _run_topk(state, stateT):
    return pl.pallas_call(
        _topk_kernel,
        grid=(B, N // RB),
        in_specs=[
            pl.BlockSpec((1, RB, STATE_DIM), lambda b, r: (b, r, 0)),
            pl.BlockSpec((1, STATE_DIM, N), lambda b, r: (b, 0, 0)),
        ],
        out_specs=pl.BlockSpec((1, RB, 8), lambda b, r: (b, r, 0)),
        out_shape=jax.ShapeDtypeStruct((B, N, 8), jnp.int32),
        compiler_params=pltpu.CompilerParams(
            dimension_semantics=("parallel", "parallel")),
    )(state, stateT)


def _mlp_kernel(st_ref, g_ref, w1_ref, b1_ref, w2_ref, b2_ref,
                u1_ref, ub1_ref, u2_ref, ub2_ref, step_ref, out_ref, pad_ref,
                tr_ref):
    st = st_ref[...]
    g = g_ref[...]
    pin = jnp.concatenate(
        [st] + [g[k, :, :STATE_DIM] for k in range(K)], axis=1)
    h = jnp.maximum(_dot(pin, w1_ref[...]) + b1_ref[...], 0.0)
    h = jnp.maximum(_dot(h, w2_ref[...]) + b2_ref[...], 0.0)
    h = jnp.maximum(_dot(h, u1_ref[...]) + ub1_ref[...], 0.0)
    delta = _dot(h, u2_ref[...]) + ub2_ref[...]
    new = st + step_ref[0, 0] * delta
    out_ref[...] = new
    pad_ref[...] = jnp.concatenate(
        [new, jnp.zeros((MB, _PD - STATE_DIM), jnp.float32)], axis=1)
    tr_ref[0] = new.T


def _run_mlp(st2d, g2d, w1, b1, w2, b2, u1, ub1, u2, ub2, step):
    full = lambda shape: pl.BlockSpec(shape, lambda i: (0,) * len(shape))
    return pl.pallas_call(
        _mlp_kernel,
        grid=(B * N // MB,),
        in_specs=[
            pl.BlockSpec((MB, STATE_DIM), lambda i: (i, 0)),
            pl.BlockSpec((K, MB, _PD), lambda i: (0, i, 0)),
            full(((K + 1) * STATE_DIM, 2 * HID)),
            full((1, 2 * HID)), full((2 * HID, HID)), full((1, HID)),
            full((HID, HID)), full((1, HID)), full((HID, STATE_DIM)),
            full((1, STATE_DIM)), full((1, 1)),
        ],
        out_specs=[pl.BlockSpec((MB, STATE_DIM), lambda i: (i, 0)),
                   pl.BlockSpec((MB, _PD), lambda i: (i, 0)),
                   pl.BlockSpec((1, STATE_DIM, MB), lambda i: (i, 0, 0))],
        out_shape=[jax.ShapeDtypeStruct((B * N, STATE_DIM), jnp.float32),
                   jax.ShapeDtypeStruct((B * N, _PD), jnp.float32),
                   jax.ShapeDtypeStruct((B, STATE_DIM, N), jnp.float32)],
        compiler_params=pltpu.CompilerParams(
            dimension_semantics=("parallel",)),
    )(st2d, g2d, w1, b1, w2, b2, u1, ub1, u2, ub2, step)


def _decode_kernel(st_ref, out_ref):
    st = st_ref[...]
    out_ref[:, 0:3] = st[:, 0:3]
    sc_in = jnp.clip(st[:, 3:6], -10.0, 20.0) + 1.0
    sp = jnp.maximum(sc_in, 0.0) + jnp.log1p(jnp.exp(-jnp.abs(sc_in)))
    out_ref[:, 3:6] = jnp.clip(sp * 0.15, 1e-6, 2.0)
    a1x, a1y, a1z = st[:, 6:7], st[:, 7:8], st[:, 8:9]
    a2x, a2y, a2z = st[:, 9:10], st[:, 10:11], st[:, 11:12]
    n1 = jnp.sqrt(a1x * a1x + a1y * a1y + a1z * a1z) + 1e-8
    b1x, b1y, b1z = a1x / n1, a1y / n1, a1z / n1
    dot = b1x * a2x + b1y * a2y + b1z * a2z
    px, py, pz = a2x - dot * b1x, a2y - dot * b1y, a2z - dot * b1z
    n2 = jnp.sqrt(px * px + py * py + pz * pz) + 1e-8
    b2x, b2y, b2z = px / n2, py / n2, pz / n2
    b3x = b1y * b2z - b1z * b2y
    b3y = b1z * b2x - b1x * b2z
    b3z = b1x * b2y - b1y * b2x
    w = 0.5 * jnp.sqrt(jnp.clip(1.0 + b1x + b2y + b3z, 1e-8))
    out_ref[:, 6:7] = w
    out_ref[:, 7:8] = (b3y - b2z) / (4.0 * w)
    out_ref[:, 8:9] = (b1z - b3x) / (4.0 * w)
    out_ref[:, 9:10] = (b2x - b1y) / (4.0 * w)
    out_ref[:, 10:13] = jax.nn.sigmoid(st[:, 12:15])
    out_ref[:, 13:14] = jax.nn.sigmoid(st[:, 15:16])


def _run_decode(st2d):
    return pl.pallas_call(
        _decode_kernel,
        grid=(B * N // MB,),
        in_specs=[pl.BlockSpec((MB, STATE_DIM), lambda i: (i, 0))],
        out_specs=pl.BlockSpec((MB, 14), lambda i: (i, 0)),
        out_shape=jax.ShapeDtypeStruct((B * N, 14), jnp.float32),
        compiler_params=pltpu.CompilerParams(
            dimension_semantics=("parallel",)),
    )(st2d)


def _sample_matrix():
    i = jnp.arange(N, dtype=jnp.float32)
    ga = np.pi * (3.0 - np.sqrt(5.0))
    r = jnp.sqrt((i + 0.5) / N)
    th = i * ga
    sx = r * jnp.cos(th) * 0.95
    sy = r * jnp.sin(th) * 0.95
    ix = (sx + 1.0) * 0.5 * (GW - 1)
    iy = (sy + 1.0) * 0.5 * (GH - 1)
    x0 = jnp.floor(ix)
    y0 = jnp.floor(iy)
    wx1 = ix - x0
    wy1 = iy - y0
    x0c = jnp.clip(x0, 0, GW - 1).astype(jnp.int32)
    x1c = jnp.clip(x0 + 1, 0, GW - 1).astype(jnp.int32)
    y0c = jnp.clip(y0, 0, GH - 1).astype(jnp.int32)
    y1c = jnp.clip(y0 + 1, 0, GH - 1).astype(jnp.int32)
    hw = GH * GW
    s = (jax.nn.one_hot(y0c * GW + x0c, hw) * ((1 - wy1) * (1 - wx1))[:, None]
         + jax.nn.one_hot(y0c * GW + x1c, hw) * ((1 - wy1) * wx1)[:, None]
         + jax.nn.one_hot(y1c * GW + x0c, hw) * (wy1 * (1 - wx1))[:, None]
         + jax.nn.one_hot(y1c * GW + x1c, hw) * (wy1 * wx1)[:, None])
    return s, sx, sy


_NUMI = B * N * K


_NW = 32
_BPW = _NUMI // _NW
_GCH = 4
_GROW = _BPW // _GCH
_PD = 128


def _sc_gather(statepad, idx_flat):
    mesh = plsc.VectorSubcoreMesh(core_axis_name="c", subcore_axis_name="s")

    @functools.partial(
        pl.kernel,
        out_type=jax.ShapeDtypeStruct((_NUMI, _PD), jnp.float32),
        mesh=mesh,
        scratch_types=[
            pltpu.VMEM((_BPW,), jnp.int32),
            pltpu.VMEM((_GROW, _PD), jnp.float32),
            pltpu.SemaphoreType.DMA,
        ])
    def k(table_hbm, idx_hbm, out_hbm, idx_v, rows_v, sem):
        wid = jax.lax.axis_index("s") * 2 + jax.lax.axis_index("c")
        base = wid * _BPW
        pltpu.sync_copy(idx_hbm.at[pl.ds(base, _BPW)], idx_v)

        @pl.loop(0, _GCH)
        def _(c):
            off = c * _GROW
            pltpu.async_copy(table_hbm.at[idx_v.at[pl.ds(off, _GROW)]],
                             rows_v, sem).wait()
            pltpu.sync_copy(rows_v, out_hbm.at[pl.ds(base + off, _GROW)])

    return k(statepad, idx_flat)


def _pad_kernel(st_ref, out_ref):
    out_ref[...] = jnp.concatenate(
        [st_ref[...], jnp.zeros((MB, _PD - STATE_DIM), jnp.float32)], axis=1)


def _run_pad(st2d):
    return pl.pallas_call(
        _pad_kernel,
        grid=(B * N // MB,),
        in_specs=[pl.BlockSpec((MB, STATE_DIM), lambda i: (i, 0))],
        out_specs=pl.BlockSpec((MB, _PD), lambda i: (i, 0)),
        out_shape=jax.ShapeDtypeStruct((B * N, _PD), jnp.float32),
        compiler_params=pltpu.CompilerParams(
            dimension_semantics=("parallel",)),
    )(st2d)


@functools.partial(jax.jit, static_argnames=())
def kernel(features, params):
    s_mat, sx, sy = _sample_matrix()
    img_f = jnp.transpose(features.reshape(B, FEAT_DIM, GH * GW), (0, 2, 1))
    st0 = _run_init(s_mat, img_f, params)

    ch0 = sx[None, :] + st0[..., 0] * 0.15
    ch1 = sy[None, :] + st0[..., 1] * 0.15
    base_z = jnp.broadcast_to(params['depth_offset'], (B, N))
    state = jnp.concatenate(
        [ch0[..., None], ch1[..., None], base_z[..., None], st0[..., 3:]],
        axis=-1)

    w1 = params['perc_W1']
    b1 = params['perc_b1'].reshape(1, -1)
    w2, b2 = params['perc_W2'], params['perc_b2'].reshape(1, -1)
    u1, ub1 = params['upd_W1'], params['upd_b1'].reshape(1, -1)
    u2, ub2 = params['upd_W2'], params['upd_b2'].reshape(1, -1)
    step = params['step_size'].reshape(1, 1)

    state2d = state.reshape(B * N, STATE_DIM)
    statepad = _run_pad(state2d)
    stateT = jnp.transpose(state, (0, 2, 1))
    state3 = state
    for _ in range(N_STEPS):
        nbr8 = _run_topk(state3, stateT)
        flat_idx = jnp.moveaxis(nbr8[:, :, :K], -1, 0).reshape(_NUMI)
        g3 = _sc_gather(statepad, flat_idx).reshape(K, B * N, _PD)
        state2d, statepad, stateT = _run_mlp(state2d, g3, w1, b1, w2, b2,
                                             u1, ub1, u2, ub2, step)
        state3 = state2d.reshape(B, N, STATE_DIM)

    out = _run_decode(state2d)
    return out.reshape(B, N, 14)

# --- scband reference (transcript-rebuilt; emitter-appended) ---
"""Pipeline reference for scband-ncagaussian-decoder-7215545057405 (READ-ONLY COPY).

The authoritative reference and input builder live on the scoring server;
editing this copy changes nothing except your own understanding.
"""

import jax, jax.numpy as jnp
import numpy as np

B, FEAT_DIM, GH, GW = 8, 384, 37, 37
N_POINTS = 2048
N_STEPS = 8
K = 6
HID = 128
STATE_DIM = 16


def fibonacci_spiral_positions(n):
    i = jnp.arange(n, dtype=jnp.float32)
    ga = np.pi * (3.0 - np.sqrt(5.0))
    r = jnp.sqrt((i + 0.5) / n)
    th = i * ga
    return r * jnp.cos(th) * 0.95, r * jnp.sin(th) * 0.95


def grid_sample_points(img, gx, gy):
    # img: (B,C,H,W); gx,gy: (N,) in [-1,1]; bilinear, align_corners=True, border padding
    Bb, C, H, W = img.shape
    ix = (gx + 1.0) * 0.5 * (W - 1)
    iy = (gy + 1.0) * 0.5 * (H - 1)
    x0 = jnp.floor(ix)
    y0 = jnp.floor(iy)
    wx1 = ix - x0
    wy1 = iy - y0
    x0c = jnp.clip(x0, 0, W - 1).astype(jnp.int32)
    x1c = jnp.clip(x0 + 1, 0, W - 1).astype(jnp.int32)
    y0c = jnp.clip(y0, 0, H - 1).astype(jnp.int32)
    y1c = jnp.clip(y0 + 1, 0, H - 1).astype(jnp.int32)
    v00 = img[:, :, y0c, x0c]
    v01 = img[:, :, y0c, x1c]
    v10 = img[:, :, y1c, x0c]
    v11 = img[:, :, y1c, x1c]
    return v00 * (1 - wy1) * (1 - wx1) + v01 * (1 - wy1) * wx1 + v10 * wy1 * (1 - wx1) + v11 * wy1 * wx1


def _mlp(x, layers):
    for W, b, act in layers:
        x = x @ W + b
        if act:
            x = jax.nn.relu(x)
    return x


def rotation_6d_to_quaternion(r6):
    a1, a2 = r6[..., 0:3], r6[..., 3:6]
    b1 = a1 / (jnp.linalg.norm(a1, axis=-1, keepdims=True) + 1e-8)
    a2p = a2 - jnp.sum(b1 * a2, axis=-1, keepdims=True) * b1
    b2 = a2p / (jnp.linalg.norm(a2p, axis=-1, keepdims=True) + 1e-8)
    b3 = jnp.cross(b1, b2)
    m00, m11, m22 = b1[..., 0], b2[..., 1], b3[..., 2]
    m12, m21 = b2[..., 2], b3[..., 1]
    m02, m20 = b1[..., 2], b3[..., 0]
    m01, m10 = b1[..., 1], b2[..., 0]
    w = 0.5 * jnp.sqrt(jnp.clip(1.0 + m00 + m11 + m22, 1e-8))
    x = (m21 - m12) / (4.0 * w)
    y = (m02 - m20) / (4.0 * w)
    z = (m10 - m01) / (4.0 * w)
    return jnp.stack([w, x, y, z], axis=-1)


def setup_inputs(seed: int = 0) -> dict:
    key = jax.random.key(seed)
    ks = jax.random.split(key, 16)

    def lin(k, i, o, s=0.02):
        return jax.random.normal(k, (i, o), jnp.float32) * s

    params = {
        'init_W1': lin(ks[0], FEAT_DIM, HID * 2), 'init_b1': jnp.zeros(HID * 2, jnp.float32),
        'init_W2': lin(ks[1], HID * 2, HID), 'init_b2': jnp.zeros(HID, jnp.float32),
        'init_W3': lin(ks[2], HID, STATE_DIM), 'init_b3': jnp.zeros(STATE_DIM, jnp.float32),
        'perc_W1': lin(ks[3], STATE_DIM * (K + 1), HID * 2), 'perc_b1': jnp.zeros(HID * 2, jnp.float32),
        'perc_W2': lin(ks[4], HID * 2, HID), 'perc_b2': jnp.zeros(HID, jnp.float32),
        'upd_W1': lin(ks[5], HID, HID), 'upd_b1': jnp.zeros(HID, jnp.float32),
        'upd_W2': lin(ks[6], HID, STATE_DIM, 0.01), 'upd_b2': jnp.zeros(STATE_DIM, jnp.float32),
        'depth_offset': jnp.array(-2.0, jnp.float32),
        'step_size': jnp.array(0.1, jnp.float32),
    }
    features = jax.random.normal(ks[7], (B, FEAT_DIM, GH, GW), jnp.float32)
    return {'features': features, 'params': params}


def _forward(features, params):
    Bb = features.shape[0]
    N = N_POINTS
    sx, sy = fibonacci_spiral_positions(N)
    sampled = grid_sample_points(features, sx, sy)  # (B,C,N)
    feat = jnp.transpose(sampled, (0, 2, 1)).reshape(Bb * N, -1)
    st = _mlp(feat, [(params['init_W1'], params['init_b1'], True),
                     (params['init_W2'], params['init_b2'], True),
                     (params['init_W3'], params['init_b3'], False)])
    state = st.reshape(Bb, N, STATE_DIM)
    base_x = jnp.broadcast_to(sx[None, :], (Bb, N))
    base_y = jnp.broadcast_to(sy[None, :], (Bb, N))
    base_z = jnp.broadcast_to(params['depth_offset'], (Bb, N))  # depth=None -> depth_sampled zeros
    ch0 = base_x + jax.lax.stop_gradient(state[..., 0]) * 0.15
    ch1 = base_y + jax.lax.stop_gradient(state[..., 1]) * 0.15
    state = jnp.concatenate([ch0[..., None], ch1[..., None], base_z[..., None], state[..., 3:]], axis=-1)
    bidx = jnp.arange(Bb)[:, None, None]
    for _ in range(N_STEPS):
        pos = state[..., :3]
        sq = jnp.sum(pos * pos, axis=-1)
        d2 = sq[:, :, None] + sq[:, None, :] - 2.0 * jnp.einsum('bnd,bmd->bnm', pos, pos)
        _, nbr = jax.lax.top_k(-d2, K + 1)  # smallest distances (same order as cdist)
        nbr = nbr[..., 1:]  # drop self
        neighbors = state[bidx, nbr]  # (B,N,K,D)
        pin = jnp.concatenate([state, neighbors.reshape(Bb, N, K * STATE_DIM)], axis=-1).reshape(Bb * N, -1)
        h = _mlp(pin, [(params['perc_W1'], params['perc_b1'], True),
                       (params['perc_W2'], params['perc_b2'], True)])
        delta = _mlp(h, [(params['upd_W1'], params['upd_b1'], True),
                         (params['upd_W2'], params['upd_b2'], False)]).reshape(Bb, N, STATE_DIM)
        state = state + params['step_size'] * delta  # eval mode: no stochastic mask
    positions = state[..., 0:3]
    scales = jnp.clip(jax.nn.softplus(jnp.clip(state[..., 3:6], -10.0, 20.0) + 1.0) * 0.15, 1e-6, 2.0)
    rotations = rotation_6d_to_quaternion(state[..., 6:12])
    colors = jax.nn.sigmoid(state[..., 12:15])
    opacities = jax.nn.sigmoid(state[..., 15:16])
    return jnp.concatenate([positions, scales, rotations, colors, opacities], axis=-1)  # (B,N,14)


def reference(features, params):
    return _forward(features, params)

if __name__ == "__main__":
    import jax
    _d = setup_inputs()
    print(jax.jit(kernel)(*tuple(_d.values())))

</pallas_src>

<mosaic_0001>
#map = affine_map<(d0, d1) -> (0, 0)>
#map1 = affine_map<(d0, d1) -> (0)>
module attributes {stable_mosaic.version = 14 : i64} {
  func.func @k(%arg0: i32, %arg1: i32, %arg2: memref<16384x128xf32, #tpu.memory_space<hbm>>, %arg3: memref<98304xi32, #tpu.memory_space<hbm>>, %arg4: memref<98304x128xf32, #tpu.memory_space<hbm>>, %arg5: memref<3072xi32, #tpu.memory_space<vmem>>, %arg6: memref<768x128xf32, #tpu.memory_space<vmem>>, %arg7: memref<!tpu.dma_semaphore, #tpu.memory_space<semaphore_mem>>) attributes {dimension_semantics = [#tpu.dimension_semantics<core_parallel>, #tpu.dimension_semantics<subcore_parallel>], iteration_bounds = array<i64: 2, 16>, scalar_prefetch = 0 : i64, scratch_operands = 3 : i64, tpu.core_type = #tpu.core_type<sc_vector_subcore>, window_params = [{transform_indices = #map}, {transform_indices = #map1}, {transform_indices = #map}]} {
    %mul3A = arith.constant 2 : i32
    %mul3A_0 = arith.muli %arg1, %mul3A : i32
    %add3A = arith.addi %mul3A_0, %arg0 : i32
    %mul3A_1 = arith.constant 3072 : i32
    %mul3A_2 = arith.muli %add3A, %mul3A_1 : i32
    "tpu.region"() ({
      %run_scoped3A = tpu.sem_alloc : memref<!tpu.dma_semaphore, #tpu.memory_space<semaphore_mem>>
      %dma_start3A = tpu.memref_slice %arg3[%mul3A_2] : memref<98304xi32, #tpu.memory_space<hbm>> -> memref<3072xi32, #tpu.memory_space<hbm>>
      %dma_start3A_7 = tpu.memref_slice %arg3[%mul3A_2] : memref<98304xi32, #tpu.memory_space<hbm>> -> memref<3072xi32, #tpu.memory_space<hbm>>
      tpu.enqueue_dma source(%dma_start3A_7 : memref<3072xi32, #tpu.memory_space<hbm>>) target(%arg5 : memref<3072xi32, #tpu.memory_space<vmem>>) target_semaphore(%run_scoped3A : memref<!tpu.dma_semaphore, #tpu.memory_space<semaphore_mem>>)
      %dma_wait3A = tpu.memref_slice %arg3[%mul3A_2] : memref<98304xi32, #tpu.memory_space<hbm>> -> memref<3072xi32, #tpu.memory_space<hbm>>
      %dma_wait3A_8 = tpu.memref_slice %arg3[%mul3A_2] : memref<98304xi32, #tpu.memory_space<hbm>> -> memref<3072xi32, #tpu.memory_space<hbm>>
      tpu.wait_dma2 semaphore(%run_scoped3A : memref<!tpu.dma_semaphore, #tpu.memory_space<semaphore_mem>>) src(%dma_wait3A_8 : memref<3072xi32, #tpu.memory_space<hbm>>) dst(%arg5 : memref<3072xi32, #tpu.memory_space<vmem>>)
      tpu.yield
    }) : () -> ()
    %scan3A = arith.constant 0 : i32
    %scan3A_3 = arith.constant 4 : i32
    %scan3A_4 = arith.addi %scan3A, %scan3A_3 : i32
    %scan3A_5 = arith.constant 1 : i32
    scf.for %scan3A_7 = %scan3A to %scan3A_4 step %scan3A_5  : i32 {
      %mul3A_8 = arith.constant 1 : i32
      %mul3A_9 = arith.muli %scan3A_7, %mul3A_8 : i32
      %add3A_10 = arith.constant 0 : i32
      %add3A_11 = arith.addi %add3A_10, %mul3A_9 : i32
      %mul3A_12 = arith.constant 768 : i32
      %mul3A_13 = arith.muli %add3A_11, %mul3A_12 : i32
      %dma_start3A = tpu.memref_slice %arg5[%mul3A_13] : memref<3072xi32, #tpu.memory_space<vmem>> -> memref<768xi32, #tpu.memory_space<vmem>>
      %dma_start3A_14 = arith.constant 0 : i32
      %dma_start3A_15 = arith.constant 0 : i32
      %dma_start3A_16 = tpu.memref_slice %arg2[%dma_start3A_14, %dma_start3A_15] : memref<16384x128xf32, #tpu.memory_space<hbm>> -> memref<16384x128xf32, #tpu.memory_space<hbm>>
      tpu.enqueue_indirect_dma source(%dma_start3A_16 : memref<16384x128xf32, #tpu.memory_space<hbm>>) target(%arg6 : memref<768x128xf32, #tpu.memory_space<vmem>>) offsets(%dma_start3A : memref<768xi32, #tpu.memory_space<vmem>>) semaphore(%arg7 : memref<!tpu.dma_semaphore, #tpu.memory_space<semaphore_mem>>)
      %dma_wait3A = tpu.memref_slice %arg5[%mul3A_13] : memref<3072xi32, #tpu.memory_space<vmem>> -> memref<768xi32, #tpu.memory_space<vmem>>
      %dma_wait3A_17 = arith.constant 0 : i32
      %dma_wait3A_18 = arith.constant 0 : i32
      %dma_wait3A_19 = tpu.memref_slice %arg2[%dma_wait3A_17, %dma_wait3A_18] : memref<16384x128xf32, #tpu.memory_space<hbm>> -> memref<16384x128xf32, #tpu.memory_space<hbm>>
      tpu.wait_indirect_dma semaphore(%arg7 : memref<!tpu.dma_semaphore, #tpu.memory_space<semaphore_mem>>) src(%dma_wait3A_19 : memref<16384x128xf32, #tpu.memory_space<hbm>>) dst(%arg6 : memref<768x128xf32, #tpu.memory_space<vmem>>)
      %add3A_20 = arith.addi %mul3A_2, %mul3A_13 : i32
      "tpu.region"() ({
        %run_scoped3A = tpu.sem_alloc : memref<!tpu.dma_semaphore, #tpu.memory_space<semaphore_mem>>
        %dma_start3A_21 = arith.constant 0 : i32
        %dma_start3A_22 = tpu.memref_slice %arg4[%add3A_20, %dma_start3A_21] : memref<98304x128xf32, #tpu.memory_space<hbm>> -> memref<768x128xf32, #tpu.memory_space<hbm>>
        %dma_start3A_23 = arith.constant 0 : i32
        %dma_start3A_24 = tpu.memref_slice %arg4[%add3A_20, %dma_start3A_23] : memref<98304x128xf32, #tpu.memory_space<hbm>> -> memref<768x128xf32, #tpu.memory_space<hbm>>
        tpu.enqueue_dma source(%arg6 : memref<768x128xf32, #tpu.memory_space<vmem>>) target(%dma_start3A_24 : memref<768x128xf32, #tpu.memory_space<hbm>>) target_semaphore(%run_scoped3A : memref<!tpu.dma_semaphore, #tpu.memory_space<semaphore_mem>>)
        %dma_wait3A_25 = arith.constant 0 : i32
        %dma_wait3A_26 = tpu.memref_slice %arg4[%add3A_20, %dma_wait3A_25] : memref<98304x128xf32, #tpu.memory_space<hbm>> -> memref<768x128xf32, #tpu.memory_space<hbm>>
        %dma_wait3A_27 = arith.constant 0 : i32
        %dma_wait3A_28 = tpu.memref_slice %arg4[%add3A_20, %dma_wait3A_27] : memref<98304x128xf32, #tpu.memory_space<hbm>> -> memref<768x128xf32, #tpu.memory_space<hbm>>
        tpu.wait_dma2 semaphore(%run_scoped3A : memref<!tpu.dma_semaphore, #tpu.memory_space<semaphore_mem>>) src(%arg6 : memref<768x128xf32, #tpu.memory_space<vmem>>) dst(%dma_wait3A_28 : memref<768x128xf32, #tpu.memory_space<hbm>>)
        tpu.yield
      }) : () -> ()
    }
    %scan3A_6 = arith.constant 4 : i32
    return
  }
}

#map = affine_map<(d0, d1) -> (0, 0)>
#map1 = affine_map<(d0, d1) -> (0)>
module attributes {stable_mosaic.version = 14 : i64} {
  func.func @k(%arg0: i32, %arg1: i32, %arg2: memref<16384x128xf32, #tpu.memory_space<hbm>>, %arg3: memref<98304xi32, #tpu.memory_space<hbm>>, %arg4: memref<98304x128xf32, #tpu.memory_space<hbm>>, %arg5: memref<3072xi32, #tpu.memory_space<vmem>>, %arg6: memref<768x128xf32, #tpu.memory_space<vmem>>, %arg7: memref<!tpu.dma_semaphore, #tpu.memory_space<semaphore_mem>>) attributes {dimension_semantics = [#tpu.dimension_semantics<core_parallel>, #tpu.dimension_semantics<subcore_parallel>], iteration_bounds = array<i64: 2, 16>, scalar_prefetch = 0 : i64, scratch_operands = 3 : i64, tpu.core_type = #tpu.core_type<sc_vector_subcore>, window_params = [{transform_indices = #map}, {transform_indices = #map1}, {transform_indices = #map}]} {
    %mul3A = arith.constant 2 : i32
    %mul3A_0 = arith.muli %arg1, %mul3A : i32
    %add3A = arith.addi %mul3A_0, %arg0 : i32
    %mul3A_1 = arith.constant 3072 : i32
    %mul3A_2 = arith.muli %add3A, %mul3A_1 : i32
    "tpu.region"() ({
      %run_scoped3A = tpu.sem_alloc : memref<!tpu.dma_semaphore, #tpu.memory_space<semaphore_mem>>
      %dma_start3A = tpu.memref_slice %arg3[%mul3A_2] : memref<98304xi32, #tpu.memory_space<hbm>> -> memref<3072xi32, #tpu.memory_space<hbm>>
      %dma_start3A_7 = tpu.memref_slice %arg3[%mul3A_2] : memref<98304xi32, #tpu.memory_space<hbm>> -> memref<3072xi32, #tpu.memory_space<hbm>>
      tpu.enqueue_dma source(%dma_start3A_7 : memref<3072xi32, #tpu.memory_space<hbm>>) target(%arg5 : memref<3072xi32, #tpu.memory_space<vmem>>) target_semaphore(%run_scoped3A : memref<!tpu.dma_semaphore, #tpu.memory_space<semaphore_mem>>)
      %dma_wait3A = tpu.memref_slice %arg3[%mul3A_2] : memref<98304xi32, #tpu.memory_space<hbm>> -> memref<3072xi32, #tpu.memory_space<hbm>>
      %dma_wait3A_8 = tpu.memref_slice %arg3[%mul3A_2] : memref<98304xi32, #tpu.memory_space<hbm>> -> memref<3072xi32, #tpu.memory_space<hbm>>
      tpu.wait_dma2 semaphore(%run_scoped3A : memref<!tpu.dma_semaphore, #tpu.memory_space<semaphore_mem>>) src(%dma_wait3A_8 : memref<3072xi32, #tpu.memory_space<hbm>>) dst(%arg5 : memref<3072xi32, #tpu.memory_space<vmem>>)
      tpu.yield
    }) : () -> ()
    %scan3A = arith.constant 0 : i32
    %scan3A_3 = arith.constant 4 : i32
    %scan3A_4 = arith.addi %scan3A, %scan3A_3 : i32
    %scan3A_5 = arith.constant 1 : i32
    scf.for %scan3A_7 = %scan3A to %scan3A_4 step %scan3A_5  : i32 {
      %mul3A_8 = arith.constant 1 : i32
      %mul3A_9 = arith.muli %scan3A_7, %mul3A_8 : i32
      %add3A_10 = arith.constant 0 : i32
      %add3A_11 = arith.addi %add3A_10, %mul3A_9 : i32
      %mul3A_12 = arith.constant 768 : i32
      %mul3A_13 = arith.muli %add3A_11, %mul3A_12 : i32
      %dma_start3A = tpu.memref_slice %arg5[%mul3A_13] : memref<3072xi32, #tpu.memory_space<vmem>> -> memref<768xi32, #tpu.memory_space<vmem>>
      %dma_start3A_14 = arith.constant 0 : i32
      %dma_start3A_15 = arith.constant 0 : i32
      %dma_start3A_16 = tpu.memref_slice %arg2[%dma_start3A_14, %dma_start3A_15] : memref<16384x128xf32, #tpu.memory_space<hbm>> -> memref<16384x128xf32, #tpu.memory_space<hbm>>
      tpu.enqueue_indirect_dma source(%dma_start3A_16 : memref<16384x128xf32, #tpu.memory_space<hbm>>) target(%arg6 : memref<768x128xf32, #tpu.memory_space<vmem>>) offsets(%dma_start3A : memref<768xi32, #tpu.memory_space<vmem>>) semaphore(%arg7 : memref<!tpu.dma_semaphore, #tpu.memory_space<semaphore_mem>>)
      %dma_wait3A = tpu.memref_slice %arg5[%mul3A_13] : memref<3072xi32, #tpu.memory_space<vmem>> -> memref<768xi32, #tpu.memory_space<vmem>>
      %dma_wait3A_17 = arith.constant 0 : i32
      %dma_wait3A_18 = arith.constant 0 : i32
      %dma_wait3A_19 = tpu.memref_slice %arg2[%dma_wait3A_17, %dma_wait3A_18] : memref<16384x128xf32, #tpu.memory_space<hbm>> -> memref<16384x128xf32, #tpu.memory_space<hbm>>
      tpu.wait_indirect_dma semaphore(%arg7 : memref<!tpu.dma_semaphore, #tpu.memory_space<semaphore_mem>>) src(%dma_wait3A_19 : memref<16384x128xf32, #tpu.memory_space<hbm>>) dst(%arg6 : memref<768x128xf32, #tpu.memory_space<vmem>>)
      %add3A_20 = arith.addi %mul3A_2, %mul3A_13 : i32
      "tpu.region"() ({
        %run_scoped3A = tpu.sem_alloc : memref<!tpu.dma_semaphore, #tpu.memory_space<semaphore_mem>>
        %dma_start3A_21 = arith.constant 0 : i32
        %dma_start3A_22 = tpu.memref_slice %arg4[%add3A_20, %dma_start3A_21] : memref<98304x128xf32, #tpu.memory_space<hbm>> -> memref<768x128xf32, #tpu.memory_space<hbm>>
        %dma_start3A_23 = arith.constant 0 : i32
        %dma_start3A_24 = tpu.memref_slice %arg4[%add3A_20, %dma_start3A_23] : memref<98304x128xf32, #tpu.memory_space<hbm>> -> memref<768x128xf32, #tpu.memory_space<hbm>>
        tpu.enqueue_dma source(%arg6 : memref<768x128xf32, #tpu.memory_space<vmem>>) target(%dma_start3A_24 : memref<768x128xf32, #tpu.memory_space<hbm>>) target_semaphore(%run_scoped3A : memref<!tpu.dma_semaphore, #tpu.memory_space<semaphore_mem>>)
        %dma_wait3A_25 = arith.constant 0 : i32
        %dma_wait3A_26 = tpu.memref_slice %arg4[%add3A_20, %dma_wait3A_25] : memref<98304x128xf32, #tpu.memory_space<hbm>> -> memref<768x128xf32, #tpu.memory_space<hbm>>
        %dma_wait3A_27 = arith.constant 0 : i32
        %dma_wait3A_28 = tpu.memref_slice %arg4[%add3A_20, %dma_wait3A_27] : memref<98304x128xf32, #tpu.memory_space<hbm>> -> memref<768x128xf32, #tpu.memory_space<hbm>>
        tpu.wait_dma2 semaphore(%run_scoped3A : memref<!tpu.dma_semaphore, #tpu.memory_space<semaphore_mem>>) src(%arg6 : memref<768x128xf32, #tpu.memory_space<vmem>>) dst(%dma_wait3A_28 : memref<768x128xf32, #tpu.memory_space<hbm>>)
        tpu.yield
      }) : () -> ()
    }
    %scan3A_6 = arith.constant 4 : i32
    return
  }
}

#map = affine_map<(d0, d1) -> (0, 0)>
#map1 = affine_map<(d0, d1) -> (0)>
module attributes {stable_mosaic.version = 14 : i64} {
  func.func @k(%arg0: i32, %arg1: i32, %arg2: memref<16384x128xf32, #tpu.memory_space<hbm>>, %arg3: memref<98304xi32, #tpu.memory_space<hbm>>, %arg4: memref<98304x128xf32, #tpu.memory_space<hbm>>, %arg5: memref<3072xi32, #tpu.memory_space<vmem>>, %arg6: memref<768x128xf32, #tpu.memory_space<vmem>>, %arg7: memref<!tpu.dma_semaphore, #tpu.memory_space<semaphore_mem>>) attributes {dimension_semantics = [#tpu.dimension_semantics<core_parallel>, #tpu.dimension_semantics<subcore_parallel>], iteration_bounds = array<i64: 2, 16>, scalar_prefetch = 0 : i64, scratch_operands = 3 : i64, tpu.core_type = #tpu.core_type<sc_vector_subcore>, window_params = [{transform_indices = #map}, {transform_indices = #map1}, {transform_indices = #map}]} {
    %mul3A = arith.constant 2 : i32
    %mul3A_0 = arith.muli %arg1, %mul3A : i32
    %add3A = arith.addi %mul3A_0, %arg0 : i32
    %mul3A_1 = arith.constant 3072 : i32
    %mul3A_2 = arith.muli %add3A, %mul3A_1 : i32
    "tpu.region"() ({
      %run_scoped3A = tpu.sem_alloc : memref<!tpu.dma_semaphore, #tpu.memory_space<semaphore_mem>>
      %dma_start3A = tpu.memref_slice %arg3[%mul3A_2] : memref<98304xi32, #tpu.memory_space<hbm>> -> memref<3072xi32, #tpu.memory_space<hbm>>
      %dma_start3A_7 = tpu.memref_slice %arg3[%mul3A_2] : memref<98304xi32, #tpu.memory_space<hbm>> -> memref<3072xi32, #tpu.memory_space<hbm>>
      tpu.enqueue_dma source(%dma_start3A_7 : memref<3072xi32, #tpu.memory_space<hbm>>) target(%arg5 : memref<3072xi32, #tpu.memory_space<vmem>>) target_semaphore(%run_scoped3A : memref<!tpu.dma_semaphore, #tpu.memory_space<semaphore_mem>>)
      %dma_wait3A = tpu.memref_slice %arg3[%mul3A_2] : memref<98304xi32, #tpu.memory_space<hbm>> -> memref<3072xi32, #tpu.memory_space<hbm>>
      %dma_wait3A_8 = tpu.memref_slice %arg3[%mul3A_2] : memref<98304xi32, #tpu.memory_space<hbm>> -> memref<3072xi32, #tpu.memory_space<hbm>>
      tpu.wait_dma2 semaphore(%run_scoped3A : memref<!tpu.dma_semaphore, #tpu.memory_space<semaphore_mem>>) src(%dma_wait3A_8 : memref<3072xi32, #tpu.memory_space<hbm>>) dst(%arg5 : memref<3072xi32, #tpu.memory_space<vmem>>)
      tpu.yield
    }) : () -> ()
    %scan3A = arith.constant 0 : i32
    %scan3A_3 = arith.constant 4 : i32
    %scan3A_4 = arith.addi %scan3A, %scan3A_3 : i32
    %scan3A_5 = arith.constant 1 : i32
    scf.for %scan3A_7 = %scan3A to %scan3A_4 step %scan3A_5  : i32 {
      %mul3A_8 = arith.constant 1 : i32
      %mul3A_9 = arith.muli %scan3A_7, %mul3A_8 : i32
      %add3A_10 = arith.constant 0 : i32
      %add3A_11 = arith.addi %add3A_10, %mul3A_9 : i32
      %mul3A_12 = arith.constant 768 : i32
      %mul3A_13 = arith.muli %add3A_11, %mul3A_12 : i32
      %dma_start3A = tpu.memref_slice %arg5[%mul3A_13] : memref<3072xi32, #tpu.memory_space<vmem>> -> memref<768xi32, #tpu.memory_space<vmem>>
      %dma_start3A_14 = arith.constant 0 : i32
      %dma_start3A_15 = arith.constant 0 : i32
      %dma_start3A_16 = tpu.memref_slice %arg2[%dma_start3A_14, %dma_start3A_15] : memref<16384x128xf32, #tpu.memory_space<hbm>> -> memref<16384x128xf32, #tpu.memory_space<hbm>>
      tpu.enqueue_indirect_dma source(%dma_start3A_16 : memref<16384x128xf32, #tpu.memory_space<hbm>>) target(%arg6 : memref<768x128xf32, #tpu.memory_space<vmem>>) offsets(%dma_start3A : memref<768xi32, #tpu.memory_space<vmem>>) semaphore(%arg7 : memref<!tpu.dma_semaphore, #tpu.memory_space<semaphore_mem>>)
      %dma_wait3A = tpu.memref_slice %arg5[%mul3A_13] : memref<3072xi32, #tpu.memory_space<vmem>> -> memref<768xi32, #tpu.memory_space<vmem>>
      %dma_wait3A_17 = arith.constant 0 : i32
      %dma_wait3A_18 = arith.constant 0 : i32
      %dma_wait3A_19 = tpu.memref_slice %arg2[%dma_wait3A_17, %dma_wait3A_18] : memref<16384x128xf32, #tpu.memory_space<hbm>> -> memref<16384x128xf32, #tpu.memory_space<hbm>>
      tpu.wait_indirect_dma semaphore(%arg7 : memref<!tpu.dma_semaphore, #tpu.memory_space<semaphore_mem>>) src(%dma_wait3A_19 : memref<16384x128xf32, #tpu.memory_space<hbm>>) dst(%arg6 : memref<768x128xf32, #tpu.memory_space<vmem>>)
      %add3A_20 = arith.addi %mul3A_2, %mul3A_13 : i32
      "tpu.region"() ({
        %run_scoped3A = tpu.sem_alloc : memref<!tpu.dma_semaphore, #tpu.memory_space<semaphore_mem>>
        %dma_start3A_21 = arith.constant 0 : i32
        %dma_start3A_22 = tpu.memref_slice %arg4[%add3A_20, %dma_start3A_21] : memref<98304x128xf32, #tpu.memory_space<hbm>> -> memref<768x128xf32, #tpu.memory_space<hbm>>
        %dma_start3A_23 = arith.constant 0 : i32
        %dma_start3A_24 = tpu.memref_slice %arg4[%add3A_20, %dma_start3A_23] : memref<98304x128xf32, #tpu.memory_space<hbm>> -> memref<768x128xf32, #tpu.memory_space<hbm>>
        tpu.enqueue_dma source(%arg6 : memref<768x128xf32, #tpu.memory_space<vmem>>) target(%dma_start3A_24 : memref<768x128xf32, #tpu.memory_space<hbm>>) target_semaphore(%run_scoped3A : memref<!tpu.dma_semaphore, #tpu.memory_space<semaphore_mem>>)
        %dma_wait3A_25 = arith.constant 0 : i32
        %dma_wait3A_26 = tpu.memref_slice %arg4[%add3A_20, %dma_wait3A_25] : memref<98304x128xf32, #tpu.memory_space<hbm>> -> memref<768x128xf32, #tpu.memory_space<hbm>>
        %dma_wait3A_27 = arith.constant 0 : i32
        %dma_wait3A_28 = tpu.memref_slice %arg4[%add3A_20, %dma_wait3A_27] : memref<98304x128xf32, #tpu.memory_space<hbm>> -> memref<768x128xf32, #tpu.memory_space<hbm>>
        tpu.wait_dma2 semaphore(%run_scoped3A : memref<!tpu.dma_semaphore, #tpu.memory_space<semaphore_mem>>) src(%arg6 : memref<768x128xf32, #tpu.memory_space<vmem>>) dst(%dma_wait3A_28 : memref<768x128xf32, #tpu.memory_space<hbm>>)
        tpu.yield
      }) : () -> ()
    }
    %scan3A_6 = arith.constant 4 : i32
    return
  }
}

#map = affine_map<(d0, d1) -> (0, 0)>
#map1 = affine_map<(d0, d1) -> (0)>
module attributes {stable_mosaic.version = 14 : i64} {
  func.func @k(%arg0: i32, %arg1: i32, %arg2: memref<16384x128xf32, #tpu.memory_space<hbm>>, %arg3: memref<98304xi32, #tpu.memory_space<hbm>>, %arg4: memref<98304x128xf32, #tpu.memory_space<hbm>>, %arg5: memref<3072xi32, #tpu.memory_space<vmem>>, %arg6: memref<768x128xf32, #tpu.memory_space<vmem>>, %arg7: memref<!tpu.dma_semaphore, #tpu.memory_space<semaphore_mem>>) attributes {dimension_semantics = [#tpu.dimension_semantics<core_parallel>, #tpu.dimension_semantics<subcore_parallel>], iteration_bounds = array<i64: 2, 16>, scalar_prefetch = 0 : i64, scratch_operands = 3 : i64, tpu.core_type = #tpu.core_type<sc_vector_subcore>, window_params = [{transform_indices = #map}, {transform_indices = #map1}, {transform_indices = #map}]} {
    %mul3A = arith.constant 2 : i32
    %mul3A_0 = arith.muli %arg1, %mul3A : i32
    %add3A = arith.addi %mul3A_0, %arg0 : i32
    %mul3A_1 = arith.constant 3072 : i32
    %mul3A_2 = arith.muli %add3A, %mul3A_1 : i32
    "tpu.region"() ({
      %run_scoped3A = tpu.sem_alloc : memref<!tpu.dma_semaphore, #tpu.memory_space<semaphore_mem>>
      %dma_start3A = tpu.memref_slice %arg3[%mul3A_2] : memref<98304xi32, #tpu.memory_space<hbm>> -> memref<3072xi32, #tpu.memory_space<hbm>>
      %dma_start3A_7 = tpu.memref_slice %arg3[%mul3A_2] : memref<98304xi32, #tpu.memory_space<hbm>> -> memref<3072xi32, #tpu.memory_space<hbm>>
      tpu.enqueue_dma source(%dma_start3A_7 : memref<3072xi32, #tpu.memory_space<hbm>>) target(%arg5 : memref<3072xi32, #tpu.memory_space<vmem>>) target_semaphore(%run_scoped3A : memref<!tpu.dma_semaphore, #tpu.memory_space<semaphore_mem>>)
      %dma_wait3A = tpu.memref_slice %arg3[%mul3A_2] : memref<98304xi32, #tpu.memory_space<hbm>> -> memref<3072xi32, #tpu.memory_space<hbm>>
      %dma_wait3A_8 = tpu.memref_slice %arg3[%mul3A_2] : memref<98304xi32, #tpu.memory_space<hbm>> -> memref<3072xi32, #tpu.memory_space<hbm>>
      tpu.wait_dma2 semaphore(%run_scoped3A : memref<!tpu.dma_semaphore, #tpu.memory_space<semaphore_mem>>) src(%dma_wait3A_8 : memref<3072xi32, #tpu.memory_space<hbm>>) dst(%arg5 : memref<3072xi32, #tpu.memory_space<vmem>>)
      tpu.yield
    }) : () -> ()
    %scan3A = arith.constant 0 : i32
    %scan3A_3 = arith.constant 4 : i32
    %scan3A_4 = arith.addi %scan3A, %scan3A_3 : i32
    %scan3A_5 = arith.constant 1 : i32
    scf.for %scan3A_7 = %scan3A to %scan3A_4 step %scan3A_5  : i32 {
      %mul3A_8 = arith.constant 1 : i32
      %mul3A_9 = arith.muli %scan3A_7, %mul3A_8 : i32
      %add3A_10 = arith.constant 0 : i32
      %add3A_11 = arith.addi %add3A_10, %mul3A_9 : i32
      %mul3A_12 = arith.constant 768 : i32
      %mul3A_13 = arith.muli %add3A_11, %mul3A_12 : i32
      %dma_start3A = tpu.memref_slice %arg5[%mul3A_13] : memref<3072xi32, #tpu.memory_space<vmem>> -> memref<768xi32, #tpu.memory_space<vmem>>
      %dma_start3A_14 = arith.constant 0 : i32
      %dma_start3A_15 = arith.constant 0 : i32
      %dma_start3A_16 = tpu.memref_slice %arg2[%dma_start3A_14, %dma_start3A_15] : memref<16384x128xf32, #tpu.memory_space<hbm>> -> memref<16384x128xf32, #tpu.memory_space<hbm>>
      tpu.enqueue_indirect_dma source(%dma_start3A_16 : memref<16384x128xf32, #tpu.memory_space<hbm>>) target(%arg6 : memref<768x128xf32, #tpu.memory_space<vmem>>) offsets(%dma_start3A : memref<768xi32, #tpu.memory_space<vmem>>) semaphore(%arg7 : memref<!tpu.dma_semaphore, #tpu.memory_space<semaphore_mem>>)
      %dma_wait3A = tpu.memref_slice %arg5[%mul3A_13] : memref<3072xi32, #tpu.memory_space<vmem>> -> memref<768xi32, #tpu.memory_space<vmem>>
      %dma_wait3A_17 = arith.constant 0 : i32
      %dma_wait3A_18 = arith.constant 0 : i32
      %dma_wait3A_19 = tpu.memref_slice %arg2[%dma_wait3A_17, %dma_wait3A_18] : memref<16384x128xf32, #tpu.memory_space<hbm>> -> memref<16384x128xf32, #tpu.memory_space<hbm>>
      tpu.wait_indirect_dma semaphore(%arg7 : memref<!tpu.dma_semaphore, #tpu.memory_space<semaphore_mem>>) src(%dma_wait3A_19 : memref<16384x128xf32, #tpu.memory_space<hbm>>) dst(%arg6 : memref<768x128xf32, #tpu.memory_space<vmem>>)
      %add3A_20 = arith.addi %mul3A_2, %mul3A_13 : i32
      "tpu.region"() ({
        %run_scoped3A = tpu.sem_alloc : memref<!tpu.dma_semaphore, #tpu.memory_space<semaphore_mem>>
        %dma_start3A_21 = arith.constant 0 : i32
        %dma_start3A_22 = tpu.memref_slice %arg4[%add3A_20, %dma_start3A_21] : memref<98304x128xf32, #tpu.memory_space<hbm>> -> memref<768x128xf32, #tpu.memory_space<hbm>>
        %dma_start3A_23 = arith.constant 0 : i32
        %dma_start3A_24 = tpu.memref_slice %arg4[%add3A_20, %dma_start3A_23] : memref<98304x128xf32, #tpu.memory_space<hbm>> -> memref<768x128xf32, #tpu.memory_space<hbm>>
        tpu.enqueue_dma source(%arg6 : memref<768x128xf32, #tpu.memory_space<vmem>>) target(%dma_start3A_24 : memref<768x128xf32, #tpu.memory_space<hbm>>) target_semaphore(%run_scoped3A : memref<!tpu.dma_semaphore, #tpu.memory_space<semaphore_mem>>)
        %dma_wait3A_25 = arith.constant 0 : i32
        %dma_wait3A_26 = tpu.memref_slice %arg4[%add3A_20, %dma_wait3A_25] : memref<98304x128xf32, #tpu.memory_space<hbm>> -> memref<768x128xf32, #tpu.memory_space<hbm>>
        %dma_wait3A_27 = arith.constant 0 : i32
        %dma_wait3A_28 = tpu.memref_slice %arg4[%add3A_20, %dma_wait3A_27] : memref<98304x128xf32, #tpu.memory_space<hbm>> -> memref<768x128xf32, #tpu.memory_space<hbm>>
        tpu.wait_dma2 semaphore(%run_scoped3A : memref<!tpu.dma_semaphore, #tpu.memory_space<semaphore_mem>>) src(%arg6 : memref<768x128xf32, #tpu.memory_space<vmem>>) dst(%dma_wait3A_28 : memref<768x128xf32, #tpu.memory_space<hbm>>)
        tpu.yield
      }) : () -> ()
    }
    %scan3A_6 = arith.constant 4 : i32
    return
  }
}

#map = affine_map<(d0, d1) -> (0, 0)>
#map1 = affine_map<(d0, d1) -> (0)>
module attributes {stable_mosaic.version = 14 : i64} {
  func.func @k(%arg0: i32, %arg1: i32, %arg2: memref<16384x128xf32, #tpu.memory_space<hbm>>, %arg3: memref<98304xi32, #tpu.memory_space<hbm>>, %arg4: memref<98304x128xf32, #tpu.memory_space<hbm>>, %arg5: memref<3072xi32, #tpu.memory_space<vmem>>, %arg6: memref<768x128xf32, #tpu.memory_space<vmem>>, %arg7: memref<!tpu.dma_semaphore, #tpu.memory_space<semaphore_mem>>) attributes {dimension_semantics = [#tpu.dimension_semantics<core_parallel>, #tpu.dimension_semantics<subcore_parallel>], iteration_bounds = array<i64: 2, 16>, scalar_prefetch = 0 : i64, scratch_operands = 3 : i64, tpu.core_type = #tpu.core_type<sc_vector_subcore>, window_params = [{transform_indices = #map}, {transform_indices = #map1}, {transform_indices = #map}]} {
    %mul3A = arith.constant 2 : i32
    %mul3A_0 = arith.muli %arg1, %mul3A : i32
    %add3A = arith.addi %mul3A_0, %arg0 : i32
    %mul3A_1 = arith.constant 3072 : i32
    %mul3A_2 = arith.muli %add3A, %mul3A_1 : i32
    "tpu.region"() ({
      %run_scoped3A = tpu.sem_alloc : memref<!tpu.dma_semaphore, #tpu.memory_space<semaphore_mem>>
      %dma_start3A = tpu.memref_slice %arg3[%mul3A_2] : memref<98304xi32, #tpu.memory_space<hbm>> -> memref<3072xi32, #tpu.memory_space<hbm>>
      %dma_start3A_7 = tpu.memref_slice %arg3[%mul3A_2] : memref<98304xi32, #tpu.memory_space<hbm>> -> memref<3072xi32, #tpu.memory_space<hbm>>
      tpu.enqueue_dma source(%dma_start3A_7 : memref<3072xi32, #tpu.memory_space<hbm>>) target(%arg5 : memref<3072xi32, #tpu.memory_space<vmem>>) target_semaphore(%run_scoped3A : memref<!tpu.dma_semaphore, #tpu.memory_space<semaphore_mem>>)
      %dma_wait3A = tpu.memref_slice %arg3[%mul3A_2] : memref<98304xi32, #tpu.memory_space<hbm>> -> memref<3072xi32, #tpu.memory_space<hbm>>
      %dma_wait3A_8 = tpu.memref_slice %arg3[%mul3A_2] : memref<98304xi32, #tpu.memory_space<hbm>> -> memref<3072xi32, #tpu.memory_space<hbm>>
      tpu.wait_dma2 semaphore(%run_scoped3A : memref<!tpu.dma_semaphore, #tpu.memory_space<semaphore_mem>>) src(%dma_wait3A_8 : memref<3072xi32, #tpu.memory_space<hbm>>) dst(%arg5 : memref<3072xi32, #tpu.memory_space<vmem>>)
      tpu.yield
    }) : () -> ()
    %scan3A = arith.constant 0 : i32
    %scan3A_3 = arith.constant 4 : i32
    %scan3A_4 = arith.addi %scan3A, %scan3A_3 : i32
    %scan3A_5 = arith.constant 1 : i32
    scf.for %scan3A_7 = %scan3A to %scan3A_4 step %scan3A_5  : i32 {
      %mul3A_8 = arith.constant 1 : i32
      %mul3A_9 = arith.muli %scan3A_7, %mul3A_8 : i32
      %add3A_10 = arith.constant 0 : i32
      %add3A_11 = arith.addi %add3A_10, %mul3A_9 : i32
      %mul3A_12 = arith.constant 768 : i32
      %mul3A_13 = arith.muli %add3A_11, %mul3A_12 : i32
      %dma_start3A = tpu.memref_slice %arg5[%mul3A_13] : memref<3072xi32, #tpu.memory_space<vmem>> -> memref<768xi32, #tpu.memory_space<vmem>>
      %dma_start3A_14 = arith.constant 0 : i32
      %dma_start3A_15 = arith.constant 0 : i32
      %dma_start3A_16 = tpu.memref_slice %arg2[%dma_start3A_14, %dma_start3A_15] : memref<16384x128xf32, #tpu.memory_space<hbm>> -> memref<16384x128xf32, #tpu.memory_space<hbm>>
      tpu.enqueue_indirect_dma source(%dma_start3A_16 : memref<16384x128xf32, #tpu.memory_space<hbm>>) target(%arg6 : memref<768x128xf32, #tpu.memory_space<vmem>>) offsets(%dma_start3A : memref<768xi32, #tpu.memory_space<vmem>>) semaphore(%arg7 : memref<!tpu.dma_semaphore, #tpu.memory_space<semaphore_mem>>)
      %dma_wait3A = tpu.memref_slice %arg5[%mul3A_13] : memref<3072xi32, #tpu.memory_space<vmem>> -> memref<768xi32, #tpu.memory_space<vmem>>
      %dma_wait3A_17 = arith.constant 0 : i32
      %dma_wait3A_18 = arith.constant 0 : i32
      %dma_wait3A_19 = tpu.memref_slice %arg2[%dma_wait3A_17, %dma_wait3A_18] : memref<16384x128xf32, #tpu.memory_space<hbm>> -> memref<16384x128xf32, #tpu.memory_space<hbm>>
      tpu.wait_indirect_dma semaphore(%arg7 : memref<!tpu.dma_semaphore, #tpu.memory_space<semaphore_mem>>) src(%dma_wait3A_19 : memref<16384x128xf32, #tpu.memory_space<hbm>>) dst(%arg6 : memref<768x128xf32, #tpu.memory_space<vmem>>)
      %add3A_20 = arith.addi %mul3A_2, %mul3A_13 : i32
      "tpu.region"() ({
        %run_scoped3A = tpu.sem_alloc : memref<!tpu.dma_semaphore, #tpu.memory_space<semaphore_mem>>
        %dma_start3A_21 = arith.constant 0 : i32
        %dma_start3A_22 = tpu.memref_slice %arg4[%add3A_20, %dma_start3A_21] : memref<98304x128xf32, #tpu.memory_space<hbm>> -> memref<768x128xf32, #tpu.memory_space<hbm>>
        %dma_start3A_23 = arith.constant 0 : i32
        %dma_start3A_24 = tpu.memref_slice %arg4[%add3A_20, %dma_start3A_23] : memref<98304x128xf32, #tpu.memory_space<hbm>> -> memref<768x128xf32, #tpu.memory_space<hbm>>
        tpu.enqueue_dma source(%arg6 : memref<768x128xf32, #tpu.memory_space<vmem>>) target(%dma_start3A_24 : memref<768x128xf32, #tpu.memory_space<hbm>>) target_semaphore(%run_scoped3A : memref<!tpu.dma_semaphore, #tpu.memory_space<semaphore_mem>>)
        %dma_wait3A_25 = arith.constant 0 : i32
        %dma_wait3A_26 = tpu.memref_slice %arg4[%add3A_20, %dma_wait3A_25] : memref<98304x128xf32, #tpu.memory_space<hbm>> -> memref<768x128xf32, #tpu.memory_space<hbm>>
        %dma_wait3A_27 = arith.constant 0 : i32
        %dma_wait3A_28 = tpu.memref_slice %arg4[%add3A_20, %dma_wait3A_27] : memref<98304x128xf32, #tpu.memory_space<hbm>> -> memref<768x128xf32, #tpu.memory_space<hbm>>
        tpu.wait_dma2 semaphore(%run_scoped3A : memref<!tpu.dma_semaphore, #tpu.memory_space<semaphore_mem>>) src(%arg6 : memref<768x128xf32, #tpu.memory_space<vmem>>) dst(%dma_wait3A_28 : memref<768x128xf32, #tpu.memory_space<hbm>>)
        tpu.yield
      }) : () -> ()
    }
    %scan3A_6 = arith.constant 4 : i32
    return
  }
}

#map = affine_map<(d0, d1) -> (0, 0)>
#map1 = affine_map<(d0, d1) -> (0)>
module attributes {stable_mosaic.version = 14 : i64} {
  func.func @k(%arg0: i32, %arg1: i32, %arg2: memref<16384x128xf32, #tpu.memory_space<hbm>>, %arg3: memref<98304xi32, #tpu.memory_space<hbm>>, %arg4: memref<98304x128xf32, #tpu.memory_space<hbm>>, %arg5: memref<3072xi32, #tpu.memory_space<vmem>>, %arg6: memref<768x128xf32, #tpu.memory_space<vmem>>, %arg7: memref<!tpu.dma_semaphore, #tpu.memory_space<semaphore_mem>>) attributes {dimension_semantics = [#tpu.dimension_semantics<core_parallel>, #tpu.dimension_semantics<subcore_parallel>], iteration_bounds = array<i64: 2, 16>, scalar_prefetch = 0 : i64, scratch_operands = 3 : i64, tpu.core_type = #tpu.core_type<sc_vector_subcore>, window_params = [{transform_indices = #map}, {transform_indices = #map1}, {transform_indices = #map}]} {
    %mul3A = arith.constant 2 : i32
    %mul3A_0 = arith.muli %arg1, %mul3A : i32
    %add3A = arith.addi %mul3A_0, %arg0 : i32
    %mul3A_1 = arith.constant 3072 : i32
    %mul3A_2 = arith.muli %add3A, %mul3A_1 : i32
    "tpu.region"() ({
      %run_scoped3A = tpu.sem_alloc : memref<!tpu.dma_semaphore, #tpu.memory_space<semaphore_mem>>
      %dma_start3A = tpu.memref_slice %arg3[%mul3A_2] : memref<98304xi32, #tpu.memory_space<hbm>> -> memref<3072xi32, #tpu.memory_space<hbm>>
      %dma_start3A_7 = tpu.memref_slice %arg3[%mul3A_2] : memref<98304xi32, #tpu.memory_space<hbm>> -> memref<3072xi32, #tpu.memory_space<hbm>>
      tpu.enqueue_dma source(%dma_start3A_7 : memref<3072xi32, #tpu.memory_space<hbm>>) target(%arg5 : memref<3072xi32, #tpu.memory_space<vmem>>) target_semaphore(%run_scoped3A : memref<!tpu.dma_semaphore, #tpu.memory_space<semaphore_mem>>)
      %dma_wait3A = tpu.memref_slice %arg3[%mul3A_2] : memref<98304xi32, #tpu.memory_space<hbm>> -> memref<3072xi32, #tpu.memory_space<hbm>>
      %dma_wait3A_8 = tpu.memref_slice %arg3[%mul3A_2] : memref<98304xi32, #tpu.memory_space<hbm>> -> memref<3072xi32, #tpu.memory_space<hbm>>
      tpu.wait_dma2 semaphore(%run_scoped3A : memref<!tpu.dma_semaphore, #tpu.memory_space<semaphore_mem>>) src(%dma_wait3A_8 : memref<3072xi32, #tpu.memory_space<hbm>>) dst(%arg5 : memref<3072xi32, #tpu.memory_space<vmem>>)
      tpu.yield
    }) : () -> ()
    %scan3A = arith.constant 0 : i32
    %scan3A_3 = arith.constant 4 : i32
    %scan3A_4 = arith.addi %scan3A, %scan3A_3 : i32
    %scan3A_5 = arith.constant 1 : i32
    scf.for %scan3A_7 = %scan3A to %scan3A_4 step %scan3A_5  : i32 {
      %mul3A_8 = arith.constant 1 : i32
      %mul3A_9 = arith.muli %scan3A_7, %mul3A_8 : i32
      %add3A_10 = arith.constant 0 : i32
      %add3A_11 = arith.addi %add3A_10, %mul3A_9 : i32
      %mul3A_12 = arith.constant 768 : i32
      %mul3A_13 = arith.muli %add3A_11, %mul3A_12 : i32
      %dma_start3A = tpu.memref_slice %arg5[%mul3A_13] : memref<3072xi32, #tpu.memory_space<vmem>> -> memref<768xi32, #tpu.memory_space<vmem>>
      %dma_start3A_14 = arith.constant 0 : i32
      %dma_start3A_15 = arith.constant 0 : i32
      %dma_start3A_16 = tpu.memref_slice %arg2[%dma_start3A_14, %dma_start3A_15] : memref<16384x128xf32, #tpu.memory_space<hbm>> -> memref<16384x128xf32, #tpu.memory_space<hbm>>
      tpu.enqueue_indirect_dma source(%dma_start3A_16 : memref<16384x128xf32, #tpu.memory_space<hbm>>) target(%arg6 : memref<768x128xf32, #tpu.memory_space<vmem>>) offsets(%dma_start3A : memref<768xi32, #tpu.memory_space<vmem>>) semaphore(%arg7 : memref<!tpu.dma_semaphore, #tpu.memory_space<semaphore_mem>>)
      %dma_wait3A = tpu.memref_slice %arg5[%mul3A_13] : memref<3072xi32, #tpu.memory_space<vmem>> -> memref<768xi32, #tpu.memory_space<vmem>>
      %dma_wait3A_17 = arith.constant 0 : i32
      %dma_wait3A_18 = arith.constant 0 : i32
      %dma_wait3A_19 = tpu.memref_slice %arg2[%dma_wait3A_17, %dma_wait3A_18] : memref<16384x128xf32, #tpu.memory_space<hbm>> -> memref<16384x128xf32, #tpu.memory_space<hbm>>
      tpu.wait_indirect_dma semaphore(%arg7 : memref<!tpu.dma_semaphore, #tpu.memory_space<semaphore_mem>>) src(%dma_wait3A_19 : memref<16384x128xf32, #tpu.memory_space<hbm>>) dst(%arg6 : memref<768x128xf32, #tpu.memory_space<vmem>>)
      %add3A_20 = arith.addi %mul3A_2, %mul3A_13 : i32
      "tpu.region"() ({
        %run_scoped3A = tpu.sem_alloc : memref<!tpu.dma_semaphore, #tpu.memory_space<semaphore_mem>>
        %dma_start3A_21 = arith.constant 0 : i32
        %dma_start3A_22 = tpu.memref_slice %arg4[%add3A_20, %dma_start3A_21] : memref<98304x128xf32, #tpu.memory_space<hbm>> -> memref<768x128xf32, #tpu.memory_space<hbm>>
        %dma_start3A_23 = arith.constant 0 : i32
        %dma_start3A_24 = tpu.memref_slice %arg4[%add3A_20, %dma_start3A_23] : memref<98304x128xf32, #tpu.memory_space<hbm>> -> memref<768x128xf32, #tpu.memory_space<hbm>>
        tpu.enqueue_dma source(%arg6 : memref<768x128xf32, #tpu.memory_space<vmem>>) target(%dma_start3A_24 : memref<768x128xf32, #tpu.memory_space<hbm>>) target_semaphore(%run_scoped3A : memref<!tpu.dma_semaphore, #tpu.memory_space<semaphore_mem>>)
        %dma_wait3A_25 = arith.constant 0 : i32
        %dma_wait3A_26 = tpu.memref_slice %arg4[%add3A_20, %dma_wait3A_25] : memref<98304x128xf32, #tpu.memory_space<hbm>> -> memref<768x128xf32, #tpu.memory_space<hbm>>
        %dma_wait3A_27 = arith.constant 0 : i32
        %dma_wait3A_28 = tpu.memref_slice %arg4[%add3A_20, %dma_wait3A_27] : memref<98304x128xf32, #tpu.memory_space<hbm>> -> memref<768x128xf32, #tpu.memory_space<hbm>>
        tpu.wait_dma2 semaphore(%run_scoped3A : memref<!tpu.dma_semaphore, #tpu.memory_space<semaphore_mem>>) src(%arg6 : memref<768x128xf32, #tpu.memory_space<vmem>>) dst(%dma_wait3A_28 : memref<768x128xf32, #tpu.memory_space<hbm>>)
        tpu.yield
      }) : () -> ()
    }
    %scan3A_6 = arith.constant 4 : i32
    return
  }
}

#map = affine_map<(d0, d1) -> (0, 0)>
#map1 = affine_map<(d0, d1) -> (0)>
module attributes {stable_mosaic.version = 14 : i64} {
  func.func @k(%arg0: i32, %arg1: i32, %arg2: memref<16384x128xf32, #tpu.memory_space<hbm>>, %arg3: memref<98304xi32, #tpu.memory_space<hbm>>, %arg4: memref<98304x128xf32, #tpu.memory_space<hbm>>, %arg5: memref<3072xi32, #tpu.memory_space<vmem>>, %arg6: memref<768x128xf32, #tpu.memory_space<vmem>>, %arg7: memref<!tpu.dma_semaphore, #tpu.memory_space<semaphore_mem>>) attributes {dimension_semantics = [#tpu.dimension_semantics<core_parallel>, #tpu.dimension_semantics<subcore_parallel>], iteration_bounds = array<i64: 2, 16>, scalar_prefetch = 0 : i64, scratch_operands = 3 : i64, tpu.core_type = #tpu.core_type<sc_vector_subcore>, window_params = [{transform_indices = #map}, {transform_indices = #map1}, {transform_indices = #map}]} {
    %mul3A = arith.constant 2 : i32
    %mul3A_0 = arith.muli %arg1, %mul3A : i32
    %add3A = arith.addi %mul3A_0, %arg0 : i32
    %mul3A_1 = arith.constant 3072 : i32
    %mul3A_2 = arith.muli %add3A, %mul3A_1 : i32
    "tpu.region"() ({
      %run_scoped3A = tpu.sem_alloc : memref<!tpu.dma_semaphore, #tpu.memory_space<semaphore_mem>>
      %dma_start3A = tpu.memref_slice %arg3[%mul3A_2] : memref<98304xi32, #tpu.memory_space<hbm>> -> memref<3072xi32, #tpu.memory_space<hbm>>
      %dma_start3A_7 = tpu.memref_slice %arg3[%mul3A_2] : memref<98304xi32, #tpu.memory_space<hbm>> -> memref<3072xi32, #tpu.memory_space<hbm>>
      tpu.enqueue_dma source(%dma_start3A_7 : memref<3072xi32, #tpu.memory_space<hbm>>) target(%arg5 : memref<3072xi32, #tpu.memory_space<vmem>>) target_semaphore(%run_scoped3A : memref<!tpu.dma_semaphore, #tpu.memory_space<semaphore_mem>>)
      %dma_wait3A = tpu.memref_slice %arg3[%mul3A_2] : memref<98304xi32, #tpu.memory_space<hbm>> -> memref<3072xi32, #tpu.memory_space<hbm>>
      %dma_wait3A_8 = tpu.memref_slice %arg3[%mul3A_2] : memref<98304xi32, #tpu.memory_space<hbm>> -> memref<3072xi32, #tpu.memory_space<hbm>>
      tpu.wait_dma2 semaphore(%run_scoped3A : memref<!tpu.dma_semaphore, #tpu.memory_space<semaphore_mem>>) src(%dma_wait3A_8 : memref<3072xi32, #tpu.memory_space<hbm>>) dst(%arg5 : memref<3072xi32, #tpu.memory_space<vmem>>)
      tpu.yield
    }) : () -> ()
    %scan3A = arith.constant 0 : i32
    %scan3A_3 = arith.constant 4 : i32
    %scan3A_4 = arith.addi %scan3A, %scan3A_3 : i32
    %scan3A_5 = arith.constant 1 : i32
    scf.for %scan3A_7 = %scan3A to %scan3A_4 step %scan3A_5  : i32 {
      %mul3A_8 = arith.constant 1 : i32
      %mul3A_9 = arith.muli %scan3A_7, %mul3A_8 : i32
      %add3A_10 = arith.constant 0 : i32
      %add3A_11 = arith.addi %add3A_10, %mul3A_9 : i32
      %mul3A_12 = arith.constant 768 : i32
      %mul3A_13 = arith.muli %add3A_11, %mul3A_12 : i32
      %dma_start3A = tpu.memref_slice %arg5[%mul3A_13] : memref<3072xi32, #tpu.memory_space<vmem>> -> memref<768xi32, #tpu.memory_space<vmem>>
      %dma_start3A_14 = arith.constant 0 : i32
      %dma_start3A_15 = arith.constant 0 : i32
      %dma_start3A_16 = tpu.memref_slice %arg2[%dma_start3A_14, %dma_start3A_15] : memref<16384x128xf32, #tpu.memory_space<hbm>> -> memref<16384x128xf32, #tpu.memory_space<hbm>>
      tpu.enqueue_indirect_dma source(%dma_start3A_16 : memref<16384x128xf32, #tpu.memory_space<hbm>>) target(%arg6 : memref<768x128xf32, #tpu.memory_space<vmem>>) offsets(%dma_start3A : memref<768xi32, #tpu.memory_space<vmem>>) semaphore(%arg7 : memref<!tpu.dma_semaphore, #tpu.memory_space<semaphore_mem>>)
      %dma_wait3A = tpu.memref_slice %arg5[%mul3A_13] : memref<3072xi32, #tpu.memory_space<vmem>> -> memref<768xi32, #tpu.memory_space<vmem>>
      %dma_wait3A_17 = arith.constant 0 : i32
      %dma_wait3A_18 = arith.constant 0 : i32
      %dma_wait3A_19 = tpu.memref_slice %arg2[%dma_wait3A_17, %dma_wait3A_18] : memref<16384x128xf32, #tpu.memory_space<hbm>> -> memref<16384x128xf32, #tpu.memory_space<hbm>>
      tpu.wait_indirect_dma semaphore(%arg7 : memref<!tpu.dma_semaphore, #tpu.memory_space<semaphore_mem>>) src(%dma_wait3A_19 : memref<16384x128xf32, #tpu.memory_space<hbm>>) dst(%arg6 : memref<768x128xf32, #tpu.memory_space<vmem>>)
      %add3A_20 = arith.addi %mul3A_2, %mul3A_13 : i32
      "tpu.region"() ({
        %run_scoped3A = tpu.sem_alloc : memref<!tpu.dma_semaphore, #tpu.memory_space<semaphore_mem>>
        %dma_start3A_21 = arith.constant 0 : i32
        %dma_start3A_22 = tpu.memref_slice %arg4[%add3A_20, %dma_start3A_21] : memref<98304x128xf32, #tpu.memory_space<hbm>> -> memref<768x128xf32, #tpu.memory_space<hbm>>
        %dma_start3A_23 = arith.constant 0 : i32
        %dma_start3A_24 = tpu.memref_slice %arg4[%add3A_20, %dma_start3A_23] : memref<98304x128xf32, #tpu.memory_space<hbm>> -> memref<768x128xf32, #tpu.memory_space<hbm>>
        tpu.enqueue_dma source(%arg6 : memref<768x128xf32, #tpu.memory_space<vmem>>) target(%dma_start3A_24 : memref<768x128xf32, #tpu.memory_space<hbm>>) target_semaphore(%run_scoped3A : memref<!tpu.dma_semaphore, #tpu.memory_space<semaphore_mem>>)
        %dma_wait3A_25 = arith.constant 0 : i32
        %dma_wait3A_26 = tpu.memref_slice %arg4[%add3A_20, %dma_wait3A_25] : memref<98304x128xf32, #tpu.memory_space<hbm>> -> memref<768x128xf32, #tpu.memory_space<hbm>>
        %dma_wait3A_27 = arith.constant 0 : i32
        %dma_wait3A_28 = tpu.memref_slice %arg4[%add3A_20, %dma_wait3A_27] : memref<98304x128xf32, #tpu.memory_space<hbm>> -> memref<768x128xf32, #tpu.memory_space<hbm>>
        tpu.wait_dma2 semaphore(%run_scoped3A : memref<!tpu.dma_semaphore, #tpu.memory_space<semaphore_mem>>) src(%arg6 : memref<768x128xf32, #tpu.memory_space<vmem>>) dst(%dma_wait3A_28 : memref<768x128xf32, #tpu.memory_space<hbm>>)
        tpu.yield
      }) : () -> ()
    }
    %scan3A_6 = arith.constant 4 : i32
    return
  }
}

#map = affine_map<(d0, d1) -> (0, 0)>
#map1 = affine_map<(d0, d1) -> (0)>
module attributes {stable_mosaic.version = 14 : i64} {
  func.func @k(%arg0: i32, %arg1: i32, %arg2: memref<16384x128xf32, #tpu.memory_space<hbm>>, %arg3: memref<98304xi32, #tpu.memory_space<hbm>>, %arg4: memref<98304x128xf32, #tpu.memory_space<hbm>>, %arg5: memref<3072xi32, #tpu.memory_space<vmem>>, %arg6: memref<768x128xf32, #tpu.memory_space<vmem>>, %arg7: memref<!tpu.dma_semaphore, #tpu.memory_space<semaphore_mem>>) attributes {dimension_semantics = [#tpu.dimension_semantics<core_parallel>, #tpu.dimension_semantics<subcore_parallel>], iteration_bounds = array<i64: 2, 16>, scalar_prefetch = 0 : i64, scratch_operands = 3 : i64, tpu.core_type = #tpu.core_type<sc_vector_subcore>, window_params = [{transform_indices = #map}, {transform_indices = #map1}, {transform_indices = #map}]} {
    %mul3A = arith.constant 2 : i32
    %mul3A_0 = arith.muli %arg1, %mul3A : i32
    %add3A = arith.addi %mul3A_0, %arg0 : i32
    %mul3A_1 = arith.constant 3072 : i32
    %mul3A_2 = arith.muli %add3A, %mul3A_1 : i32
    "tpu.region"() ({
      %run_scoped3A = tpu.sem_alloc : memref<!tpu.dma_semaphore, #tpu.memory_space<semaphore_mem>>
      %dma_start3A = tpu.memref_slice %arg3[%mul3A_2] : memref<98304xi32, #tpu.memory_space<hbm>> -> memref<3072xi32, #tpu.memory_space<hbm>>
      %dma_start3A_7 = tpu.memref_slice %arg3[%mul3A_2] : memref<98304xi32, #tpu.memory_space<hbm>> -> memref<3072xi32, #tpu.memory_space<hbm>>
      tpu.enqueue_dma source(%dma_start3A_7 : memref<3072xi32, #tpu.memory_space<hbm>>) target(%arg5 : memref<3072xi32, #tpu.memory_space<vmem>>) target_semaphore(%run_scoped3A : memref<!tpu.dma_semaphore, #tpu.memory_space<semaphore_mem>>)
      %dma_wait3A = tpu.memref_slice %arg3[%mul3A_2] : memref<98304xi32, #tpu.memory_space<hbm>> -> memref<3072xi32, #tpu.memory_space<hbm>>
      %dma_wait3A_8 = tpu.memref_slice %arg3[%mul3A_2] : memref<98304xi32, #tpu.memory_space<hbm>> -> memref<3072xi32, #tpu.memory_space<hbm>>
      tpu.wait_dma2 semaphore(%run_scoped3A : memref<!tpu.dma_semaphore, #tpu.memory_space<semaphore_mem>>) src(%dma_wait3A_8 : memref<3072xi32, #tpu.memory_space<hbm>>) dst(%arg5 : memref<3072xi32, #tpu.memory_space<vmem>>)
      tpu.yield
    }) : () -> ()
    %scan3A = arith.constant 0 : i32
    %scan3A_3 = arith.constant 4 : i32
    %scan3A_4 = arith.addi %scan3A, %scan3A_3 : i32
    %scan3A_5 = arith.constant 1 : i32
    scf.for %scan3A_7 = %scan3A to %scan3A_4 step %scan3A_5  : i32 {
      %mul3A_8 = arith.constant 1 : i32
      %mul3A_9 = arith.muli %scan3A_7, %mul3A_8 : i32
      %add3A_10 = arith.constant 0 : i32
      %add3A_11 = arith.addi %add3A_10, %mul3A_9 : i32
      %mul3A_12 = arith.constant 768 : i32
      %mul3A_13 = arith.muli %add3A_11, %mul3A_12 : i32
      %dma_start3A = tpu.memref_slice %arg5[%mul3A_13] : memref<3072xi32, #tpu.memory_space<vmem>> -> memref<768xi32, #tpu.memory_space<vmem>>
      %dma_start3A_14 = arith.constant 0 : i32
      %dma_start3A_15 = arith.constant 0 : i32
      %dma_start3A_16 = tpu.memref_slice %arg2[%dma_start3A_14, %dma_start3A_15] : memref<16384x128xf32, #tpu.memory_space<hbm>> -> memref<16384x128xf32, #tpu.memory_space<hbm>>
      tpu.enqueue_indirect_dma source(%dma_start3A_16 : memref<16384x128xf32, #tpu.memory_space<hbm>>) target(%arg6 : memref<768x128xf32, #tpu.memory_space<vmem>>) offsets(%dma_start3A : memref<768xi32, #tpu.memory_space<vmem>>) semaphore(%arg7 : memref<!tpu.dma_semaphore, #tpu.memory_space<semaphore_mem>>)
      %dma_wait3A = tpu.memref_slice %arg5[%mul3A_13] : memref<3072xi32, #tpu.memory_space<vmem>> -> memref<768xi32, #tpu.memory_space<vmem>>
      %dma_wait3A_17 = arith.constant 0 : i32
      %dma_wait3A_18 = arith.constant 0 : i32
      %dma_wait3A_19 = tpu.memref_slice %arg2[%dma_wait3A_17, %dma_wait3A_18] : memref<16384x128xf32, #tpu.memory_space<hbm>> -> memref<16384x128xf32, #tpu.memory_space<hbm>>
      tpu.wait_indirect_dma semaphore(%arg7 : memref<!tpu.dma_semaphore, #tpu.memory_space<semaphore_mem>>) src(%dma_wait3A_19 : memref<16384x128xf32, #tpu.memory_space<hbm>>) dst(%arg6 : memref<768x128xf32, #tpu.memory_space<vmem>>)
      %add3A_20 = arith.addi %mul3A_2, %mul3A_13 : i32
      "tpu.region"() ({
        %run_scoped3A = tpu.sem_alloc : memref<!tpu.dma_semaphore, #tpu.memory_space<semaphore_mem>>
        %dma_start3A_21 = arith.constant 0 : i32
        %dma_start3A_22 = tpu.memref_slice %arg4[%add3A_20, %dma_start3A_21] : memref<98304x128xf32, #tpu.memory_space<hbm>> -> memref<768x128xf32, #tpu.memory_space<hbm>>
        %dma_start3A_23 = arith.constant 0 : i32
        %dma_start3A_24 = tpu.memref_slice %arg4[%add3A_20, %dma_start3A_23] : memref<98304x128xf32, #tpu.memory_space<hbm>> -> memref<768x128xf32, #tpu.memory_space<hbm>>
        tpu.enqueue_dma source(%arg6 : memref<768x128xf32, #tpu.memory_space<vmem>>) target(%dma_start3A_24 : memref<768x128xf32, #tpu.memory_space<hbm>>) target_semaphore(%run_scoped3A : memref<!tpu.dma_semaphore, #tpu.memory_space<semaphore_mem>>)
        %dma_wait3A_25 = arith.constant 0 : i32
        %dma_wait3A_26 = tpu.memref_slice %arg4[%add3A_20, %dma_wait3A_25] : memref<98304x128xf32, #tpu.memory_space<hbm>> -> memref<768x128xf32, #tpu.memory_space<hbm>>
        %dma_wait3A_27 = arith.constant 0 : i32
        %dma_wait3A_28 = tpu.memref_slice %arg4[%add3A_20, %dma_wait3A_27] : memref<98304x128xf32, #tpu.memory_space<hbm>> -> memref<768x128xf32, #tpu.memory_space<hbm>>
        tpu.wait_dma2 semaphore(%run_scoped3A : memref<!tpu.dma_semaphore, #tpu.memory_space<semaphore_mem>>) src(%arg6 : memref<768x128xf32, #tpu.memory_space<vmem>>) dst(%dma_wait3A_28 : memref<768x128xf32, #tpu.memory_space<hbm>>)
        tpu.yield
      }) : () -> ()
    }
    %scan3A_6 = arith.constant 4 : i32
    return
  }
}

module attributes {stable_mosaic.version = 14 : i64} {
  func.func @_init_kernel(%arg0: i32, %arg1: memref<2048x1369xf32, #tpu.memory_space<vmem>>, %arg2: memref<1x1369x384xf32, #tpu.memory_space<vmem>>, %arg3: memref<384x256xf32, #tpu.memory_space<vmem>>, %arg4: memref<1x256xf32, #tpu.memory_space<vmem>>, %arg5: memref<256x128xf32, #tpu.memory_space<vmem>>, %arg6: memref<1x128xf32, #tpu.memory_space<vmem>>, %arg7: memref<128x16xf32, #tpu.memory_space<vmem>>, %arg8: memref<1x16xf32, #tpu.memory_space<vmem>>, %arg9: memref<1x2048x16xf32, #tpu.memory_space<vmem>>) attributes {dimension_semantics = [#tpu.dimension_semantics<parallel>], iteration_bounds = array<i64: 8>, scalar_prefetch = 0 : i64, scratch_operands = 0 : i64, tpu.core_type = #tpu.core_type<tc>, window_params = [{pipeline_mode = #tpu.pipeline_mode<synchronous>, transform_indices = @transform_0, window_bounds = array<i64: 2048, 1369>}, {transform_indices = @transform_1, window_bounds = array<i64: 1, 1369, 384>}, {pipeline_mode = #tpu.pipeline_mode<synchronous>, transform_indices = @transform_2, window_bounds = array<i64: 384, 256>}, {pipeline_mode = #tpu.pipeline_mode<synchronous>, transform_indices = @transform_3, window_bounds = array<i64: 1, 256>}, {pipeline_mode = #tpu.pipeline_mode<synchronous>, transform_indices = @transform_4, window_bounds = array<i64: 256, 128>}, {pipeline_mode = #tpu.pipeline_mode<synchronous>, transform_indices = @transform_5, window_bounds = array<i64: 1, 128>}, {pipeline_mode = #tpu.pipeline_mode<synchronous>, transform_indices = @transform_6, window_bounds = array<i64: 128, 16>}, {pipeline_mode = #tpu.pipeline_mode<synchronous>, transform_indices = @transform_7, window_bounds = array<i64: 1, 16>}, {transform_indices = @transform_8, window_bounds = array<i64: 1, 2048, 16>}]} {
    %get3A = arith.constant 0 : index
    %get3A_0 = arith.constant 0 : index
    %get3A_1 = vector.load %arg1[%get3A, %get3A_0] : memref<2048x1369xf32, #tpu.memory_space<vmem>>, vector<2048x1369xf32>
    %get3A_2 = arith.constant 0 : index
    %get3A_3 = arith.constant 0 : index
    %get3A_4 = arith.constant 0 : index
    %get3A_5 = vector.load %arg2[%get3A_2, %get3A_3, %get3A_4] : memref<1x1369x384xf32, #tpu.memory_space<vmem>>, vector<1x1369x384xf32>
    %get3A_6 = vector.shape_cast %get3A_5 : vector<1x1369x384xf32> to vector<1369x384xf32>
    %dot_general3A = arith.constant dense<0.000000e+00> : vector<2048x384xf32>
    %dot_general3A_7 = tpu.matmul %get3A_1, %get3A_6, %dot_general3A {dimension_numbers = #tpu.dot_dimension_numbers<[1], [0], [0], [1], [0, 0, 1, 1], [], []>, precision = #tpu.contract_precision<fp32>, transpose_lhs_hint = false} : vector<2048x1369xf32>, vector<1369x384xf32>, vector<2048x384xf32> -> vector<2048x384xf32>
    %get3A_8 = arith.constant 0 : index
    %get3A_9 = arith.constant 0 : index
    %get3A_10 = vector.load %arg3[%get3A_8, %get3A_9] : memref<384x256xf32, #tpu.memory_space<vmem>>, vector<384x256xf32>
    %dot_general3A_11 = arith.constant dense<0.000000e+00> : vector<2048x256xf32>
    %dot_general3A_12 = tpu.matmul %dot_general3A_7, %get3A_10, %dot_general3A_11 {dimension_numbers = #tpu.dot_dimension_numbers<[1], [0], [0], [1], [0, 0, 1, 1], [], []>, transpose_lhs_hint = false} : vector<2048x384xf32>, vector<384x256xf32>, vector<2048x256xf32> -> vector<2048x256xf32>
    %get3A_13 = arith.constant 0 : index
    %get3A_14 = arith.constant 0 : index
    %get3A_15 = vector.load %arg4[%get3A_13, %get3A_14] : memref<1x256xf32, #tpu.memory_space<vmem>>, vector<1x256xf32>
    %add3A = vector.broadcast %get3A_15 : vector<1x256xf32> to vector<2048x256xf32>
    %add3A_16 = arith.addf %dot_general3A_12, %add3A : vector<2048x256xf32>
    %max3A = arith.constant 0.000000e+00 : f32
    %max3A_17 = vector.broadcast %max3A : f32 to vector<2048x256xf32>
    %max3A_18 = arith.maximumf %add3A_16, %max3A_17 : vector<2048x256xf32>
    %get3A_19 = arith.constant 0 : index
    %get3A_20 = arith.constant 0 : index
    %get3A_21 = vector.load %arg5[%get3A_19, %get3A_20] : memref<256x128xf32, #tpu.memory_space<vmem>>, vector<256x128xf32>
    %dot_general3A_22 = arith.constant dense<0.000000e+00> : vector<2048x128xf32>
    %dot_general3A_23 = tpu.matmul %max3A_18, %get3A_21, %dot_general3A_22 {dimension_numbers = #tpu.dot_dimension_numbers<[1], [0], [0], [1], [0, 0, 1, 1], [], []>, transpose_lhs_hint = false} : vector<2048x256xf32>, vector<256x128xf32>, vector<2048x128xf32> -> vector<2048x128xf32>
    %get3A_24 = arith.constant 0 : index
    %get3A_25 = arith.constant 0 : index
    %get3A_26 = vector.load %arg6[%get3A_24, %get3A_25] : memref<1x128xf32, #tpu.memory_space<vmem>>, vector<1x128xf32>
    %add3A_27 = vector.broadcast %get3A_26 : vector<1x128xf32> to vector<2048x128xf32>
    %add3A_28 = arith.addf %dot_general3A_23, %add3A_27 : vector<2048x128xf32>
    %max3A_29 = arith.constant 0.000000e+00 : f32
    %max3A_30 = vector.broadcast %max3A_29 : f32 to vector<2048x128xf32>
    %max3A_31 = arith.maximumf %add3A_28, %max3A_30 : vector<2048x128xf32>
    %get3A_32 = arith.constant 0 : index
    %get3A_33 = arith.constant 0 : index
    %get3A_34 = vector.load %arg7[%get3A_32, %get3A_33] : memref<128x16xf32, #tpu.memory_space<vmem>>, vector<128x16xf32>
    %dot_general3A_35 = arith.constant dense<0.000000e+00> : vector<2048x16xf32>
    %dot_general3A_36 = tpu.matmul %max3A_31, %get3A_34, %dot_general3A_35 {dimension_numbers = #tpu.dot_dimension_numbers<[1], [0], [0], [1], [0, 0, 1, 1], [], []>, transpose_lhs_hint = false} : vector<2048x128xf32>, vector<128x16xf32>, vector<2048x16xf32> -> vector<2048x16xf32>
    %get3A_37 = arith.constant 0 : index
    %get3A_38 = arith.constant 0 : index
    %get3A_39 = vector.load %arg8[%get3A_37, %get3A_38] : memref<1x16xf32, #tpu.memory_space<vmem>>, vector<1x16xf32>
    %add3A_40 = vector.broadcast %get3A_39 : vector<1x16xf32> to vector<2048x16xf32>
    %add3A_41 = arith.addf %dot_general3A_36, %add3A_40 : vector<2048x16xf32>
    %swap3A = arith.constant 0 : index
    %swap3A_42 = arith.constant 0 : index
    %swap3A_43 = arith.constant 0 : index
    %swap3A_44 = vector.load %arg9[%swap3A, %swap3A_42, %swap3A_43] : memref<1x2048x16xf32, #tpu.memory_space<vmem>>, vector<1x2048x16xf32>
    %swap3A_45 = vector.shape_cast %swap3A_44 : vector<1x2048x16xf32> to vector<2048x16xf32>
    %swap3A_46 = vector.shape_cast %add3A_41 : vector<2048x16xf32> to vector<1x2048x16xf32>
    tpu.vector_store %arg9[%swap3A, %swap3A_42, %swap3A_43], %swap3A_46 {strides = array<i32>} : memref<1x2048x16xf32, #tpu.memory_space<vmem>>, vector<1x2048x16xf32>,
    return
  }
  func.func @transform_0(%arg0: i32) -> (i32, i32) {
    %c0_i32 = arith.constant 0 : i32
    %c0_i32_0 = arith.constant 0 : i32
    %c0_i32_1 = arith.constant 0 : i32
    return %c0_i32, %c0_i32_0 : i32, i32
  }
  func.func @transform_1(%arg0: i32) -> (i32, i32, i32) {
    %c0_i32 = arith.constant 0 : i32
    %c0_i32_0 = arith.constant 0 : i32
    %c0_i32_1 = arith.constant 0 : i32
    return %arg0, %c0_i32, %c0_i32_0 : i32, i32, i32
  }
  func.func @transform_2(%arg0: i32) -> (i32, i32) {
    %c0_i32 = arith.constant 0 : i32
    %c0_i32_0 = arith.constant 0 : i32
    %c0_i32_1 = arith.constant 0 : i32
    return %c0_i32, %c0_i32_0 : i32, i32
  }
  func.func @transform_3(%arg0: i32) -> (i32, i32) {
    %c0_i32 = arith.constant 0 : i32
    %c0_i32_0 = arith.constant 0 : i32
    %c0_i32_1 = arith.constant 0 : i32
    return %c0_i32, %c0_i32_0 : i32, i32
  }
  func.func @transform_4(%arg0: i32) -> (i32, i32) {
    %c0_i32 = arith.constant 0 : i32
    %c0_i32_0 = arith.constant 0 : i32
    %c0_i32_1 = arith.constant 0 : i32
    return %c0_i32, %c0_i32_0 : i32, i32
  }
  func.func @transform_5(%arg0: i32) -> (i32, i32) {
    %c0_i32 = arith.constant 0 : i32
    %c0_i32_0 = arith.constant 0 : i32
    %c0_i32_1 = arith.constant 0 : i32
    return %c0_i32, %c0_i32_0 : i32, i32
  }
  func.func @transform_6(%arg0: i32) -> (i32, i32) {
    %c0_i32 = arith.constant 0 : i32
    %c0_i32_0 = arith.constant 0 : i32
    %c0_i32_1 = arith.constant 0 : i32
    return %c0_i32, %c0_i32_0 : i32, i32
  }
  func.func @transform_7(%arg0: i32) -> (i32, i32) {
    %c0_i32 = arith.constant 0 : i32
    %c0_i32_0 = arith.constant 0 : i32
    %c0_i32_1 = arith.constant 0 : i32
    return %c0_i32, %c0_i32_0 : i32, i32
  }
  func.func @transform_8(%arg0: i32) -> (i32, i32, i32) {
    %c0_i32 = arith.constant 0 : i32
    %c0_i32_0 = arith.constant 0 : i32
    %c0_i32_1 = arith.constant 0 : i32
    return %arg0, %c0_i32, %c0_i32_0 : i32, i32, i32
  }
}

module attributes {stable_mosaic.version = 14 : i64} {
  func.func @_topk_kernel(%arg0: i32, %arg1: i32, %arg2: memref<1x512x16xf32, #tpu.memory_space<vmem>>, %arg3: memref<1x16x2048xf32, #tpu.memory_space<vmem>>, %arg4: memref<1x512x8xi32, #tpu.memory_space<vmem>>) attributes {dimension_semantics = [#tpu.dimension_semantics<parallel>, #tpu.dimension_semantics<parallel>], iteration_bounds = array<i64: 8, 4>, scalar_prefetch = 0 : i64, scratch_operands = 0 : i64, tpu.core_type = #tpu.core_type<tc>, window_params = [{transform_indices = @transform_0, window_bounds = array<i64: 1, 512, 16>}, {transform_indices = @transform_1, window_bounds = array<i64: 1, 16, 2048>}, {transform_indices = @transform_2, window_bounds = array<i64: 1, 512, 8>}]} {
    %get3A = arith.constant 0 : index
    %get3A_0 = arith.constant 0 : index
    %get3A_1 = arith.constant 0 : index
    %get3A_2 = vector.load %arg2[%get3A, %get3A_0, %get3A_1] : memref<1x512x16xf32, #tpu.memory_space<vmem>>, vector<1x512x16xf32>
    %get3A_3 = vector.shape_cast %get3A_2 : vector<1x512x16xf32> to vector<512x16xf32>
    %get3A_4 = arith.constant 0 : index
    %get3A_5 = arith.constant 0 : index
    %get3A_6 = arith.constant 0 : index
    %get3A_7 = vector.load %arg3[%get3A_4, %get3A_5, %get3A_6] : memref<1x16x2048xf32, #tpu.memory_space<vmem>>, vector<1x16x2048xf32>
    %get3A_8 = vector.shape_cast %get3A_7 : vector<1x16x2048xf32> to vector<16x2048xf32>
    %iota3A = tpu.iota {dimensions = array<i32: 1>} : vector<512x16xi32>
    %lt3A = arith.constant 3 : i32
    %lt3A_9 = vector.broadcast %lt3A : i32 to vector<512x16xi32>
    %lt3A_10 = arith.cmpi slt, %iota3A, %lt3A_9 : vector<512x16xi32>
    %jit3A = arith.constant 0.000000e+00 : f32
    %broadcast_in_dim3A = vector.broadcast %jit3A : f32 to vector<512x16xf32>
    %select_n3A = arith.select %lt3A_10, %get3A_3, %broadcast_in_dim3A : vector<512x16xi1>, vector<512x16xf32>
    %iota3A_11 = tpu.iota {dimensions = array<i32: 0>} : vector<16x2048xi32>
    %lt3A_12 = arith.constant 3 : i32
    %lt3A_13 = vector.broadcast %lt3A_12 : i32 to vector<16x2048xi32>
    %lt3A_14 = arith.cmpi slt, %iota3A_11, %lt3A_13 : vector<16x2048xi32>
    %jit3A_15 = arith.constant 0.000000e+00 : f32
    %broadcast_in_dim3A_16 = vector.broadcast %jit3A_15 : f32 to vector<16x2048xf32>
    %select_n3A_17 = arith.select %lt3A_14, %get3A_8, %broadcast_in_dim3A_16 : vector<16x2048xi1>, vector<16x2048xf32>
    %slice3A = vector.extract_strided_slice %select_n3A {offsets = [0, 0], sizes = [512, 1], strides = [1, 1]} : vector<512x16xf32> to vector<512x1xf32>
    %slice3A_18 = vector.extract_strided_slice %select_n3A {offsets = [0, 1], sizes = [512, 1], strides = [1, 1]} : vector<512x16xf32> to vector<512x1xf32>
    %slice3A_19 = vector.extract_strided_slice %select_n3A {offsets = [0, 2], sizes = [512, 1], strides = [1, 1]} : vector<512x16xf32> to vector<512x1xf32>
    %slice3A_20 = vector.extract_strided_slice %select_n3A_17 {offsets = [0, 0], sizes = [1, 2048], strides = [1, 1]} : vector<16x2048xf32> to vector<1x2048xf32>
    %slice3A_21 = vector.extract_strided_slice %select_n3A_17 {offsets = [1, 0], sizes = [1, 2048], strides = [1, 1]} : vector<16x2048xf32> to vector<1x2048xf32>
    %slice3A_22 = vector.extract_strided_slice %select_n3A_17 {offsets = [2, 0], sizes = [1, 2048], strides = [1, 1]} : vector<16x2048xf32> to vector<1x2048xf32>
    %mul3A = arith.mulf %slice3A, %slice3A : vector<512x1xf32>
    %mul3A_23 = arith.mulf %slice3A_18, %slice3A_18 : vector<512x1xf32>
    %add3A = arith.addf %mul3A, %mul3A_23 : vector<512x1xf32>
    %mul3A_24 = arith.mulf %slice3A_19, %slice3A_19 : vector<512x1xf32>
    %add3A_25 = arith.addf %add3A, %mul3A_24 : vector<512x1xf32>
    %mul3A_26 = arith.mulf %slice3A_20, %slice3A_20 : vector<1x2048xf32>
    %mul3A_27 = arith.mulf %slice3A_21, %slice3A_21 : vector<1x2048xf32>
    %add3A_28 = arith.addf %mul3A_26, %mul3A_27 : vector<1x2048xf32>
    %mul3A_29 = arith.mulf %slice3A_22, %slice3A_22 : vector<1x2048xf32>
    %add3A_30 = arith.addf %add3A_28, %mul3A_29 : vector<1x2048xf32>
    %dot_general3A = arith.constant dense<0.000000e+00> : vector<512x2048xf32>
    %dot_general3A_31 = tpu.matmul %select_n3A, %select_n3A_17, %dot_general3A {dimension_numbers = #tpu.dot_dimension_numbers<[1], [0], [0], [1], [0, 0, 1, 1], [], []>, transpose_lhs_hint = false} : vector<512x16xf32>, vector<16x2048xf32>, vector<512x2048xf32> -> vector<512x2048xf32>
    %add3A_32 = vector.broadcast %add3A_25 : vector<512x1xf32> to vector<512x2048xf32>
    %add3A_33 = vector.broadcast %add3A_30 : vector<1x2048xf32> to vector<512x2048xf32>
    %add3A_34 = arith.addf %add3A_32, %add3A_33 : vector<512x2048xf32>
    %mul3A_35 = arith.constant 2.000000e+00 : f32
    %mul3A_36 = vector.broadcast %mul3A_35 : f32 to vector<512x2048xf32>
    %mul3A_37 = arith.mulf %mul3A_36, %dot_general3A_31 : vector<512x2048xf32>
    %sub3A = arith.subf %add3A_34, %mul3A_37 : vector<512x2048xf32>
    %iota3A_38 = tpu.iota {dimensions = array<i32: 1>} : vector<512x2048xi32>
    %convert_element_type3A = arith.sitofp %iota3A_38 : vector<512x2048xi32> to vector<512x2048xf32>
    %mul3A_39 = arith.constant 2048 : i32
    %mul3A_40 = arith.muli %arg0, %mul3A_39 : i32
    %reduce_min3A = arith.constant dense<0x7F800000> : vector<512xf32>
    %reduce_min3A_41 = vector.multi_reduction <minimumf>, %sub3A, %reduce_min3A [1] : vector<512x2048xf32> to vector<512xf32>
    %broadcast_in_dim3A_42 = vector.shape_cast %reduce_min3A_41 : vector<512xf32> to vector<512x1xf32>
    %eq3A = vector.broadcast %broadcast_in_dim3A_42 : vector<512x1xf32> to vector<512x2048xf32>
    %eq3A_43 = arith.cmpf oeq, %sub3A, %eq3A : vector<512x2048xf32>
    %jit3A_44 = arith.constant 2.048000e+03 : f32
    %broadcast_in_dim3A_45 = vector.broadcast %jit3A_44 : f32 to vector<512x2048xf32>
    %select_n3A_46 = arith.select %eq3A_43, %convert_element_type3A, %broadcast_in_dim3A_45 : vector<512x2048xi1>, vector<512x2048xf32>
    %reduce_min3A_47 = arith.constant dense<0x7F800000> : vector<512xf32>
    %reduce_min3A_48 = vector.multi_reduction <minimumf>, %select_n3A_46, %reduce_min3A_47 [1] : vector<512x2048xf32> to vector<512xf32>
    %broadcast_in_dim3A_49 = vector.shape_cast %reduce_min3A_48 : vector<512xf32> to vector<512x1xf32>
    %convert_element_type3A_50 = arith.fptosi %broadcast_in_dim3A_49 : vector<512x1xf32> to vector<512x1xi32>
    %add3A_51 = vector.broadcast %mul3A_40 : i32 to vector<512x1xi32>
    %add3A_52 = arith.addi %convert_element_type3A_50, %add3A_51 : vector<512x1xi32>
    %swap3A = arith.constant 0 : index
    %swap3A_53 = arith.constant 0 : index
    %swap3A_54 = arith.constant 6 : index
    %swap3A_55 = vector.load %arg4[%swap3A, %swap3A_53, %swap3A_54] : memref<1x512x8xi32, #tpu.memory_space<vmem>>, vector<1x512x1xi32>
    %swap3A_56 = vector.shape_cast %swap3A_55 : vector<1x512x1xi32> to vector<512x1xi32>
    %swap3A_57 = vector.shape_cast %add3A_52 : vector<512x1xi32> to vector<1x512x1xi32>
    tpu.vector_store %arg4[%swap3A, %swap3A_53, %swap3A_54], %swap3A_57 {strides = array<i32>} : memref<1x512x8xi32, #tpu.memory_space<vmem>>, vector<1x512x1xi32>,
    %eq3A_58 = vector.broadcast %broadcast_in_dim3A_49 : vector<512x1xf32> to vector<512x2048xf32>
    %eq3A_59 = arith.cmpf oeq, %convert_element_type3A, %eq3A_58 : vector<512x2048xf32>
    %jit3A_60 = arith.constant 0x7F800000 : f32
    %broadcast_in_dim3A_61 = vector.broadcast %jit3A_60 : f32 to vector<512x2048xf32>
    %select_n3A_62 = arith.select %eq3A_59, %broadcast_in_dim3A_61, %sub3A : vector<512x2048xi1>, vector<512x2048xf32>
    %reduce_min3A_63 = arith.constant dense<0x7F800000> : vector<512xf32>
    %reduce_min3A_64 = vector.multi_reduction <minimumf>, %select_n3A_62, %reduce_min3A_63 [1] : vector<512x2048xf32> to vector<512xf32>
    %broadcast_in_dim3A_65 = vector.shape_cast %reduce_min3A_64 : vector<512xf32> to vector<512x1xf32>
    %eq3A_66 = vector.broadcast %broadcast_in_dim3A_65 : vector<512x1xf32> to vector<512x2048xf32>
    %eq3A_67 = arith.cmpf oeq, %select_n3A_62, %eq3A_66 : vector<512x2048xf32>
    %jit3A_68 = arith.constant 2.048000e+03 : f32
    %broadcast_in_dim3A_69 = vector.broadcast %jit3A_68 : f32 to vector<512x2048xf32>
    %select_n3A_70 = arith.select %eq3A_67, %convert_element_type3A, %broadcast_in_dim3A_69 : vector<512x2048xi1>, vector<512x2048xf32>
    %reduce_min3A_71 = arith.constant dense<0x7F800000> : vector<512xf32>
    %reduce_min3A_72 = vector.multi_reduction <minimumf>, %select_n3A_70, %reduce_min3A_71 [1] : vector<512x2048xf32> to vector<512xf32>
    %broadcast_in_dim3A_73 = vector.shape_cast %reduce_min3A_72 : vector<512xf32> to vector<512x1xf32>
    %convert_element_type3A_74 = arith.fptosi %broadcast_in_dim3A_73 : vector<512x1xf32> to vector<512x1xi32>
    %add3A_75 = vector.broadcast %mul3A_40 : i32 to vector<512x1xi32>
    %add3A_76 = arith.addi %convert_element_type3A_74, %add3A_75 : vector<512x1xi32>
    %swap3A_77 = arith.constant 0 : index
    %swap3A_78 = arith.constant 0 : index
    %swap3A_79 = arith.constant 0 : index
    %swap3A_80 = vector.load %arg4[%swap3A_77, %swap3A_78, %swap3A_79] : memref<1x512x8xi32, #tpu.memory_space<vmem>>, vector<1x512x1xi32>
    %swap3A_81 = vector.shape_cast %swap3A_80 : vector<1x512x1xi32> to vector<512x1xi32>
    %swap3A_82 = vector.shape_cast %add3A_76 : vector<512x1xi32> to vector<1x512x1xi32>
    tpu.vector_store %arg4[%swap3A_77, %swap3A_78, %swap3A_79], %swap3A_82 {strides = array<i32>} : memref<1x512x8xi32, #tpu.memory_space<vmem>>, vector<1x512x1xi32>,
    %eq3A_83 = vector.broadcast %broadcast_in_dim3A_73 : vector<512x1xf32> to vector<512x2048xf32>
    %eq3A_84 = arith.cmpf oeq, %convert_element_type3A, %eq3A_83 : vector<512x2048xf32>
    %jit3A_85 = arith.constant 0x7F800000 : f32
    %broadcast_in_dim3A_86 = vector.broadcast %jit3A_85 : f32 to vector<512x2048xf32>
    %select_n3A_87 = arith.select %eq3A_84, %broadcast_in_dim3A_86, %select_n3A_62 : vector<512x2048xi1>, vector<512x2048xf32>
    %reduce_min3A_88 = arith.constant dense<0x7F800000> : vector<512xf32>
    %reduce_min3A_89 = vector.multi_reduction <minimumf>, %select_n3A_87, %reduce_min3A_88 [1] : vector<512x2048xf32> to vector<512xf32>
    %broadcast_in_dim3A_90 = vector.shape_cast %reduce_min3A_89 : vector<512xf32> to vector<512x1xf32>
    %eq3A_91 = vector.broadcast %broadcast_in_dim3A_90 : vector<512x1xf32> to vector<512x2048xf32>
    %eq3A_92 = arith.cmpf oeq, %select_n3A_87, %eq3A_91 : vector<512x2048xf32>
    %jit3A_93 = arith.constant 2.048000e+03 : f32
    %broadcast_in_dim3A_94 = vector.broadcast %jit3A_93 : f32 to vector<512x2048xf32>
    %select_n3A_95 = arith.select %eq3A_92, %convert_element_type3A, %broadcast_in_dim3A_94 : vector<512x2048xi1>, vector<512x2048xf32>
    %reduce_min3A_96 = arith.constant dense<0x7F800000> : vector<512xf32>
    %reduce_min3A_97 = vector.multi_reduction <minimumf>, %select_n3A_95, %reduce_min3A_96 [1] : vector<512x2048xf32> to vector<512xf32>
    %broadcast_in_dim3A_98 = vector.shape_cast %reduce_min3A_97 : vector<512xf32> to vector<512x1xf32>
    %convert_element_type3A_99 = arith.fptosi %broadcast_in_dim3A_98 : vector<512x1xf32> to vector<512x1xi32>
    %add3A_100 = vector.broadcast %mul3A_40 : i32 to vector<512x1xi32>
    %add3A_101 = arith.addi %convert_element_type3A_99, %add3A_100 : vector<512x1xi32>
    %swap3A_102 = arith.constant 0 : index
    %swap3A_103 = arith.constant 0 : index
    %swap3A_104 = arith.constant 1 : index
    %swap3A_105 = vector.load %arg4[%swap3A_102, %swap3A_103, %swap3A_104] : memref<1x512x8xi32, #tpu.memory_space<vmem>>, vector<1x512x1xi32>
    %swap3A_106 = vector.shape_cast %swap3A_105 : vector<1x512x1xi32> to vector<512x1xi32>
    %swap3A_107 = vector.shape_cast %add3A_101 : vector<512x1xi32> to vector<1x512x1xi32>
    tpu.vector_store %arg4[%swap3A_102, %swap3A_103, %swap3A_104], %swap3A_107 {strides = array<i32>} : memref<1x512x8xi32, #tpu.memory_space<vmem>>, vector<1x512x1xi32>,
    %eq3A_108 = vector.broadcast %broadcast_in_dim3A_98 : vector<512x1xf32> to vector<512x2048xf32>
    %eq3A_109 = arith.cmpf oeq, %convert_element_type3A, %eq3A_108 : vector<512x2048xf32>
    %jit3A_110 = arith.constant 0x7F800000 : f32
    %broadcast_in_dim3A_111 = vector.broadcast %jit3A_110 : f32 to vector<512x2048xf32>
    %select_n3A_112 = arith.select %eq3A_109, %broadcast_in_dim3A_111, %select_n3A_87 : vector<512x2048xi1>, vector<512x2048xf32>
    %reduce_min3A_113 = arith.constant dense<0x7F800000> : vector<512xf32>
    %reduce_min3A_114 = vector.multi_reduction <minimumf>, %select_n3A_112, %reduce_min3A_113 [1] : vector<512x2048xf32> to vector<512xf32>
    %broadcast_in_dim3A_115 = vector.shape_cast %reduce_min3A_114 : vector<512xf32> to vector<512x1xf32>
    %eq3A_116 = vector.broadcast %broadcast_in_dim3A_115 : vector<512x1xf32> to vector<512x2048xf32>
    %eq3A_117 = arith.cmpf oeq, %select_n3A_112, %eq3A_116 : vector<512x2048xf32>
    %jit3A_118 = arith.constant 2.048000e+03 : f32
    %broadcast_in_dim3A_119 = vector.broadcast %jit3A_118 : f32 to vector<512x2048xf32>
    %select_n3A_120 = arith.select %eq3A_117, %convert_element_type3A, %broadcast_in_dim3A_119 : vector<512x2048xi1>, vector<512x2048xf32>
    %reduce_min3A_121 = arith.constant dense<0x7F800000> : vector<512xf32>
    %reduce_min3A_122 = vector.multi_reduction <minimumf>, %select_n3A_120, %reduce_min3A_121 [1] : vector<512x2048xf32> to vector<512xf32>
    %broadcast_in_dim3A_123 = vector.shape_cast %reduce_min3A_122 : vector<512xf32> to vector<512x1xf32>
    %convert_element_type3A_124 = arith.fptosi %broadcast_in_dim3A_123 : vector<512x1xf32> to vector<512x1xi32>
    %add3A_125 = vector.broadcast %mul3A_40 : i32 to vector<512x1xi32>
    %add3A_126 = arith.addi %convert_element_type3A_124, %add3A_125 : vector<512x1xi32>
    %swap3A_127 = arith.constant 0 : index
    %swap3A_128 = arith.constant 0 : index
    %swap3A_129 = arith.constant 2 : index
    %swap3A_130 = vector.load %arg4[%swap3A_127, %swap3A_128, %swap3A_129] : memref<1x512x8xi32, #tpu.memory_space<vmem>>, vector<1x512x1xi32>
    %swap3A_131 = vector.shape_cast %swap3A_130 : vector<1x512x1xi32> to vector<512x1xi32>
    %swap3A_132 = vector.shape_cast %add3A_126 : vector<512x1xi32> to vector<1x512x1xi32>
    tpu.vector_store %arg4[%swap3A_127, %swap3A_128, %swap3A_129], %swap3A_132 {strides = array<i32>} : memref<1x512x8xi32, #tpu.memory_space<vmem>>, vector<1x512x1xi32>,
    %eq3A_133 = vector.broadcast %broadcast_in_dim3A_123 : vector<512x1xf32> to vector<512x2048xf32>
    %eq3A_134 = arith.cmpf oeq, %convert_element_type3A, %eq3A_133 : vector<512x2048xf32>
    %jit3A_135 = arith.constant 0x7F800000 : f32
    %broadcast_in_dim3A_136 = vector.broadcast %jit3A_135 : f32 to vector<512x2048xf32>
    %select_n3A_137 = arith.select %eq3A_134, %broadcast_in_dim3A_136, %select_n3A_112 : vector<512x2048xi1>, vector<512x2048xf32>
    %reduce_min3A_138 = arith.constant dense<0x7F800000> : vector<512xf32>
    %reduce_min3A_139 = vector.multi_reduction <minimumf>, %select_n3A_137, %reduce_min3A_138 [1] : vector<512x2048xf32> to vector<512xf32>
    %broadcast_in_dim3A_140 = vector.shape_cast %reduce_min3A_139 : vector<512xf32> to vector<512x1xf32>
    %eq3A_141 = vector.broadcast %broadcast_in_dim3A_140 : vector<512x1xf32> to vector<512x2048xf32>
    %eq3A_142 = arith.cmpf oeq, %select_n3A_137, %eq3A_141 : vector<512x2048xf32>
    %jit3A_143 = arith.constant 2.048000e+03 : f32
    %broadcast_in_dim3A_144 = vector.broadcast %jit3A_143 : f32 to vector<512x2048xf32>
    %select_n3A_145 = arith.select %eq3A_142, %convert_element_type3A, %broadcast_in_dim3A_144 : vector<512x2048xi1>, vector<512x2048xf32>
    %reduce_min3A_146 = arith.constant dense<0x7F800000> : vector<512xf32>
    %reduce_min3A_147 = vector.multi_reduction <minimumf>, %select_n3A_145, %reduce_min3A_146 [1] : vector<512x2048xf32> to vector<512xf32>
    %broadcast_in_dim3A_148 = vector.shape_cast %reduce_min3A_147 : vector<512xf32> to vector<512x1xf32>
    %convert_element_type3A_149 = arith.fptosi %broadcast_in_dim3A_148 : vector<512x1xf32> to vector<512x1xi32>
    %add3A_150 = vector.broadcast %mul3A_40 : i32 to vector<512x1xi32>
    %add3A_151 = arith.addi %convert_element_type3A_149, %add3A_150 : vector<512x1xi32>
    %swap3A_152 = arith.constant 0 : index
    %swap3A_153 = arith.constant 0 : index
    %swap3A_154 = arith.constant 3 : index
    %swap3A_155 = vector.load %arg4[%swap3A_152, %swap3A_153, %swap3A_154] : memref<1x512x8xi32, #tpu.memory_space<vmem>>, vector<1x512x1xi32>
    %swap3A_156 = vector.shape_cast %swap3A_155 : vector<1x512x1xi32> to vector<512x1xi32>
    %swap3A_157 = vector.shape_cast %add3A_151 : vector<512x1xi32> to vector<1x512x1xi32>
    tpu.vector_store %arg4[%swap3A_152, %swap3A_153, %swap3A_154], %swap3A_157 {strides = array<i32>} : memref<1x512x8xi32, #tpu.memory_space<vmem>>, vector<1x512x1xi32>,
    %eq3A_158 = vector.broadcast %broadcast_in_dim3A_148 : vector<512x1xf32> to vector<512x2048xf32>
    %eq3A_159 = arith.cmpf oeq, %convert_element_type3A, %eq3A_158 : vector<512x2048xf32>
    %jit3A_160 = arith.constant 0x7F800000 : f32
    %broadcast_in_dim3A_161 = vector.broadcast %jit3A_160 : f32 to vector<512x2048xf32>
    %select_n3A_162 = arith.select %eq3A_159, %broadcast_in_dim3A_161, %select_n3A_137 : vector<512x2048xi1>, vector<512x2048xf32>
    %reduce_min3A_163 = arith.constant dense<0x7F800000> : vector<512xf32>
    %reduce_min3A_164 = vector.multi_reduction <minimumf>, %select_n3A_162, %reduce_min3A_163 [1] : vector<512x2048xf32> to vector<512xf32>
    %broadcast_in_dim3A_165 = vector.shape_cast %reduce_min3A_164 : vector<512xf32> to vector<512x1xf32>
    %eq3A_166 = vector.broadcast %broadcast_in_dim3A_165 : vector<512x1xf32> to vector<512x2048xf32>
    %eq3A_167 = arith.cmpf oeq, %select_n3A_162, %eq3A_166 : vector<512x2048xf32>
    %jit3A_168 = arith.constant 2.048000e+03 : f32
    %broadcast_in_dim3A_169 = vector.broadcast %jit3A_168 : f32 to vector<512x2048xf32>
    %select_n3A_170 = arith.select %eq3A_167, %convert_element_type3A, %broadcast_in_dim3A_169 : vector<512x2048xi1>, vector<512x2048xf32>
    %reduce_min3A_171 = arith.constant dense<0x7F800000> : vector<512xf32>
    %reduce_min3A_172 = vector.multi_reduction <minimumf>, %select_n3A_170, %reduce_min3A_171 [1] : vector<512x2048xf32> to vector<512xf32>
    %broadcast_in_dim3A_173 = vector.shape_cast %reduce_min3A_172 : vector<512xf32> to vector<512x1xf32>
    %convert_element_type3A_174 = arith.fptosi %broadcast_in_dim3A_173 : vector<512x1xf32> to vector<512x1xi32>
    %add3A_175 = vector.broadcast %mul3A_40 : i32 to vector<512x1xi32>
    %add3A_176 = arith.addi %convert_element_type3A_174, %add3A_175 : vector<512x1xi32>
    %swap3A_177 = arith.constant 0 : index
    %swap3A_178 = arith.constant 0 : index
    %swap3A_179 = arith.constant 4 : index
    %swap3A_180 = vector.load %arg4[%swap3A_177, %swap3A_178, %swap3A_179] : memref<1x512x8xi32, #tpu.memory_space<vmem>>, vector<1x512x1xi32>
    %swap3A_181 = vector.shape_cast %swap3A_180 : vector<1x512x1xi32> to vector<512x1xi32>
    %swap3A_182 = vector.shape_cast %add3A_176 : vector<512x1xi32> to vector<1x512x1xi32>
    tpu.vector_store %arg4[%swap3A_177, %swap3A_178, %swap3A_179], %swap3A_182 {strides = array<i32>} : memref<1x512x8xi32, #tpu.memory_space<vmem>>, vector<1x512x1xi32>,
    %eq3A_183 = vector.broadcast %broadcast_in_dim3A_173 : vector<512x1xf32> to vector<512x2048xf32>
    %eq3A_184 = arith.cmpf oeq, %convert_element_type3A, %eq3A_183 : vector<512x2048xf32>
    %jit3A_185 = arith.constant 0x7F800000 : f32
    %broadcast_in_dim3A_186 = vector.broadcast %jit3A_185 : f32 to vector<512x2048xf32>
    %select_n3A_187 = arith.select %eq3A_184, %broadcast_in_dim3A_186, %select_n3A_162 : vector<512x2048xi1>, vector<512x2048xf32>
    %reduce_min3A_188 = arith.constant dense<0x7F800000> : vector<512xf32>
    %reduce_min3A_189 = vector.multi_reduction <minimumf>, %select_n3A_187, %reduce_min3A_188 [1] : vector<512x2048xf32> to vector<512xf32>
    %broadcast_in_dim3A_190 = vector.shape_cast %reduce_min3A_189 : vector<512xf32> to vector<512x1xf32>
    %eq3A_191 = vector.broadcast %broadcast_in_dim3A_190 : vector<512x1xf32> to vector<512x2048xf32>
    %eq3A_192 = arith.cmpf oeq, %select_n3A_187, %eq3A_191 : vector<512x2048xf32>
    %jit3A_193 = arith.constant 2.048000e+03 : f32
    %broadcast_in_dim3A_194 = vector.broadcast %jit3A_193 : f32 to vector<512x2048xf32>
    %select_n3A_195 = arith.select %eq3A_192, %convert_element_type3A, %broadcast_in_dim3A_194 : vector<512x2048xi1>, vector<512x2048xf32>
    %reduce_min3A_196 = arith.constant dense<0x7F800000> : vector<512xf32>
    %reduce_min3A_197 = vector.multi_reduction <minimumf>, %select_n3A_195, %reduce_min3A_196 [1] : vector<512x2048xf32> to vector<512xf32>
    %broadcast_in_dim3A_198 = vector.shape_cast %reduce_min3A_197 : vector<512xf32> to vector<512x1xf32>
    %convert_element_type3A_199 = arith.fptosi %broadcast_in_dim3A_198 : vector<512x1xf32> to vector<512x1xi32>
    %add3A_200 = vector.broadcast %mul3A_40 : i32 to vector<512x1xi32>
    %add3A_201 = arith.addi %convert_element_type3A_199, %add3A_200 : vector<512x1xi32>
    %swap3A_202 = arith.constant 0 : index
    %swap3A_203 = arith.constant 0 : index
    %swap3A_204 = arith.constant 5 : index
    %swap3A_205 = vector.load %arg4[%swap3A_202, %swap3A_203, %swap3A_204] : memref<1x512x8xi32, #tpu.memory_space<vmem>>, vector<1x512x1xi32>
    %swap3A_206 = vector.shape_cast %swap3A_205 : vector<1x512x1xi32> to vector<512x1xi32>
    %swap3A_207 = vector.shape_cast %add3A_201 : vector<512x1xi32> to vector<1x512x1xi32>
    tpu.vector_store %arg4[%swap3A_202, %swap3A_203, %swap3A_204], %swap3A_207 {strides = array<i32>} : memref<1x512x8xi32, #tpu.memory_space<vmem>>, vector<1x512x1xi32>,
    return
  }
  func.func @transform_0(%arg0: i32, %arg1: i32) -> (i32, i32, i32) {
    %c0_i32 = arith.constant 0 : i32
    %c0_i32_0 = arith.constant 0 : i32
    return %arg0, %arg1, %c0_i32 : i32, i32, i32
  }
  func.func @transform_1(%arg0: i32, %arg1: i32) -> (i32, i32, i32) {
    %c0_i32 = arith.constant 0 : i32
    %c0_i32_0 = arith.constant 0 : i32
    %c0_i32_1 = arith.constant 0 : i32
    return %arg0, %c0_i32, %c0_i32_0 : i32, i32, i32
  }
  func.func @transform_2(%arg0: i32, %arg1: i32) -> (i32, i32, i32) {
    %c0_i32 = arith.constant 0 : i32
    %c0_i32_0 = arith.constant 0 : i32
    return %arg0, %arg1, %c0_i32 : i32, i32, i32
  }
}

module attributes {stable_mosaic.version = 14 : i64} {
  func.func @_pad_kernel(%arg0: i32, %arg1: memref<2048x16xf32, #tpu.memory_space<vmem>>, %arg2: memref<2048x128xf32, #tpu.memory_space<vmem>>) attributes {dimension_semantics = [#tpu.dimension_semantics<parallel>], iteration_bounds = array<i64: 8>, scalar_prefetch = 0 : i64, scratch_operands = 0 : i64, tpu.core_type = #tpu.core_type<tc>, window_params = [{transform_indices = @transform_0, window_bounds = array<i64: 2048, 16>}, {transform_indices = @transform_1, window_bounds = array<i64: 2048, 128>}]} {
    %get3A = arith.constant 0 : index
    %get3A_0 = arith.constant 0 : index
    %get3A_1 = vector.load %arg1[%get3A, %get3A_0] : memref<2048x16xf32, #tpu.memory_space<vmem>>, vector<2048x16xf32>
    %broadcast_in_dim3A = arith.constant 0.000000e+00 : f32
    %broadcast_in_dim3A_2 = vector.broadcast %broadcast_in_dim3A : f32 to vector<2048x112xf32>
    %concatenate3A = tpu.concatenate %get3A_1, %broadcast_in_dim3A_2 in 1 : vector<2048x16xf32>, vector<2048x112xf32> -> vector<2048x128xf32>
    %swap3A = arith.constant 0 : index
    %swap3A_3 = arith.constant 0 : index
    %swap3A_4 = vector.load %arg2[%swap3A, %swap3A_3] : memref<2048x128xf32, #tpu.memory_space<vmem>>, vector<2048x128xf32>
    tpu.vector_store %arg2[%swap3A, %swap3A_3], %concatenate3A {strides = array<i32>} : memref<2048x128xf32, #tpu.memory_space<vmem>>, vector<2048x128xf32>,
    return
  }
  func.func @transform_0(%arg0: i32) -> (i32, i32) {
    %c0_i32 = arith.constant 0 : i32
    %c0_i32_0 = arith.constant 0 : i32
    return %arg0, %c0_i32 : i32, i32
  }
  func.func @transform_1(%arg0: i32) -> (i32, i32) {
    %c0_i32 = arith.constant 0 : i32
    %c0_i32_0 = arith.constant 0 : i32
    return %arg0, %c0_i32 : i32, i32
  }
}

module attributes {stable_mosaic.version = 14 : i64} {
  func.func @_mlp_kernel(%arg0: i32, %arg1: memref<2048x16xf32, #tpu.memory_space<vmem>>, %arg2: memref<6x2048x128xf32, #tpu.memory_space<vmem>>, %arg3: memref<112x256xf32, #tpu.memory_space<vmem>>, %arg4: memref<1x256xf32, #tpu.memory_space<vmem>>, %arg5: memref<256x128xf32, #tpu.memory_space<vmem>>, %arg6: memref<1x128xf32, #tpu.memory_space<vmem>>, %arg7: memref<128x128xf32, #tpu.memory_space<vmem>>, %arg8: memref<1x128xf32, #tpu.memory_space<vmem>>, %arg9: memref<128x16xf32, #tpu.memory_space<vmem>>, %arg10: memref<1x16xf32, #tpu.memory_space<vmem>>, %arg11: memref<1x1xf32, #tpu.memory_space<vmem>>, %arg12: memref<2048x16xf32, #tpu.memory_space<vmem>>, %arg13: memref<2048x128xf32, #tpu.memory_space<vmem>>, %arg14: memref<1x16x2048xf32, #tpu.memory_space<vmem>>) attributes {dimension_semantics = [#tpu.dimension_semantics<parallel>], iteration_bounds = array<i64: 8>, scalar_prefetch = 0 : i64, scratch_operands = 0 : i64, tpu.core_type = #tpu.core_type<tc>, window_params = [{transform_indices = @transform_0, window_bounds = array<i64: 2048, 16>}, {transform_indices = @transform_1, window_bounds = array<i64: 6, 2048, 128>}, {pipeline_mode = #tpu.pipeline_mode<synchronous>, transform_indices = @transform_2, window_bounds = array<i64: 112, 256>}, {pipeline_mode = #tpu.pipeline_mode<synchronous>, transform_indices = @transform_3, window_bounds = array<i64: 1, 256>}, {pipeline_mode = #tpu.pipeline_mode<synchronous>, transform_indices = @transform_4, window_bounds = array<i64: 256, 128>}, {pipeline_mode = #tpu.pipeline_mode<synchronous>, transform_indices = @transform_5, window_bounds = array<i64: 1, 128>}, {pipeline_mode = #tpu.pipeline_mode<synchronous>, transform_indices = @transform_6, window_bounds = array<i64: 128, 128>}, {pipeline_mode = #tpu.pipeline_mode<synchronous>, transform_indices = @transform_7, window_bounds = array<i64: 1, 128>}, {pipeline_mode = #tpu.pipeline_mode<synchronous>, transform_indices = @transform_8, window_bounds = array<i64: 128, 16>}, {pipeline_mode = #tpu.pipeline_mode<synchronous>, transform_indices = @transform_9, window_bounds = array<i64: 1, 16>}, {pipeline_mode = #tpu.pipeline_mode<synchronous>, transform_indices = @transform_10, window_bounds = array<i64: 1, 1>}, {transform_indices = @transform_11, window_bounds = array<i64: 2048, 16>}, {transform_indices = @transform_12, window_bounds = array<i64: 2048, 128>}, {transform_indices = @transform_13, window_bounds = array<i64: 1, 16, 2048>}]} {
    %get3A = arith.constant 0 : index
    %get3A_0 = arith.constant 0 : index
    %get3A_1 = vector.load %arg1[%get3A, %get3A_0] : memref<2048x16xf32, #tpu.memory_space<vmem>>, vector<2048x16xf32>
    %get3A_2 = arith.constant 0 : index
    %get3A_3 = arith.constant 0 : index
    %get3A_4 = arith.constant 0 : index
    %get3A_5 = vector.load %arg2[%get3A_2, %get3A_3, %get3A_4] : memref<6x2048x128xf32, #tpu.memory_space<vmem>>, vector<6x2048x128xf32>
    %slice3A = vector.extract_strided_slice %get3A_5 {offsets = [0, 0, 0], sizes = [1, 2048, 16], strides = [1, 1, 1]} : vector<6x2048x128xf32> to vector<1x2048x16xf32>
    %squeeze3A = vector.shape_cast %slice3A : vector<1x2048x16xf32> to vector<2048x16xf32>
    %slice3A_6 = vector.extract_strided_slice %get3A_5 {offsets = [1, 0, 0], sizes = [1, 2048, 16], strides = [1, 1, 1]} : vector<6x2048x128xf32> to vector<1x2048x16xf32>
    %squeeze3A_7 = vector.shape_cast %slice3A_6 : vector<1x2048x16xf32> to vector<2048x16xf32>
    %slice3A_8 = vector.extract_strided_slice %get3A_5 {offsets = [2, 0, 0], sizes = [1, 2048, 16], strides = [1, 1, 1]} : vector<6x2048x128xf32> to vector<1x2048x16xf32>
    %squeeze3A_9 = vector.shape_cast %slice3A_8 : vector<1x2048x16xf32> to vector<2048x16xf32>
    %slice3A_10 = vector.extract_strided_slice %get3A_5 {offsets = [3, 0, 0], sizes = [1, 2048, 16], strides = [1, 1, 1]} : vector<6x2048x128xf32> to vector<1x2048x16xf32>
    %squeeze3A_11 = vector.shape_cast %slice3A_10 : vector<1x2048x16xf32> to vector<2048x16xf32>
    %slice3A_12 = vector.extract_strided_slice %get3A_5 {offsets = [4, 0, 0], sizes = [1, 2048, 16], strides = [1, 1, 1]} : vector<6x2048x128xf32> to vector<1x2048x16xf32>
    %squeeze3A_13 = vector.shape_cast %slice3A_12 : vector<1x2048x16xf32> to vector<2048x16xf32>
    %slice3A_14 = vector.extract_strided_slice %get3A_5 {offsets = [5, 0, 0], sizes = [1, 2048, 16], strides = [1, 1, 1]} : vector<6x2048x128xf32> to vector<1x2048x16xf32>
    %squeeze3A_15 = vector.shape_cast %slice3A_14 : vector<1x2048x16xf32> to vector<2048x16xf32>
    %concatenate3A = tpu.concatenate %get3A_1, %squeeze3A, %squeeze3A_7, %squeeze3A_9, %squeeze3A_11, %squeeze3A_13, %squeeze3A_15 in 1 : vector<2048x16xf32>, vector<2048x16xf32>, vector<2048x16xf32>, vector<2048x16xf32>, vector<2048x16xf32>, vector<2048x16xf32>, vector<2048x16xf32> -> vector<2048x112xf32>
    %get3A_16 = arith.constant 0 : index
    %get3A_17 = arith.constant 0 : index
    %get3A_18 = vector.load %arg3[%get3A_16, %get3A_17] : memref<112x256xf32, #tpu.memory_space<vmem>>, vector<112x256xf32>
    %dot_general3A = arith.constant dense<0.000000e+00> : vector<2048x256xf32>
    %dot_general3A_19 = tpu.matmul %concatenate3A, %get3A_18, %dot_general3A {dimension_numbers = #tpu.dot_dimension_numbers<[1], [0], [0], [1], [0, 0, 1, 1], [], []>, transpose_lhs_hint = false} : vector<2048x112xf32>, vector<112x256xf32>, vector<2048x256xf32> -> vector<2048x256xf32>
    %get3A_20 = arith.constant 0 : index
    %get3A_21 = arith.constant 0 : index
    %get3A_22 = vector.load %arg4[%get3A_20, %get3A_21] : memref<1x256xf32, #tpu.memory_space<vmem>>, vector<1x256xf32>
    %add3A = vector.broadcast %get3A_22 : vector<1x256xf32> to vector<2048x256xf32>
    %add3A_23 = arith.addf %dot_general3A_19, %add3A : vector<2048x256xf32>
    %max3A = arith.constant 0.000000e+00 : f32
    %max3A_24 = vector.broadcast %max3A : f32 to vector<2048x256xf32>
    %max3A_25 = arith.maximumf %add3A_23, %max3A_24 : vector<2048x256xf32>
    %get3A_26 = arith.constant 0 : index
    %get3A_27 = arith.constant 0 : index
    %get3A_28 = vector.load %arg5[%get3A_26, %get3A_27] : memref<256x128xf32, #tpu.memory_space<vmem>>, vector<256x128xf32>
    %dot_general3A_29 = arith.constant dense<0.000000e+00> : vector<2048x128xf32>
    %dot_general3A_30 = tpu.matmul %max3A_25, %get3A_28, %dot_general3A_29 {dimension_numbers = #tpu.dot_dimension_numbers<[1], [0], [0], [1], [0, 0, 1, 1], [], []>, transpose_lhs_hint = false} : vector<2048x256xf32>, vector<256x128xf32>, vector<2048x128xf32> -> vector<2048x128xf32>
    %get3A_31 = arith.constant 0 : index
    %get3A_32 = arith.constant 0 : index
    %get3A_33 = vector.load %arg6[%get3A_31, %get3A_32] : memref<1x128xf32, #tpu.memory_space<vmem>>, vector<1x128xf32>
    %add3A_34 = vector.broadcast %get3A_33 : vector<1x128xf32> to vector<2048x128xf32>
    %add3A_35 = arith.addf %dot_general3A_30, %add3A_34 : vector<2048x128xf32>
    %max3A_36 = arith.constant 0.000000e+00 : f32
    %max3A_37 = vector.broadcast %max3A_36 : f32 to vector<2048x128xf32>
    %max3A_38 = arith.maximumf %add3A_35, %max3A_37 : vector<2048x128xf32>
    %get3A_39 = arith.constant 0 : index
    %get3A_40 = arith.constant 0 : index
    %get3A_41 = vector.load %arg7[%get3A_39, %get3A_40] : memref<128x128xf32, #tpu.memory_space<vmem>>, vector<128x128xf32>
    %dot_general3A_42 = arith.constant dense<0.000000e+00> : vector<2048x128xf32>
    %dot_general3A_43 = tpu.matmul %max3A_38, %get3A_41, %dot_general3A_42 {dimension_numbers = #tpu.dot_dimension_numbers<[1], [0], [0], [1], [0, 0, 1, 1], [], []>, transpose_lhs_hint = false} : vector<2048x128xf32>, vector<128x128xf32>, vector<2048x128xf32> -> vector<2048x128xf32>
    %get3A_44 = arith.constant 0 : index
    %get3A_45 = arith.constant 0 : index
    %get3A_46 = vector.load %arg8[%get3A_44, %get3A_45] : memref<1x128xf32, #tpu.memory_space<vmem>>, vector<1x128xf32>
    %add3A_47 = vector.broadcast %get3A_46 : vector<1x128xf32> to vector<2048x128xf32>
    %add3A_48 = arith.addf %dot_general3A_43, %add3A_47 : vector<2048x128xf32>
    %max3A_49 = arith.constant 0.000000e+00 : f32
    %max3A_50 = vector.broadcast %max3A_49 : f32 to vector<2048x128xf32>
    %max3A_51 = arith.maximumf %add3A_48, %max3A_50 : vector<2048x128xf32>
    %get3A_52 = arith.constant 0 : index
    %get3A_53 = arith.constant 0 : index
    %get3A_54 = vector.load %arg9[%get3A_52, %get3A_53] : memref<128x16xf32, #tpu.memory_space<vmem>>, vector<128x16xf32>
    %dot_general3A_55 = arith.constant dense<0.000000e+00> : vector<2048x16xf32>
    %dot_general3A_56 = tpu.matmul %max3A_51, %get3A_54, %dot_general3A_55 {dimension_numbers = #tpu.dot_dimension_numbers<[1], [0], [0], [1], [0, 0, 1, 1], [], []>, transpose_lhs_hint = false} : vector<2048x128xf32>, vector<128x16xf32>, vector<2048x16xf32> -> vector<2048x16xf32>
    %get3A_57 = arith.constant 0 : index
    %get3A_58 = arith.constant 0 : index
    %get3A_59 = vector.load %arg10[%get3A_57, %get3A_58] : memref<1x16xf32, #tpu.memory_space<vmem>>, vector<1x16xf32>
    %add3A_60 = vector.broadcast %get3A_59 : vector<1x16xf32> to vector<2048x16xf32>
    %add3A_61 = arith.addf %dot_general3A_56, %add3A_60 : vector<2048x16xf32>
    %get3A_62 = arith.constant 0 : index
    %get3A_63 = arith.constant 0 : index
    %get3A_64 = vector.load %arg11[%get3A_62, %get3A_63] : memref<1x1xf32, #tpu.memory_space<vmem>>, vector<1x1xf32>
    %get3A_65 = vector.extract %get3A_64[0, 0] : f32 from vector<1x1xf32>
    %mul3A = vector.broadcast %get3A_65 : f32 to vector<2048x16xf32>
    %mul3A_66 = arith.mulf %mul3A, %add3A_61 : vector<2048x16xf32>
    %add3A_67 = arith.addf %get3A_1, %mul3A_66 : vector<2048x16xf32>
    %swap3A = arith.constant 0 : index
    %swap3A_68 = arith.constant 0 : index
    %swap3A_69 = vector.load %arg12[%swap3A, %swap3A_68] : memref<2048x16xf32, #tpu.memory_space<vmem>>, vector<2048x16xf32>
    tpu.vector_store %arg12[%swap3A, %swap3A_68], %add3A_67 {strides = array<i32>} : memref<2048x16xf32, #tpu.memory_space<vmem>>, vector<2048x16xf32>,
    %broadcast_in_dim3A = arith.constant 0.000000e+00 : f32
    %broadcast_in_dim3A_70 = vector.broadcast %broadcast_in_dim3A : f32 to vector<2048x112xf32>
    %concatenate3A_71 = tpu.concatenate %add3A_67, %broadcast_in_dim3A_70 in 1 : vector<2048x16xf32>, vector<2048x112xf32> -> vector<2048x128xf32>
    %swap3A_72 = arith.constant 0 : index
    %swap3A_73 = arith.constant 0 : index
    %swap3A_74 = vector.load %arg13[%swap3A_72, %swap3A_73] : memref<2048x128xf32, #tpu.memory_space<vmem>>, vector<2048x128xf32>
    tpu.vector_store %arg13[%swap3A_72, %swap3A_73], %concatenate3A_71 {strides = array<i32>} : memref<2048x128xf32, #tpu.memory_space<vmem>>, vector<2048x128xf32>,
    %transpose3A = tpu.transpose %add3A_67, [1, 0] : vector<2048x16xf32> -> vector<16x2048xf32>
    %swap3A_75 = arith.constant 0 : index
    %swap3A_76 = arith.constant 0 : index
    %swap3A_77 = arith.constant 0 : index
    %swap3A_78 = vector.load %arg14[%swap3A_75, %swap3A_76, %swap3A_77] : memref<1x16x2048xf32, #tpu.memory_space<vmem>>, vector<1x16x2048xf32>
    %swap3A_79 = vector.shape_cast %swap3A_78 : vector<1x16x2048xf32> to vector<16x2048xf32>
    %swap3A_80 = vector.shape_cast %transpose3A : vector<16x2048xf32> to vector<1x16x2048xf32>
    tpu.vector_store %arg14[%swap3A_75, %swap3A_76, %swap3A_77], %swap3A_80 {strides = array<i32>} : memref<1x16x2048xf32, #tpu.memory_space<vmem>>, vector<1x16x2048xf32>,
    return
  }
  func.func @transform_0(%arg0: i32) -> (i32, i32) {
    %c0_i32 = arith.constant 0 : i32
    %c0_i32_0 = arith.constant 0 : i32
    return %arg0, %c0_i32 : i32, i32
  }
  func.func @transform_1(%arg0: i32) -> (i32, i32, i32) {
    %c0_i32 = arith.constant 0 : i32
    %c0_i32_0 = arith.constant 0 : i32
    %c0_i32_1 = arith.constant 0 : i32
    return %c0_i32, %arg0, %c0_i32_0 : i32, i32, i32
  }
  func.func @transform_2(%arg0: i32) -> (i32, i32) {
    %c0_i32 = arith.constant 0 : i32
    %c0_i32_0 = arith.constant 0 : i32
    %c0_i32_1 = arith.constant 0 : i32
    return %c0_i32, %c0_i32_0 : i32, i32
  }
  func.func @transform_3(%arg0: i32) -> (i32, i32) {
    %c0_i32 = arith.constant 0 : i32
    %c0_i32_0 = arith.constant 0 : i32
    %c0_i32_1 = arith.constant 0 : i32
    return %c0_i32, %c0_i32_0 : i32, i32
  }
  func.func @transform_4(%arg0: i32) -> (i32, i32) {
    %c0_i32 = arith.constant 0 : i32
    %c0_i32_0 = arith.constant 0 : i32
    %c0_i32_1 = arith.constant 0 : i32
    return %c0_i32, %c0_i32_0 : i32, i32
  }
  func.func @transform_5(%arg0: i32) -> (i32, i32) {
    %c0_i32 = arith.constant 0 : i32
    %c0_i32_0 = arith.constant 0 : i32
    %c0_i32_1 = arith.constant 0 : i32
    return %c0_i32, %c0_i32_0 : i32, i32
  }
  func.func @transform_6(%arg0: i32) -> (i32, i32) {
    %c0_i32 = arith.constant 0 : i32
    %c0_i32_0 = arith.constant 0 : i32
    %c0_i32_1 = arith.constant 0 : i32
    return %c0_i32, %c0_i32_0 : i32, i32
  }
  func.func @transform_7(%arg0: i32) -> (i32, i32) {
    %c0_i32 = arith.constant 0 : i32
    %c0_i32_0 = arith.constant 0 : i32
    %c0_i32_1 = arith.constant 0 : i32
    return %c0_i32, %c0_i32_0 : i32, i32
  }
  func.func @transform_8(%arg0: i32) -> (i32, i32) {
    %c0_i32 = arith.constant 0 : i32
    %c0_i32_0 = arith.constant 0 : i32
    %c0_i32_1 = arith.constant 0 : i32
    return %c0_i32, %c0_i32_0 : i32, i32
  }
  func.func @transform_9(%arg0: i32) -> (i32, i32) {
    %c0_i32 = arith.constant 0 : i32
    %c0_i32_0 = arith.constant 0 : i32
    %c0_i32_1 = arith.constant 0 : i32
    return %c0_i32, %c0_i32_0 : i32, i32
  }
  func.func @transform_10(%arg0: i32) -> (i32, i32) {
    %c0_i32 = arith.constant 0 : i32
    %c0_i32_0 = arith.constant 0 : i32
    %c0_i32_1 = arith.constant 0 : i32
    return %c0_i32, %c0_i32_0 : i32, i32
  }
  func.func @transform_11(%arg0: i32) -> (i32, i32) {
    %c0_i32 = arith.constant 0 : i32
    %c0_i32_0 = arith.constant 0 : i32
    return %arg0, %c0_i32 : i32, i32
  }
  func.func @transform_12(%arg0: i32) -> (i32, i32) {
    %c0_i32 = arith.constant 0 : i32
    %c0_i32_0 = arith.constant 0 : i32
    return %arg0, %c0_i32 : i32, i32
  }
  func.func @transform_13(%arg0: i32) -> (i32, i32, i32) {
    %c0_i32 = arith.constant 0 : i32
    %c0_i32_0 = arith.constant 0 : i32
    %c0_i32_1 = arith.constant 0 : i32
    return %arg0, %c0_i32, %c0_i32_0 : i32, i32, i32
  }
}

module attributes {stable_mosaic.version = 14 : i64} {
  func.func @_mlp_kernel(%arg0: i32, %arg1: memref<2048x16xf32, #tpu.memory_space<vmem>>, %arg2: memref<6x2048x128xf32, #tpu.memory_space<vmem>>, %arg3: memref<112x256xf32, #tpu.memory_space<vmem>>, %arg4: memref<1x256xf32, #tpu.memory_space<vmem>>, %arg5: memref<256x128xf32, #tpu.memory_space<vmem>>, %arg6: memref<1x128xf32, #tpu.memory_space<vmem>>, %arg7: memref<128x128xf32, #tpu.memory_space<vmem>>, %arg8: memref<1x128xf32, #tpu.memory_space<vmem>>, %arg9: memref<128x16xf32, #tpu.memory_space<vmem>>, %arg10: memref<1x16xf32, #tpu.memory_space<vmem>>, %arg11: memref<1x1xf32, #tpu.memory_space<vmem>>, %arg12: memref<2048x16xf32, #tpu.memory_space<vmem>>, %arg13: memref<2048x128xf32, #tpu.memory_space<vmem>>, %arg14: memref<1x16x2048xf32, #tpu.memory_space<vmem>>) attributes {dimension_semantics = [#tpu.dimension_semantics<parallel>], iteration_bounds = array<i64: 8>, scalar_prefetch = 0 : i64, scratch_operands = 0 : i64, tpu.core_type = #tpu.core_type<tc>, window_params = [{transform_indices = @transform_0, window_bounds = array<i64: 2048, 16>}, {transform_indices = @transform_1, window_bounds = array<i64: 6, 2048, 128>}, {pipeline_mode = #tpu.pipeline_mode<synchronous>, transform_indices = @transform_2, window_bounds = array<i64: 112, 256>}, {pipeline_mode = #tpu.pipeline_mode<synchronous>, transform_indices = @transform_3, window_bounds = array<i64: 1, 256>}, {pipeline_mode = #tpu.pipeline_mode<synchronous>, transform_indices = @transform_4, window_bounds = array<i64: 256, 128>}, {pipeline_mode = #tpu.pipeline_mode<synchronous>, transform_indices = @transform_5, window_bounds = array<i64: 1, 128>}, {pipeline_mode = #tpu.pipeline_mode<synchronous>, transform_indices = @transform_6, window_bounds = array<i64: 128, 128>}, {pipeline_mode = #tpu.pipeline_mode<synchronous>, transform_indices = @transform_7, window_bounds = array<i64: 1, 128>}, {pipeline_mode = #tpu.pipeline_mode<synchronous>, transform_indices = @transform_8, window_bounds = array<i64: 128, 16>}, {pipeline_mode = #tpu.pipeline_mode<synchronous>, transform_indices = @transform_9, window_bounds = array<i64: 1, 16>}, {pipeline_mode = #tpu.pipeline_mode<synchronous>, transform_indices = @transform_10, window_bounds = array<i64: 1, 1>}, {transform_indices = @transform_11, window_bounds = array<i64: 2048, 16>}, {transform_indices = @transform_12, window_bounds = array<i64: 2048, 128>}, {transform_indices = @transform_13, window_bounds = array<i64: 1, 16, 2048>}]} {
    %get3A = arith.constant 0 : index
    %get3A_0 = arith.constant 0 : index
    %get3A_1 = vector.load %arg1[%get3A, %get3A_0] : memref<2048x16xf32, #tpu.memory_space<vmem>>, vector<2048x16xf32>
    %get3A_2 = arith.constant 0 : index
    %get3A_3 = arith.constant 0 : index
    %get3A_4 = arith.constant 0 : index
    %get3A_5 = vector.load %arg2[%get3A_2, %get3A_3, %get3A_4] : memref<6x2048x128xf32, #tpu.memory_space<vmem>>, vector<6x2048x128xf32>
    %slice3A = vector.extract_strided_slice %get3A_5 {offsets = [0, 0, 0], sizes = [1, 2048, 16], strides = [1, 1, 1]} : vector<6x2048x128xf32> to vector<1x2048x16xf32>
    %squeeze3A = vector.shape_cast %slice3A : vector<1x2048x16xf32> to vector<2048x16xf32>
    %slice3A_6 = vector.extract_strided_slice %get3A_5 {offsets = [1, 0, 0], sizes = [1, 2048, 16], strides = [1, 1, 1]} : vector<6x2048x128xf32> to vector<1x2048x16xf32>
    %squeeze3A_7 = vector.shape_cast %slice3A_6 : vector<1x2048x16xf32> to vector<2048x16xf32>
    %slice3A_8 = vector.extract_strided_slice %get3A_5 {offsets = [2, 0, 0], sizes = [1, 2048, 16], strides = [1, 1, 1]} : vector<6x2048x128xf32> to vector<1x2048x16xf32>
    %squeeze3A_9 = vector.shape_cast %slice3A_8 : vector<1x2048x16xf32> to vector<2048x16xf32>
    %slice3A_10 = vector.extract_strided_slice %get3A_5 {offsets = [3, 0, 0], sizes = [1, 2048, 16], strides = [1, 1, 1]} : vector<6x2048x128xf32> to vector<1x2048x16xf32>
    %squeeze3A_11 = vector.shape_cast %slice3A_10 : vector<1x2048x16xf32> to vector<2048x16xf32>
    %slice3A_12 = vector.extract_strided_slice %get3A_5 {offsets = [4, 0, 0], sizes = [1, 2048, 16], strides = [1, 1, 1]} : vector<6x2048x128xf32> to vector<1x2048x16xf32>
    %squeeze3A_13 = vector.shape_cast %slice3A_12 : vector<1x2048x16xf32> to vector<2048x16xf32>
    %slice3A_14 = vector.extract_strided_slice %get3A_5 {offsets = [5, 0, 0], sizes = [1, 2048, 16], strides = [1, 1, 1]} : vector<6x2048x128xf32> to vector<1x2048x16xf32>
    %squeeze3A_15 = vector.shape_cast %slice3A_14 : vector<1x2048x16xf32> to vector<2048x16xf32>
    %concatenate3A = tpu.concatenate %get3A_1, %squeeze3A, %squeeze3A_7, %squeeze3A_9, %squeeze3A_11, %squeeze3A_13, %squeeze3A_15 in 1 : vector<2048x16xf32>, vector<2048x16xf32>, vector<2048x16xf32>, vector<2048x16xf32>, vector<2048x16xf32>, vector<2048x16xf32>, vector<2048x16xf32> -> vector<2048x112xf32>
    %get3A_16 = arith.constant 0 : index
    %get3A_17 = arith.constant 0 : index
    %get3A_18 = vector.load %arg3[%get3A_16, %get3A_17] : memref<112x256xf32, #tpu.memory_space<vmem>>, vector<112x256xf32>
    %dot_general3A = arith.constant dense<0.000000e+00> : vector<2048x256xf32>
    %dot_general3A_19 = tpu.matmul %concatenate3A, %get3A_18, %dot_general3A {dimension_numbers = #tpu.dot_dimension_numbers<[1], [0], [0], [1], [0, 0, 1, 1], [], []>, transpose_lhs_hint = false} : vector<2048x112xf32>, vector<112x256xf32>, vector<2048x256xf32> -> vector<2048x256xf32>
    %get3A_20 = arith.constant 0 : index
    %get3A_21 = arith.constant 0 : index
    %get3A_22 = vector.load %arg4[%get3A_20, %get3A_21] : memref<1x256xf32, #tpu.memory_space<vmem>>, vector<1x256xf32>
    %add3A = vector.broadcast %get3A_22 : vector<1x256xf32> to vector<2048x256xf32>
    %add3A_23 = arith.addf %dot_general3A_19, %add3A : vector<2048x256xf32>
    %max3A = arith.constant 0.000000e+00 : f32
    %max3A_24 = vector.broadcast %max3A : f32 to vector<2048x256xf32>
    %max3A_25 = arith.maximumf %add3A_23, %max3A_24 : vector<2048x256xf32>
    %get3A_26 = arith.constant 0 : index
    %get3A_27 = arith.constant 0 : index
    %get3A_28 = vector.load %arg5[%get3A_26, %get3A_27] : memref<256x128xf32, #tpu.memory_space<vmem>>, vector<256x128xf32>
    %dot_general3A_29 = arith.constant dense<0.000000e+00> : vector<2048x128xf32>
    %dot_general3A_30 = tpu.matmul %max3A_25, %get3A_28, %dot_general3A_29 {dimension_numbers = #tpu.dot_dimension_numbers<[1], [0], [0], [1], [0, 0, 1, 1], [], []>, transpose_lhs_hint = false} : vector<2048x256xf32>, vector<256x128xf32>, vector<2048x128xf32> -> vector<2048x128xf32>
    %get3A_31 = arith.constant 0 : index
    %get3A_32 = arith.constant 0 : index
    %get3A_33 = vector.load %arg6[%get3A_31, %get3A_32] : memref<1x128xf32, #tpu.memory_space<vmem>>, vector<1x128xf32>
    %add3A_34 = vector.broadcast %get3A_33 : vector<1x128xf32> to vector<2048x128xf32>
    %add3A_35 = arith.addf %dot_general3A_30, %add3A_34 : vector<2048x128xf32>
    %max3A_36 = arith.constant 0.000000e+00 : f32
    %max3A_37 = vector.broadcast %max3A_36 : f32 to vector<2048x128xf32>
    %max3A_38 = arith.maximumf %add3A_35, %max3A_37 : vector<2048x128xf32>
    %get3A_39 = arith.constant 0 : index
    %get3A_40 = arith.constant 0 : index
    %get3A_41 = vector.load %arg7[%get3A_39, %get3A_40] : memref<128x128xf32, #tpu.memory_space<vmem>>, vector<128x128xf32>
    %dot_general3A_42 = arith.constant dense<0.000000e+00> : vector<2048x128xf32>
    %dot_general3A_43 = tpu.matmul %max3A_38, %get3A_41, %dot_general3A_42 {dimension_numbers = #tpu.dot_dimension_numbers<[1], [0], [0], [1], [0, 0, 1, 1], [], []>, transpose_lhs_hint = false} : vector<2048x128xf32>, vector<128x128xf32>, vector<2048x128xf32> -> vector<2048x128xf32>
    %get3A_44 = arith.constant 0 : index
    %get3A_45 = arith.constant 0 : index
    %get3A_46 = vector.load %arg8[%get3A_44, %get3A_45] : memref<1x128xf32, #tpu.memory_space<vmem>>, vector<1x128xf32>
    %add3A_47 = vector.broadcast %get3A_46 : vector<1x128xf32> to vector<2048x128xf32>
    %add3A_48 = arith.addf %dot_general3A_43, %add3A_47 : vector<2048x128xf32>
    %max3A_49 = arith.constant 0.000000e+00 : f32
    %max3A_50 = vector.broadcast %max3A_49 : f32 to vector<2048x128xf32>
    %max3A_51 = arith.maximumf %add3A_48, %max3A_50 : vector<2048x128xf32>
    %get3A_52 = arith.constant 0 : index
    %get3A_53 = arith.constant 0 : index
    %get3A_54 = vector.load %arg9[%get3A_52, %get3A_53] : memref<128x16xf32, #tpu.memory_space<vmem>>, vector<128x16xf32>
    %dot_general3A_55 = arith.constant dense<0.000000e+00> : vector<2048x16xf32>
    %dot_general3A_56 = tpu.matmul %max3A_51, %get3A_54, %dot_general3A_55 {dimension_numbers = #tpu.dot_dimension_numbers<[1], [0], [0], [1], [0, 0, 1, 1], [], []>, transpose_lhs_hint = false} : vector<2048x128xf32>, vector<128x16xf32>, vector<2048x16xf32> -> vector<2048x16xf32>
    %get3A_57 = arith.constant 0 : index
    %get3A_58 = arith.constant 0 : index
    %get3A_59 = vector.load %arg10[%get3A_57, %get3A_58] : memref<1x16xf32, #tpu.memory_space<vmem>>, vector<1x16xf32>
    %add3A_60 = vector.broadcast %get3A_59 : vector<1x16xf32> to vector<2048x16xf32>
    %add3A_61 = arith.addf %dot_general3A_56, %add3A_60 : vector<2048x16xf32>
    %get3A_62 = arith.constant 0 : index
    %get3A_63 = arith.constant 0 : index
    %get3A_64 = vector.load %arg11[%get3A_62, %get3A_63] : memref<1x1xf32, #tpu.memory_space<vmem>>, vector<1x1xf32>
    %get3A_65 = vector.extract %get3A_64[0, 0] : f32 from vector<1x1xf32>
    %mul3A = vector.broadcast %get3A_65 : f32 to vector<2048x16xf32>
    %mul3A_66 = arith.mulf %mul3A, %add3A_61 : vector<2048x16xf32>
    %add3A_67 = arith.addf %get3A_1, %mul3A_66 : vector<2048x16xf32>
    %swap3A = arith.constant 0 : index
    %swap3A_68 = arith.constant 0 : index
    %swap3A_69 = vector.load %arg12[%swap3A, %swap3A_68] : memref<2048x16xf32, #tpu.memory_space<vmem>>, vector<2048x16xf32>
    tpu.vector_store %arg12[%swap3A, %swap3A_68], %add3A_67 {strides = array<i32>} : memref<2048x16xf32, #tpu.memory_space<vmem>>, vector<2048x16xf32>,
    %broadcast_in_dim3A = arith.constant 0.000000e+00 : f32
    %broadcast_in_dim3A_70 = vector.broadcast %broadcast_in_dim3A : f32 to vector<2048x112xf32>
    %concatenate3A_71 = tpu.concatenate %add3A_67, %broadcast_in_dim3A_70 in 1 : vector<2048x16xf32>, vector<2048x112xf32> -> vector<2048x128xf32>
    %swap3A_72 = arith.constant 0 : index
    %swap3A_73 = arith.constant 0 : index
    %swap3A_74 = vector.load %arg13[%swap3A_72, %swap3A_73] : memref<2048x128xf32, #tpu.memory_space<vmem>>, vector<2048x128xf32>
    tpu.vector_store %arg13[%swap3A_72, %swap3A_73], %concatenate3A_71 {strides = array<i32>} : memref<2048x128xf32, #tpu.memory_space<vmem>>, vector<2048x128xf32>,
    %transpose3A = tpu.transpose %add3A_67, [1, 0] : vector<2048x16xf32> -> vector<16x2048xf32>
    %swap3A_75 = arith.constant 0 : index
    %swap3A_76 = arith.constant 0 : index
    %swap3A_77 = arith.constant 0 : index
    %swap3A_78 = vector.load %arg14[%swap3A_75, %swap3A_76, %swap3A_77] : memref<1x16x2048xf32, #tpu.memory_space<vmem>>, vector<1x16x2048xf32>
    %swap3A_79 = vector.shape_cast %swap3A_78 : vector<1x16x2048xf32> to vector<16x2048xf32>
    %swap3A_80 = vector.shape_cast %transpose3A : vector<16x2048xf32> to vector<1x16x2048xf32>
    tpu.vector_store %arg14[%swap3A_75, %swap3A_76, %swap3A_77], %swap3A_80 {strides = array<i32>} : memref<1x16x2048xf32, #tpu.memory_space<vmem>>, vector<1x16x2048xf32>,
    return
  }
  func.func @transform_0(%arg0: i32) -> (i32, i32) {
    %c0_i32 = arith.constant 0 : i32
    %c0_i32_0 = arith.constant 0 : i32
    return %arg0, %c0_i32 : i32, i32
  }
  func.func @transform_1(%arg0: i32) -> (i32, i32, i32) {
    %c0_i32 = arith.constant 0 : i32
    %c0_i32_0 = arith.constant 0 : i32
    %c0_i32_1 = arith.constant 0 : i32
    return %c0_i32, %arg0, %c0_i32_0 : i32, i32, i32
  }
  func.func @transform_2(%arg0: i32) -> (i32, i32) {
    %c0_i32 = arith.constant 0 : i32
    %c0_i32_0 = arith.constant 0 : i32
    %c0_i32_1 = arith.constant 0 : i32
    return %c0_i32, %c0_i32_0 : i32, i32
  }
  func.func @transform_3(%arg0: i32) -> (i32, i32) {
    %c0_i32 = arith.constant 0 : i32
    %c0_i32_0 = arith.constant 0 : i32
    %c0_i32_1 = arith.constant 0 : i32
    return %c0_i32, %c0_i32_0 : i32, i32
  }
  func.func @transform_4(%arg0: i32) -> (i32, i32) {
    %c0_i32 = arith.constant 0 : i32
    %c0_i32_0 = arith.constant 0 : i32
    %c0_i32_1 = arith.constant 0 : i32
    return %c0_i32, %c0_i32_0 : i32, i32
  }
  func.func @transform_5(%arg0: i32) -> (i32, i32) {
    %c0_i32 = arith.constant 0 : i32
    %c0_i32_0 = arith.constant 0 : i32
    %c0_i32_1 = arith.constant 0 : i32
    return %c0_i32, %c0_i32_0 : i32, i32
  }
  func.func @transform_6(%arg0: i32) -> (i32, i32) {
    %c0_i32 = arith.constant 0 : i32
    %c0_i32_0 = arith.constant 0 : i32
    %c0_i32_1 = arith.constant 0 : i32
    return %c0_i32, %c0_i32_0 : i32, i32
  }
  func.func @transform_7(%arg0: i32) -> (i32, i32) {
    %c0_i32 = arith.constant 0 : i32
    %c0_i32_0 = arith.constant 0 : i32
    %c0_i32_1 = arith.constant 0 : i32
    return %c0_i32, %c0_i32_0 : i32, i32
  }
  func.func @transform_8(%arg0: i32) -> (i32, i32) {
    %c0_i32 = arith.constant 0 : i32
    %c0_i32_0 = arith.constant 0 : i32
    %c0_i32_1 = arith.constant 0 : i32
    return %c0_i32, %c0_i32_0 : i32, i32
  }
  func.func @transform_9(%arg0: i32) -> (i32, i32) {
    %c0_i32 = arith.constant 0 : i32
    %c0_i32_0 = arith.constant 0 : i32
    %c0_i32_1 = arith.constant 0 : i32
    return %c0_i32, %c0_i32_0 : i32, i32
  }
  func.func @transform_10(%arg0: i32) -> (i32, i32) {
    %c0_i32 = arith.constant 0 : i32
    %c0_i32_0 = arith.constant 0 : i32
    %c0_i32_1 = arith.constant 0 : i32
    return %c0_i32, %c0_i32_0 : i32, i32
  }
  func.func @transform_11(%arg0: i32) -> (i32, i32) {
    %c0_i32 = arith.constant 0 : i32
    %c0_i32_0 = arith.constant 0 : i32
    return %arg0, %c0_i32 : i32, i32
  }
  func.func @transform_12(%arg0: i32) -> (i32, i32) {
    %c0_i32 = arith.constant 0 : i32
    %c0_i32_0 = arith.constant 0 : i32
    return %arg0, %c0_i32 : i32, i32
  }
  func.func @transform_13(%arg0: i32) -> (i32, i32, i32) {
    %c0_i32 = arith.constant 0 : i32
    %c0_i32_0 = arith.constant 0 : i32
    %c0_i32_1 = arith.constant 0 : i32
    return %arg0, %c0_i32, %c0_i32_0 : i32, i32, i32
  }
}

module attributes {stable_mosaic.version = 14 : i64} {
  func.func @_decode_kernel(%arg0: i32, %arg1: memref<2048x16xf32, #tpu.memory_space<vmem>>, %arg2: memref<2048x14xf32, #tpu.memory_space<vmem>>) attributes {dimension_semantics = [#tpu.dimension_semantics<parallel>], iteration_bounds = array<i64: 8>, scalar_prefetch = 0 : i64, scratch_operands = 0 : i64, tpu.core_type = #tpu.core_type<tc>, window_params = [{transform_indices = @transform_0, window_bounds = array<i64: 2048, 16>}, {transform_indices = @transform_1, window_bounds = array<i64: 2048, 14>}]} {
    %get3A = arith.constant 0 : index
    %get3A_0 = arith.constant 0 : index
    %get3A_1 = vector.load %arg1[%get3A, %get3A_0] : memref<2048x16xf32, #tpu.memory_space<vmem>>, vector<2048x16xf32>
    %slice3A = vector.extract_strided_slice %get3A_1 {offsets = [0, 0], sizes = [2048, 3], strides = [1, 1]} : vector<2048x16xf32> to vector<2048x3xf32>
    %swap3A = arith.constant 0 : index
    %swap3A_2 = arith.constant 0 : index
    %swap3A_3 = vector.load %arg2[%swap3A, %swap3A_2] : memref<2048x14xf32, #tpu.memory_space<vmem>>, vector<2048x3xf32>
    tpu.vector_store %arg2[%swap3A, %swap3A_2], %slice3A {strides = array<i32>} : memref<2048x14xf32, #tpu.memory_space<vmem>>, vector<2048x3xf32>,
    %slice3A_4 = vector.extract_strided_slice %get3A_1 {offsets = [0, 3], sizes = [2048, 3], strides = [1, 1]} : vector<2048x16xf32> to vector<2048x3xf32>
    %jit3A = arith.constant -1.000000e+01 : f32
    %jit3A_5 = arith.constant 2.000000e+01 : f32
    %max3A = vector.broadcast %jit3A : f32 to vector<2048x3xf32>
    %max3A_6 = arith.maximumf %max3A, %slice3A_4 : vector<2048x3xf32>
    %min3A = vector.broadcast %jit3A_5 : f32 to vector<2048x3xf32>
    %min3A_7 = arith.minimumf %min3A, %max3A_6 : vector<2048x3xf32>
    %add3A = arith.constant 1.000000e+00 : f32
    %add3A_8 = vector.broadcast %add3A : f32 to vector<2048x3xf32>
    %add3A_9 = arith.addf %min3A_7, %add3A_8 : vector<2048x3xf32>
    %max3A_10 = arith.constant 0.000000e+00 : f32
    %max3A_11 = vector.broadcast %max3A_10 : f32 to vector<2048x3xf32>
    %max3A_12 = arith.maximumf %add3A_9, %max3A_11 : vector<2048x3xf32>
    %abs3A = math.absf %add3A_9 : vector<2048x3xf32>
    %neg3A = arith.constant 0.000000e+00 : f32
    %neg3A_13 = vector.broadcast %neg3A : f32 to vector<2048x3xf32>
    %neg3A_14 = arith.subf %neg3A_13, %abs3A : vector<2048x3xf32>
    %exp3A = math.exp %neg3A_14 : vector<2048x3xf32>
    %log1p3A = math.log1p %exp3A : vector<2048x3xf32>
    %add3A_15 = arith.addf %max3A_12, %log1p3A : vector<2048x3xf32>
    %mul3A = arith.constant 1.500000e-01 : f32
    %mul3A_16 = vector.broadcast %mul3A : f32 to vector<2048x3xf32>
    %mul3A_17 = arith.mulf %add3A_15, %mul3A_16 : vector<2048x3xf32>
    %jit3A_18 = arith.constant 9.99999997E-7 : f32
    %jit3A_19 = arith.constant 2.000000e+00 : f32
    %max3A_20 = vector.broadcast %jit3A_18 : f32 to vector<2048x3xf32>
    %max3A_21 = arith.maximumf %max3A_20, %mul3A_17 : vector<2048x3xf32>
    %min3A_22 = vector.broadcast %jit3A_19 : f32 to vector<2048x3xf32>
    %min3A_23 = arith.minimumf %min3A_22, %max3A_21 : vector<2048x3xf32>
    %swap3A_24 = arith.constant 0 : index
    %swap3A_25 = arith.constant 3 : index
    %swap3A_26 = vector.load %arg2[%swap3A_24, %swap3A_25] : memref<2048x14xf32, #tpu.memory_space<vmem>>, vector<2048x3xf32>
    tpu.vector_store %arg2[%swap3A_24, %swap3A_25], %min3A_23 {strides = array<i32>} : memref<2048x14xf32, #tpu.memory_space<vmem>>, vector<2048x3xf32>,
    %slice3A_27 = vector.extract_strided_slice %get3A_1 {offsets = [0, 6], sizes = [2048, 1], strides = [1, 1]} : vector<2048x16xf32> to vector<2048x1xf32>
    %slice3A_28 = vector.extract_strided_slice %get3A_1 {offsets = [0, 7], sizes = [2048, 1], strides = [1, 1]} : vector<2048x16xf32> to vector<2048x1xf32>
    %slice3A_29 = vector.extract_strided_slice %get3A_1 {offsets = [0, 8], sizes = [2048, 1], strides = [1, 1]} : vector<2048x16xf32> to vector<2048x1xf32>
    %slice3A_30 = vector.extract_strided_slice %get3A_1 {offsets = [0, 9], sizes = [2048, 1], strides = [1, 1]} : vector<2048x16xf32> to vector<2048x1xf32>
    %slice3A_31 = vector.extract_strided_slice %get3A_1 {offsets = [0, 10], sizes = [2048, 1], strides = [1, 1]} : vector<2048x16xf32> to vector<2048x1xf32>
    %slice3A_32 = vector.extract_strided_slice %get3A_1 {offsets = [0, 11], sizes = [2048, 1], strides = [1, 1]} : vector<2048x16xf32> to vector<2048x1xf32>
    %mul3A_33 = arith.mulf %slice3A_27, %slice3A_27 : vector<2048x1xf32>
    %mul3A_34 = arith.mulf %slice3A_28, %slice3A_28 : vector<2048x1xf32>
    %add3A_35 = arith.addf %mul3A_33, %mul3A_34 : vector<2048x1xf32>
    %mul3A_36 = arith.mulf %slice3A_29, %slice3A_29 : vector<2048x1xf32>
    %add3A_37 = arith.addf %add3A_35, %mul3A_36 : vector<2048x1xf32>
    %sqrt3A = math.sqrt %add3A_37 : vector<2048x1xf32>
    %add3A_38 = arith.constant 9.99999993E-9 : f32
    %add3A_39 = vector.broadcast %add3A_38 : f32 to vector<2048x1xf32>
    %add3A_40 = arith.addf %sqrt3A, %add3A_39 : vector<2048x1xf32>
    %div3A = arith.divf %slice3A_27, %add3A_40 : vector<2048x1xf32>
    %div3A_41 = arith.divf %slice3A_28, %add3A_40 : vector<2048x1xf32>
    %div3A_42 = arith.divf %slice3A_29, %add3A_40 : vector<2048x1xf32>
    %mul3A_43 = arith.mulf %div3A, %slice3A_30 : vector<2048x1xf32>
    %mul3A_44 = arith.mulf %div3A_41, %slice3A_31 : vector<2048x1xf32>
    %add3A_45 = arith.addf %mul3A_43, %mul3A_44 : vector<2048x1xf32>
    %mul3A_46 = arith.mulf %div3A_42, %slice3A_32 : vector<2048x1xf32>
    %add3A_47 = arith.addf %add3A_45, %mul3A_46 : vector<2048x1xf32>
    %mul3A_48 = arith.mulf %add3A_47, %div3A : vector<2048x1xf32>
    %sub3A = arith.subf %slice3A_30, %mul3A_48 : vector<2048x1xf32>
    %mul3A_49 = arith.mulf %add3A_47, %div3A_41 : vector<2048x1xf32>
    %sub3A_50 = arith.subf %slice3A_31, %mul3A_49 : vector<2048x1xf32>
    %mul3A_51 = arith.mulf %add3A_47, %div3A_42 : vector<2048x1xf32>
    %sub3A_52 = arith.subf %slice3A_32, %mul3A_51 : vector<2048x1xf32>
    %mul3A_53 = arith.mulf %sub3A, %sub3A : vector<2048x1xf32>
    %mul3A_54 = arith.mulf %sub3A_50, %sub3A_50 : vector<2048x1xf32>
    %add3A_55 = arith.addf %mul3A_53, %mul3A_54 : vector<2048x1xf32>
    %mul3A_56 = arith.mulf %sub3A_52, %sub3A_52 : vector<2048x1xf32>
    %add3A_57 = arith.addf %add3A_55, %mul3A_56 : vector<2048x1xf32>
    %sqrt3A_58 = math.sqrt %add3A_57 : vector<2048x1xf32>
    %add3A_59 = arith.constant 9.99999993E-9 : f32
    %add3A_60 = vector.broadcast %add3A_59 : f32 to vector<2048x1xf32>
    %add3A_61 = arith.addf %sqrt3A_58, %add3A_60 : vector<2048x1xf32>
    %div3A_62 = arith.divf %sub3A, %add3A_61 : vector<2048x1xf32>
    %div3A_63 = arith.divf %sub3A_50, %add3A_61 : vector<2048x1xf32>
    %div3A_64 = arith.divf %sub3A_52, %add3A_61 : vector<2048x1xf32>
    %mul3A_65 = arith.mulf %div3A_41, %div3A_64 : vector<2048x1xf32>
    %mul3A_66 = arith.mulf %div3A_42, %div3A_63 : vector<2048x1xf32>
    %sub3A_67 = arith.subf %mul3A_65, %mul3A_66 : vector<2048x1xf32>
    %mul3A_68 = arith.mulf %div3A_42, %div3A_62 : vector<2048x1xf32>
    %mul3A_69 = arith.mulf %div3A, %div3A_64 : vector<2048x1xf32>
    %sub3A_70 = arith.subf %mul3A_68, %mul3A_69 : vector<2048x1xf32>
    %mul3A_71 = arith.mulf %div3A, %div3A_63 : vector<2048x1xf32>
    %mul3A_72 = arith.mulf %div3A_41, %div3A_62 : vector<2048x1xf32>
    %sub3A_73 = arith.subf %mul3A_71, %mul3A_72 : vector<2048x1xf32>
    %add3A_74 = arith.constant 1.000000e+00 : f32
    %add3A_75 = vector.broadcast %add3A_74 : f32 to vector<2048x1xf32>
    %add3A_76 = arith.addf %add3A_75, %div3A : vector<2048x1xf32>
    %add3A_77 = arith.addf %add3A_76, %div3A_63 : vector<2048x1xf32>
    %add3A_78 = arith.addf %add3A_77, %sub3A_73 : vector<2048x1xf32>
    %jit3A_79 = arith.constant 9.99999993E-9 : f32
    %max3A_80 = vector.broadcast %jit3A_79 : f32 to vector<2048x1xf32>
    %max3A_81 = arith.maximumf %max3A_80, %add3A_78 : vector<2048x1xf32>
    %sqrt3A_82 = math.sqrt %max3A_81 : vector<2048x1xf32>
    %mul3A_83 = arith.constant 5.000000e-01 : f32
    %mul3A_84 = vector.broadcast %mul3A_83 : f32 to vector<2048x1xf32>
    %mul3A_85 = arith.mulf %mul3A_84, %sqrt3A_82 : vector<2048x1xf32>
    %swap3A_86 = arith.constant 0 : index
    %swap3A_87 = arith.constant 6 : index
    %swap3A_88 = vector.load %arg2[%swap3A_86, %swap3A_87] : memref<2048x14xf32, #tpu.memory_space<vmem>>, vector<2048x1xf32>
    tpu.vector_store %arg2[%swap3A_86, %swap3A_87], %mul3A_85 {strides = array<i32>} : memref<2048x14xf32, #tpu.memory_space<vmem>>, vector<2048x1xf32>,
    %sub3A_89 = arith.subf %sub3A_70, %div3A_64 : vector<2048x1xf32>
    %mul3A_90 = arith.constant 4.000000e+00 : f32
    %mul3A_91 = vector.broadcast %mul3A_90 : f32 to vector<2048x1xf32>
    %mul3A_92 = arith.mulf %mul3A_91, %mul3A_85 : vector<2048x1xf32>
    %div3A_93 = arith.divf %sub3A_89, %mul3A_92 : vector<2048x1xf32>
    %swap3A_94 = arith.constant 0 : index
    %swap3A_95 = arith.constant 7 : index
    %swap3A_96 = vector.load %arg2[%swap3A_94, %swap3A_95] : memref<2048x14xf32, #tpu.memory_space<vmem>>, vector<2048x1xf32>
    tpu.vector_store %arg2[%swap3A_94, %swap3A_95], %div3A_93 {strides = array<i32>} : memref<2048x14xf32, #tpu.memory_space<vmem>>, vector<2048x1xf32>,
    %sub3A_97 = arith.subf %div3A_42, %sub3A_67 : vector<2048x1xf32>
    %mul3A_98 = arith.constant 4.000000e+00 : f32
    %mul3A_99 = vector.broadcast %mul3A_98 : f32 to vector<2048x1xf32>
    %mul3A_100 = arith.mulf %mul3A_99, %mul3A_85 : vector<2048x1xf32>
    %div3A_101 = arith.divf %sub3A_97, %mul3A_100 : vector<2048x1xf32>
    %swap3A_102 = arith.constant 0 : index
    %swap3A_103 = arith.constant 8 : index
    %swap3A_104 = vector.load %arg2[%swap3A_102, %swap3A_103] : memref<2048x14xf32, #tpu.memory_space<vmem>>, vector<2048x1xf32>
    tpu.vector_store %arg2[%swap3A_102, %swap3A_103], %div3A_101 {strides = array<i32>} : memref<2048x14xf32, #tpu.memory_space<vmem>>, vector<2048x1xf32>,
    %sub3A_105 = arith.subf %div3A_62, %div3A_41 : vector<2048x1xf32>
    %mul3A_106 = arith.constant 4.000000e+00 : f32
    %mul3A_107 = vector.broadcast %mul3A_106 : f32 to vector<2048x1xf32>
    %mul3A_108 = arith.mulf %mul3A_107, %mul3A_85 : vector<2048x1xf32>
    %div3A_109 = arith.divf %sub3A_105, %mul3A_108 : vector<2048x1xf32>
    %swap3A_110 = arith.constant 0 : index
    %swap3A_111 = arith.constant 9 : index
    %swap3A_112 = vector.load %arg2[%swap3A_110, %swap3A_111] : memref<2048x14xf32, #tpu.memory_space<vmem>>, vector<2048x1xf32>
    tpu.vector_store %arg2[%swap3A_110, %swap3A_111], %div3A_109 {strides = array<i32>} : memref<2048x14xf32, #tpu.memory_space<vmem>>, vector<2048x1xf32>,
    %slice3A_113 = vector.extract_strided_slice %get3A_1 {offsets = [0, 12], sizes = [2048, 3], strides = [1, 1]} : vector<2048x16xf32> to vector<2048x3xf32>
    %logistic3A = arith.negf %slice3A_113 : vector<2048x3xf32>
    %logistic3A_114 = math.exp %logistic3A : vector<2048x3xf32>
    %logistic3A_115 = arith.constant 1.000000e+00 : f32
    %logistic3A_116 = vector.broadcast %logistic3A_115 : f32 to vector<2048x3xf32>
    %logistic3A_117 = arith.addf %logistic3A_116, %logistic3A_114 : vector<2048x3xf32>
    %logistic3A_118 = arith.divf %logistic3A_116, %logistic3A_117 : vector<2048x3xf32>
    %swap3A_119 = arith.constant 0 : index
    %swap3A_120 = arith.constant 10 : index
    %swap3A_121 = vector.load %arg2[%swap3A_119, %swap3A_120] : memref<2048x14xf32, #tpu.memory_space<vmem>>, vector<2048x3xf32>
    tpu.vector_store %arg2[%swap3A_119, %swap3A_120], %logistic3A_118 {strides = array<i32>} : memref<2048x14xf32, #tpu.memory_space<vmem>>, vector<2048x3xf32>,
    %slice3A_122 = vector.extract_strided_slice %get3A_1 {offsets = [0, 15], sizes = [2048, 1], strides = [1, 1]} : vector<2048x16xf32> to vector<2048x1xf32>
    %logistic3A_123 = arith.negf %slice3A_122 : vector<2048x1xf32>
    %logistic3A_124 = math.exp %logistic3A_123 : vector<2048x1xf32>
    %logistic3A_125 = arith.constant 1.000000e+00 : f32
    %logistic3A_126 = vector.broadcast %logistic3A_125 : f32 to vector<2048x1xf32>
    %logistic3A_127 = arith.addf %logistic3A_126, %logistic3A_124 : vector<2048x1xf32>
    %logistic3A_128 = arith.divf %logistic3A_126, %logistic3A_127 : vector<2048x1xf32>
    %swap3A_129 = arith.constant 0 : index
    %swap3A_130 = arith.constant 13 : index
    %swap3A_131 = vector.load %arg2[%swap3A_129, %swap3A_130] : memref<2048x14xf32, #tpu.memory_space<vmem>>, vector<2048x1xf32>
    tpu.vector_store %arg2[%swap3A_129, %swap3A_130], %logistic3A_128 {strides = array<i32>} : memref<2048x14xf32, #tpu.memory_space<vmem>>, vector<2048x1xf32>,
    return
  }
  func.func @transform_0(%arg0: i32) -> (i32, i32) {
    %c0_i32 = arith.constant 0 : i32
    %c0_i32_0 = arith.constant 0 : i32
    return %arg0, %c0_i32 : i32, i32
  }
  func.func @transform_1(%arg0: i32) -> (i32, i32) {
    %c0_i32 = arith.constant 0 : i32
    %c0_i32_0 = arith.constant 0 : i32
    return %arg0, %c0_i32 : i32, i32
  }
}

</mosaic_0001>

<sc_bundles>
// kernel: kernel.29.cloned.1.call-start
scs
__scs_entry_jumppad:
0x0: {  	(pc) =	sbr.rel $0x88, $3  }
0x1: {  	(tag) =	ssettag $0x0;
	lr =	simm.s32 $0x1  }
0x2: {  	[smem:$0x3F90] =	sst lr;
	_ =	strace $0xD0000000  }
0x3: {  	_ = 	snop  }
0x4: {  	_ = 	snop  }
0x5: {  	_ = 	snop  }
0x6: {  	_ = 	snop  }
0x7: {  	_ = 	snop  }
__scs_overlays_trampoline_lowered:
0x8: {  	[smem:$0x3F9F] =	sst s0  }
0x9: {  	[smem:$0x3FA0] =	sst s1  }
0xa: {  	[smem:$0x3FA1] =	sst s2  }
0xb: {  	[smem:$0x3FA2] =	sst s3  }
0xc: {  	[smem:$0x3FA3] =	sst s4  }
0xd: {  	[smem:$0x3FA4] =	sst s5  }
0xe: {  	[smem:$0x3FA5] =	sst s6  }
0xf: {  	[smem:$0x3FA6] =	sst s7  }
0x10: {  	[smem:$0x3FA7] =	sst s8  }
0x11: {  	[smem:$0x3FA8] =	sst s9;
	s0 =	simm.s32 @!p0 $0x0  }
0x12: {  	s1 =	sld [smem:$0x3F8E];
	s0 =	simm.s32 @p0 $0x1  }
0x13: {  	[smem:$0x3FA9] =	sst s0;
	s0 =	simm.s32 @!p1 $0x0  }
0x14: {  	s2 =	sld [smem:$0x3F8D];
	s0 =	simm.s32 @p1 $0x1  }
0x15: {  	[smem:$0x3FAA] =	sst s0;
	s0 =	simm.s32 @!p2 $0x0  }
0x16: {  	s3 =	sld [smem:$0x3FDB];
	s0 =	simm.s32 @p2 $0x1  }
0x17: {  	s4 =	simm.s32 $0x1BF5;
	[smem:$0x3FAC] =	sst s0  }
0x18: {  	s0 =	sld [smem:$0x3F8F];
	_ =	swait.ge [sflag:s4], $0x0  }
0x19: {  	s7 =	sld [smem:$0x3F90]  }
0x1a: {  	s8 =	sadd.s32 $0xFFFFE003, lr  }
0x1b: {  	s9 =	sadd.s32 $0xFFFFFEF7, lr;
	s5 =	simm.s32 $0xFFFFFFFF;
	p2 =	slt.u32 s8, $0xFFFFF086  }
0x1c: {  	p1 =	slt.u32 s9, $0xF7A;
	s5 =	simm.s32 @!p2 $0x0  }
0x1d: {  	s5 =	simm.s32 @p1 $0x1;
	p0 =	seq.s32 s7, s2  }
0x1e: {  	s7 =	smul.u32 @!p0 $0xF7A, s2;
	p2 =	seq.s32 @!p0 s5, $0x0  }
0x1f: {  	s9 =	smul.u32 $0xF7A, s1;
	s8 =	simm.s32 @!p0 $0x1BF5;
	p2 =	por !p2, p0  }
0x20: {  	[sflag:s8] =	ssyncset.s32 @!p0 $0xFFFFF086;
	s6 =	sadd.s32 @!p0 s3, s7;
	s7 =	simm.s32 @!p0 $0x108  }
0x21: {  	s3 =	sadd.s32 s3, s9;
	s6 =	sadd.s32 @!p0 $0x88, s6;
	s7 =	simm.s32 @p2 $0x1082  }
0x22: {  	[simem:s7], [sflag:s8] =	dma.local @!p0 [hbm:s6], $0xF7A  }
0x23: {  	s9 =	sor.u32 $0xD0000000, s2;
	s6 =	simm.s32 $0x108;
	_ =	swait.ge @!p0 [sflag:s8], $0x0  }
0x24: {  	s3 =	sadd.s32 $0x88, s3;
	s6 =	simm.s32 @!p1 $0x1082;
	[sflag:s4] =	ssyncset.s32 $0xFFFFF086  }
0x25: {  	[simem:s6], [sflag:s4] =	dma.local [hbm:s3], $0xF7A  }
0x26: {  	[smem:$0x3F90] =	sst s1;
	(tag) =	ssettag s2;
	_ =	strace s9  }
0x27: {  	s1 =	sld [smem:$0x3FA0]  }
0x28: {  	s2 =	sld [smem:$0x3FA1]  }
0x29: {  	s4 =	sld [smem:$0x3FA3]  }
0x2a: {  	p0 =	seq.s32 s5, $0x0;
	s5 =	sld [smem:$0x3FA4]  }
0x2b: {  	s6 =	sld [smem:$0x3FA5]  }
0x2c: {  	s7 =	sld [smem:$0x3FA6]  }
0x2d: {  	s3 =	simm.s32 $0x108;
	s8 =	sld [smem:$0x3FA7]  }
0x2e: {  	s3 =	simm.s32 @!p0 $0x1082;
	s9 =	sld [smem:$0x3FA8]  }
0x2f: {  	lr =	sadd.s32 s0, s3;
	s0 =	sld [smem:$0x3F9F]  }
0x30: {  	s3 =	sld [smem:$0x3FA2]  }
0x31: {  	[smem:$0x3FAB] =	sst s10  }
0x32: {  	s10 =	sld [smem:$0x3FA9];
	_ =	sdelay $0x3  }
0x33: {  	p0 =	seq.s32 s10, $0x1;
	s10 =	sld [smem:$0x3FAB];
	_ =	sdelay $0x3  }
0x34: {  	[smem:$0x3FAB] =	sst s10  }
0x35: {  	s10 =	sld [smem:$0x3FAA];
	_ =	sdelay $0x3  }
0x36: {  	p1 =	seq.s32 s10, $0x1;
	s10 =	sld [smem:$0x3FAB];
	_ =	sdelay $0x3  }
0x37: {  	[smem:$0x3FAB] =	sst s10  }
0x38: {  	s10 =	sld [smem:$0x3FAC]  }
0x39: {  	_ = 	snop;
	(pc) =	sbr.ind lr, $3  }
0x3a: {  	_ = 	snop  }
0x3b: {  	_ = 	snop  }
0x3c: {  	p2 =	seq.s32 s10, $0x1;
	s10 =	sld [smem:$0x3FAB]  }
0x3d: {  	_ =	shalt  }
0x3e: {  	_ =	shalt  }
0x3f: {  	_ =	shalt  }
0x40: {  	_ =	shalt  }
0x41: {  	_ =	shalt  }
0x42: {  	_ =	shalt  }
0x43: {  	_ =	shalt  }
0x44: {  	_ =	shalt  }
0x45: {  	_ =	shalt  }
0x46: {  	_ =	shalt  }
0x47: {  	_ =	shalt  }
0x48: {  	_ =	shalt  }
0x49: {  	_ =	shalt  }
0x4a: {  	_ =	shalt  }
0x4b: {  	_ =	shalt  }
0x4c: {  	_ =	shalt  }
0x4d: {  	_ =	shalt  }
0x4e: {  	_ =	shalt  }
0x4f: {  	_ =	shalt  }
0x50: {  	_ =	shalt  }
0x51: {  	_ =	shalt  }
0x52: {  	_ =	shalt  }
0x53: {  	_ =	shalt  }
0x54: {  	_ =	shalt  }
0x55: {  	_ =	shalt  }
0x56: {  	_ =	shalt  }
0x57: {  	_ =	shalt  }
0x58: {  	_ =	shalt  }
0x59: {  	_ =	shalt  }
0x5a: {  	_ =	shalt  }
0x5b: {  	_ =	shalt  }
0x5c: {  	_ =	shalt  }
0x5d: {  	_ =	shalt  }
0x5e: {  	_ =	shalt  }
0x5f: {  	_ =	shalt  }
0x60: {  	_ =	shalt  }
0x61: {  	_ =	shalt  }
0x62: {  	_ =	shalt  }
0x63: {  	_ =	shalt  }
0x64: {  	_ =	shalt  }
0x65: {  	_ =	shalt  }
0x66: {  	_ =	shalt  }
0x67: {  	_ =	shalt  }
0x68: {  	_ =	shalt  }
0x69: {  	_ =	shalt  }
0x6a: {  	_ =	shalt  }
0x6b: {  	_ =	shalt  }
0x6c: {  	_ =	shalt  }
0x6d: {  	_ =	shalt  }
0x6e: {  	_ =	shalt  }
0x6f: {  	_ =	shalt  }
0x70: {  	_ =	shalt  }
0x71: {  	_ =	shalt  }
0x72: {  	_ =	shalt  }
0x73: {  	_ =	shalt  }
0x74: {  	_ =	shalt  }
0x75: {  	_ =	shalt  }
0x76: {  	_ =	shalt  }
0x77: {  	_ =	shalt  }
0x78: {  	_ =	shalt  }
0x79: {  	_ =	shalt  }
0x7a: {  	_ =	shalt  }
0x7b: {  	_ =	shalt  }
0x7c: {  	_ =	shalt  }
0x7d: {  	_ =	shalt  }
0x7e: {  	_ =	shalt  }
0x7f: {  	_ =	shalt  }
0x80: {  	_ =	shalt  }
0x81: {  	_ =	shalt  }
0x82: {  	_ =	shalt  }
0x83: {  	_ =	shalt  }
0x84: {  	_ =	shalt  }
0x85: {  	_ =	shalt  }
0x86: {  	_ =	shalt  }
0x87: {  	_ =	shalt  }
.Lfunc_end0:
.L_simem_size_0:
called_computation_lowered:
.L_overlay_start_0:
0x88: {  	s2 =	sld [smem:$0x3FD9]  }
0x89: {  	s3 =	sld [smem:$0x3FFE];
	_ =	sdelay $0x1  }
0x8a: {  	s1 =	srdreg.scid  }
0x8b: {  	s0 =	sand.u32 $0x1, s1  }
0x8c: {  	s17 =	sshll.u32 s0, $0xA;
	s2 =	sadd.s32 s3, s2  }
0x8d: {  	s2 =	sadd.s32 s2, s17  }
0x8e: {  	[smem:$0x3FB7] =	sst s2  }
0x8f: {  	_ = 	snop  }
0x90: {  	s2 =	sld [smem:$0x3FD0];
	(tm) =	ssettm $0x1  }
0x91: {  	s18 =	sld [smem:$0x3FFB];
	_ =	sdelay $0x3  }
0x92: {  	_ =	strace s18  }
0x93: {  	s3 =	sld [smem:$0x3FFC];
	_ =	sdelay $0x3  }
0x94: {  	_ =	strace s3  }
0x95: {  	s3 =	sld [smem:$0x3FFD];
	_ =	sdelay $0x3  }
0x96: {  	_ =	strace s3  }
0x97: {  	_ =	strace $0x8FFFFFFF  }
0x98: {  	s19 =	sld [smem:$0x3FDB];
	_ =	sdelay $0x1  }
0x99: {  	s4 =	simm.s32 $_scs_section_size  }
0x9a: {  	s5 =	simm.s32 $_size__tile_overlayer_lowered;
	s6 =	simm.s32 $_tile_overlayer_lowered  }
0x9b: {  	s22 =	simm.s32 $0x1BFF;
	s21 =	sshll.u32 s6, $0x1;
	s3 =	sadd.s32 s4, s19  }
0x9c: {  	s7 =	simm.s32 $0x0;
	s20 =	sshll.u32 s5, $0x1;
	s5 =	sadd.s32 s21, s3  }
0x9d: {  	[timem:s7], [sflag:s22] =	dma.local [hbm:s5], s20  }
0x9e: {  	_ =	swait.ge [sflag:s22], s20  }
0x9f: {  	s4 =	ssub.s32 $0x0, s20;
	[sflag:s22] =	ssyncset.done $0x0  }
0xa0: {  	[sflag:s22] =	ssyncadd.s32 s4;
	_ =	sdelay $0x1  }
0xa1: {  	s23 =	simm.s32 $0x1B8B  }
0xa2: {  	_ =	swait.ge [sflag:s23], $0x1  }
0xa3: {  	[sflag:s23] =	ssyncset.done $0x0  }
0xa4: {  	s25 =	simm.s32 $0x1B8E;
	s24 =	sld [smem:$0x3FFE];
	[sflag:s23] =	ssyncadd.s32 $0xFFFFFFFF  }
0xa5: {  	s26 =	simm.s32 $execute0_lowered;
	[smem:$0x3FD2] =	sst s25  }
0xa6: {  	s5 =	sshll.u32 s26, $0x1;
	_ =	strace $0x80000046;
	[dreg:$0x1] =	wrdreg $0xFFFFFFFF  }
0xa7: {  	s28 =	simm.s32 $_size_execute0_lowered;
	s3 =	sadd.s32 s3, s5;
	[dreg:$0x0] =	wrdreg $0x0  }
0xa8: {  	s5 =	sshll.u32 s28, $0x1;
	[dreg:$0x2] =	wrdreg s3  }
0xa9: {  	[dreg:$0x3] =	wrdreg s5  }
0xaa: {  	[dreg:$0x4] =	wrdreg $0xC0  }
0xab: {  	_ =	task [dreg:s7], $0x5FFFF  }
0xac: {  	[dreg:$0x1] =	wrdreg $0xFFFFFFFF  }
0xad: {  	[dreg:$0x0] =	wrdreg $0x60  }
0xae: {  	[dreg:$0x2] =	wrdreg s24  }
0xaf: {  	[dreg:$0x3] =	wrdreg s2  }
0xb0: {  	[dreg:$0x4] =	wrdreg $0x9  }
0xb1: {  	_ =	task.clear_ibuf [dreg:s7], $0x5FFFF;
	_ =	strace $0x90000046  }
0xb2: {  	s29 =	simm.s32 $0x9;
	_ =	strace $0x80000048  }
0xb3: {  	_ =	swait.ge [sflag:s29], $0x1  }
0xb4: {  	[sflag:s29] =	ssyncadd.s32 $0xFFFFFFFF  }
0xb5: {  	_ =	strace $0x90000048  }
0xb6: {  	_ =	sfence  }
0xb7: {  	s30 =	sld [smem:$0x0];
	_ =	sdelay $0x2  }
0xb8: {  	s31 =	sshll.u32 s1, $0xD;
	s1 =	sshrl.u32 s1, $0x2  }
0xb9: {  	s3 =	sand.u32 $0x4000, s31;
	s1 =	sadd.s32 s1, s30  }
0xba: {  	s0 =	sor.u32 s3, s0;
	s1 =	sshll.u32 s1, $0x11  }
0xbb: {  	s0 =	sor.u32 s1, s0  }
0xbc: {  	s0 =	sadd.s32 $0x8F2B, s0  }
0xbd: {  	[sflag:s0] =	ssyncadd.remote.s32 $0x1  }
0xbe: {  	_ =	sfence.sel $0xFFFF  }
0xbf: {  	[dreg:$0x0] =	wrdreg $0xFFFFFFFF;
	(pc) =	sbr.abs _section_cstart, $3  }
0xc0: {  	[dreg:$0x1] =	wrdreg $0xFFFFFFFF  }
0xc1: {  	_ =	task.clear_ibuf [dreg:s7], $0x2FFFF;
	_ =	strace $0x9FFFFFFF  }
0xc2: {  	(tm) =	ssettm $0x7FFFFFFF  }
0xc3: {  	_ =	shalt  }
tec
execute0_lowered:
.L_overlay_start_1:
0x0: {  	(tag) =	ssettag $0x1  }
0x1: {  	s1 =	srdreg.scid;
	s0 =	stileid.u32  }
0x2: {  	s9 =	rddreg [dreg:$0x0];
	s13 =	sand.u32 $0x1, s1;
	s31 =	sshll.u32 s0, $0x1  }
0x3: {  	s3 =	rddreg [dreg:$0x1];
	s6 =	sor.u32 s13, s31  }
0x4: {  	s2 =	simm.s32 $0x0;
	s1 =	rddreg [dreg:$0x2];
	s4 =	smul.u32 $0x180, s6  }
0x5: {  	[smem:$0x7FF] =	sst s2  }
0x6: {  	_ =	strace $0x80000047;
	s4 =	sadd.s32 s3, s4;
	s3 =	simm.s32 $0x2  }
0x7: {  	[tilespmem:s2], [sflag:$0x2] =	stream.linear.gather [hbm4b:s4+s2], $0xC00, $0x38;
	[tilespmem:$0x18C00] =	vst v63  }
0x8: {  	s7 =	simm.s32 $0xC00;
	_ =	swait.ge [sflag:s3], $0xC00  }
0x9: {  	s8 =	simm.s32 $0x1;
	s5 =	sadd.s32 $0x47600, s9;
	[sflag:s3] =	ssyncset.done $0x0  }
0xa: {  	s10 =	smul.u32 $0xC000, s6;
	s6 =	simm.s32 $0x300;
	[sflag:s3] =	ssyncadd.s32 $0xFFFFF400  }
0xb: {  	[tilespmem:s7], [sflag:$0x1] =	stream.indirect.gather [hbm4b:s5+s6], $0x80, s2, s6, $0xb8;
	[tilespmem:$0x18C00] =	vst v63  }
0xc: {  	_ =	swait.ge [sflag:s8], $0x18000  }
0xd: {  	s14 =	sadd.s32 s10, s9;
	[sflag:s8] =	ssyncset.done $0x0  }
0xe: {  	s9 =	sadd.s32 $0x87600, s14;
	[sflag:s8] =	ssyncadd.s32 $0xFFFE8000  }
0xf: {  	[hbm4b:s9+s2] =	stream.linear.scatter [tilespmem:s7], [sflag:$0x2], $0x18000, $0x38;
	[tilespmem:$0x18C00] =	vst v63  }
0x10: {  	_ =	swait.ge [sflag:s3], $0x18000  }
0x11: {  	[sflag:s3] =	ssyncset.done $0x0  }
0x12: {  	[sflag:s3] =	ssyncadd.s32 $0xFFFE8000  }
0x13: {  	[tilespmem:s7], [sflag:$0x1] =	stream.indirect.gather [hbm4b:s5+s6], $0x80, s6, s6, $0xb8;
	[tilespmem:$0x18C00] =	vst v63  }
0x14: {  	_ =	swait.ge [sflag:s8], $0x18000  }
0x15: {  	[sflag:s8] =	ssyncset.done $0x0  }
0x16: {  	s10 =	sadd.s32 $0x8A600, s14;
	[sflag:s8] =	ssyncadd.s32 $0xFFFE8000  }
0x17: {  	[hbm4b:s10+s2] =	stream.linear.scatter [tilespmem:s7], [sflag:$0x2], $0x18000, $0x38;
	[tilespmem:$0x18C00] =	vst v63  }
0x18: {  	_ =	swait.ge [sflag:s3], $0x18000  }
0x19: {  	[sflag:s3] =	ssyncset.done $0x0  }
0x1a: {  	s11 =	simm.s32 $0x600;
	[sflag:s3] =	ssyncadd.s32 $0xFFFE8000  }
0x1b: {  	[tilespmem:s7], [sflag:$0x1] =	stream.indirect.gather [hbm4b:s5+s6], $0x80, s11, s6, $0xb8;
	[tilespmem:$0x18C00] =	vst v63  }
0x1c: {  	_ =	swait.ge [sflag:s8], $0x18000  }
0x1d: {  	[sflag:s8] =	ssyncset.done $0x0  }
0x1e: {  	s15 =	ssub.s32 $0x2, s13;
	s12 =	sadd.s32 $0x8D600, s14;
	[sflag:s8] =	ssyncadd.s32 $0xFFFE8000  }
0x1f: {  	[hbm4b:s12+s2] =	stream.linear.scatter [tilespmem:s7], [sflag:$0x2], $0x18000, $0x38;
	[tilespmem:$0x18C00] =	vst v63  }
0x20: {  	s16 =	sshrl.u32 s15, $0x1;
	_ =	swait.ge [sflag:s3], $0x18000  }
0x21: {  	s15 =	ssub.s32 s15, s16;
	[sflag:s3] =	ssyncset.done $0x0  }
0x22: {  	s13 =	simm.s32 $0x900;
	s15 =	smax.u32 s15, $0x1;
	[sflag:s3] =	ssyncadd.s32 $0xFFFE8000  }
0x23: {  	[tilespmem:s7], [sflag:$0x1] =	stream.indirect.gather [hbm4b:s5+s6], $0x80, s13, s6, $0xb8;
	[tilespmem:$0x18C00] =	vst v63  }
0x24: {  	p0 =	sne.s32 s15, $0x1;
	_ =	swait.ge [sflag:s8], $0x18000  }
.Ltmp0:
0x25: {  	[sflag:s8] =	ssyncset.done $0x0;
	(pc) =	sbr.rel @!p0 .LBB2_2-.Ltmp0, $4  }
0x26: {  	s14 =	sadd.s32 $0x90600, s14;
	[sflag:s8] =	ssyncadd.s32 $0xFFFE8000  }
0x27: {  	[hbm4b:s14+s2] =	stream.linear.scatter [tilespmem:s7], [sflag:$0x2], $0x18000, $0x38;
	[tilespmem:$0x18C00] =	vst v63  }
0x28: {  	_ =	swait.ge [sflag:s3], $0x18000  }
0x29: {  	s15 =	sadd.s32 $0xFFFFFFFF, s15;
	[sflag:s3] =	ssyncset.done $0x0  }
.LBB2_1:
0x2a: {  	p0 =	sne.s32 s15, $0x1;
	s15 =	sadd.s32 $0xFFFFFFFF, s15;
	[sflag:s3] =	ssyncadd.s32 $0xFFFE8000  }
0x2b: {  	[tilespmem:s2], [sflag:$0x2] =	stream.linear.gather [hbm4b:s4+s2], $0xC00, $0x38;
	[tilespmem:$0x18C00] =	vst v63  }
0x2c: {  	_ =	swait.ge [sflag:s3], $0xC00  }
0x2d: {  	[sflag:s3] =	ssyncset.done $0x0  }
0x2e: {  	[sflag:s3] =	ssyncadd.s32 $0xFFFFF400  }
0x2f: {  	[tilespmem:s7], [sflag:$0x1] =	stream.indirect.gather [hbm4b:s5+s6], $0x80, s2, s6, $0xb8;
	[tilespmem:$0x18C00] =	vst v63  }
0x30: {  	_ =	swait.ge [sflag:s8], $0x18000  }
0x31: {  	[sflag:s8] =	ssyncset.done $0x0  }
0x32: {  	[sflag:s8] =	ssyncadd.s32 $0xFFFE8000  }
0x33: {  	[hbm4b:s9+s2] =	stream.linear.scatter [tilespmem:s7], [sflag:$0x2], $0x18000, $0x38;
	[tilespmem:$0x18C00] =	vst v63  }
0x34: {  	_ =	swait.ge [sflag:s3], $0x18000  }
0x35: {  	[sflag:s3] =	ssyncset.done $0x0  }
0x36: {  	[sflag:s3] =	ssyncadd.s32 $0xFFFE8000  }
0x37: {  	[tilespmem:s7], [sflag:$0x1] =	stream.indirect.gather [hbm4b:s5+s6], $0x80, s6, s6, $0xb8;
	[tilespmem:$0x18C00] =	vst v63  }
0x38: {  	_ =	swait.ge [sflag:s8], $0x18000  }
0x39: {  	[sflag:s8] =	ssyncset.done $0x0  }
0x3a: {  	[sflag:s8] =	ssyncadd.s32 $0xFFFE8000  }
0x3b: {  	[hbm4b:s10+s2] =	stream.linear.scatter [tilespmem:s7], [sflag:$0x2], $0x18000, $0x38;
	[tilespmem:$0x18C00] =	vst v63  }
0x3c: {  	_ =	swait.ge [sflag:s3], $0x18000  }
0x3d: {  	[sflag:s3] =	ssyncset.done $0x0  }
0x3e: {  	[sflag:s3] =	ssyncadd.s32 $0xFFFE8000  }
0x3f: {  	[tilespmem:s7], [sflag:$0x1] =	stream.indirect.gather [hbm4b:s5+s6], $0x80, s11, s6, $0xb8;
	[tilespmem:$0x18C00] =	vst v63  }
0x40: {  	_ =	swait.ge [sflag:s8], $0x18000  }
0x41: {  	[sflag:s8] =	ssyncset.done $0x0  }
0x42: {  	[sflag:s8] =	ssyncadd.s32 $0xFFFE8000  }
0x43: {  	[hbm4b:s12+s2] =	stream.linear.scatter [tilespmem:s7], [sflag:$0x2], $0x18000, $0x38;
	[tilespmem:$0x18C00] =	vst v63  }
0x44: {  	_ =	swait.ge [sflag:s3], $0x18000  }
0x45: {  	[sflag:s3] =	ssyncset.done $0x0  }
0x46: {  	[sflag:s3] =	ssyncadd.s32 $0xFFFE8000  }
0x47: {  	[tilespmem:s7], [sflag:$0x1] =	stream.indirect.gather [hbm4b:s5+s6], $0x80, s13, s6, $0xb8;
	[tilespmem:$0x18C00] =	vst v63  }
0x48: {  	_ =	swait.ge [sflag:s8], $0x18000  }
.Ltmp1:
0x49: {  	[sflag:s8] =	ssyncset.done $0x0;
	(pc) =	sbr.rel @p0 .LBB2_1-.Ltmp1, $4  }
0x4a: {  	[sflag:s8] =	ssyncadd.s32 $0xFFFE8000  }
0x4b: {  	[hbm4b:s14+s2] =	stream.linear.scatter [tilespmem:s7], [sflag:$0x2], $0x18000, $0x38;
	[tilespmem:$0x18C00] =	vst v63  }
0x4c: {  	_ =	swait.ge [sflag:s3], $0x18000  }
0x4d: {  	[sflag:s3] =	ssyncset.done $0x0  }
.LBB2_2:
0x4e: {  	[sflag:s3] =	ssyncadd.s32 $0xFFFE8000  }
0x4f: {  	_ =	sfence.sel $0x180000  }
0x50: {  	[bflag:$0x0] =	sbarrier.arrive $0xFFFF  }
0x51: {  	p0 =	sne.s32 s0, $0x0;
	_ =	strace $0x90000047  }
0x52: {  	s0 =	sadd.s32 @!p0 $0x100000, s1;
	[bflag:$0x2] =	sbarrier.arrive $0xFFFF  }
0x53: {  	[sflag:s0] =	ssyncadd.tile.s32 @!p0 $0x1;
	_ =	shalt  }
.Lfunc_end2:
_tile_overlayer_lowered:
.L_overlay_start_2:
0x54: {  	(tag) =	ssettag $0x2  }
0x55: {  	s0 =	rddreg [dreg:$0x0];
	s2 =	stileid.u32  }
0x56: {  	s1 =	rddreg [dreg:$0x1];
	p0 =	sne.s32 s2, $0x0  }
0x57: {  	s3 =	rddreg [dreg:$0x2];
	[bflag:$0x3] =	sbarrier.arrive $0xFFFF;
	s2 =	simm.s32 @!p0 $0x1C02  }
0x58: {  	[timem:s3], [sflag:s2] =	dma.local @!p0 [hbm:s0], s1  }
0x59: {  	s0 =	simm.s32 @!p0 $0x2  }
0x5a: {  	_ =	swait.ge @!p0 [sflag:s0], s1  }
0x5b: {  	s1 =	ssub.s32 @!p0 $0x0, s1;
	[sflag:s0] =	ssyncset.done @!p0 $0x0  }
0x5c: {  	[sflag:s0] =	ssyncadd.s32 @!p0 s1  }
0x5d: {  	[bflag:$0x3] =	sbarrier.arrive $0xFFFF  }
0x5e: {  	_ =	shalt  }

// kernel: kernel.32.cloned.1.call-start
scs
__scs_entry_jumppad:
0x0: {  	(pc) =	sbr.rel $0x88, $3  }
0x1: {  	(tag) =	ssettag $0x0;
	lr =	simm.s32 $0x1  }
0x2: {  	[smem:$0x3F90] =	sst lr;
	_ =	strace $0xD0000000  }
0x3: {  	_ = 	snop  }
0x4: {  	_ = 	snop  }
0x5: {  	_ = 	snop  }
0x6: {  	_ = 	snop  }
0x7: {  	_ = 	snop  }
__scs_overlays_trampoline_lowered:
0x8: {  	[smem:$0x3F9F] =	sst s0  }
0x9: {  	[smem:$0x3FA0] =	sst s1  }
0xa: {  	[smem:$0x3FA1] =	sst s2  }
0xb: {  	[smem:$0x3FA2] =	sst s3  }
0xc: {  	[smem:$0x3FA3] =	sst s4  }
0xd: {  	[smem:$0x3FA4] =	sst s5  }
0xe: {  	[smem:$0x3FA5] =	sst s6  }
0xf: {  	[smem:$0x3FA6] =	sst s7  }
0x10: {  	[smem:$0x3FA7] =	sst s8  }
0x11: {  	[smem:$0x3FA8] =	sst s9;
	s0 =	simm.s32 @!p0 $0x0  }
0x12: {  	s1 =	sld [smem:$0x3F8E];
	s0 =	simm.s32 @p0 $0x1  }
0x13: {  	[smem:$0x3FA9] =	sst s0;
	s0 =	simm.s32 @!p1 $0x0  }
0x14: {  	s2 =	sld [smem:$0x3F8D];
	s0 =	simm.s32 @p1 $0x1  }
0x15: {  	[smem:$0x3FAA] =	sst s0;
	s0 =	simm.s32 @!p2 $0x0  }
0x16: {  	s3 =	sld [smem:$0x3FDB];
	s0 =	simm.s32 @p2 $0x1  }
0x17: {  	s4 =	simm.s32 $0x1BF5;
	[smem:$0x3FAC] =	sst s0  }
0x18: {  	s0 =	sld [smem:$0x3F8F];
	_ =	swait.ge [sflag:s4], $0x0  }
0x19: {  	s7 =	sld [smem:$0x3F90]  }
0x1a: {  	s8 =	sadd.s32 $0xFFFFE003, lr  }
0x1b: {  	s9 =	sadd.s32 $0xFFFFFEF7, lr;
	s5 =	simm.s32 $0xFFFFFFFF;
	p2 =	slt.u32 s8, $0xFFFFF086  }
0x1c: {  	p1 =	slt.u32 s9, $0xF7A;
	s5 =	simm.s32 @!p2 $0x0  }
0x1d: {  	s5 =	simm.s32 @p1 $0x1;
	p0 =	seq.s32 s7, s2  }
0x1e: {  	s7 =	smul.u32 @!p0 $0xF7A, s2;
	p2 =	seq.s32 @!p0 s5, $0x0  }
0x1f: {  	s9 =	smul.u32 $0xF7A, s1;
	s8 =	simm.s32 @!p0 $0x1BF5;
	p2 =	por !p2, p0  }
0x20: {  	[sflag:s8] =	ssyncset.s32 @!p0 $0xFFFFF086;
	s6 =	sadd.s32 @!p0 s3, s7;
	s7 =	simm.s32 @!p0 $0x108  }
0x21: {  	s3 =	sadd.s32 s3, s9;
	s6 =	sadd.s32 @!p0 $0x88, s6;
	s7 =	simm.s32 @p2 $0x1082  }
0x22: {  	[simem:s7], [sflag:s8] =	dma.local @!p0 [hbm:s6], $0xF7A  }
0x23: {  	s9 =	sor.u32 $0xD0000000, s2;
	s6 =	simm.s32 $0x108;
	_ =	swait.ge @!p0 [sflag:s8], $0x0  }
0x24: {  	s3 =	sadd.s32 $0x88, s3;
	s6 =	simm.s32 @!p1 $0x1082;
	[sflag:s4] =	ssyncset.s32 $0xFFFFF086  }
0x25: {  	[simem:s6], [sflag:s4] =	dma.local [hbm:s3], $0xF7A  }
0x26: {  	[smem:$0x3F90] =	sst s1;
	(tag) =	ssettag s2;
	_ =	strace s9  }
0x27: {  	s1 =	sld [smem:$0x3FA0]  }
0x28: {  	s2 =	sld [smem:$0x3FA1]  }
0x29: {  	s4 =	sld [smem:$0x3FA3]  }
0x2a: {  	p0 =	seq.s32 s5, $0x0;
	s5 =	sld [smem:$0x3FA4]  }
0x2b: {  	s6 =	sld [smem:$0x3FA5]  }
0x2c: {  	s7 =	sld [smem:$0x3FA6]  }
0x2d: {  	s3 =	simm.s32 $0x108;
	s8 =	sld [smem:$0x3FA7]  }
0x2e: {  	s3 =	simm.s32 @!p0 $0x1082;
	s9 =	sld [smem:$0x3FA8]  }
0x2f: {  	lr =	sadd.s32 s0, s3;
	s0 =	sld [smem:$0x3F9F]  }
0x30: {  	s3 =	sld [smem:$0x3FA2]  }
0x31: {  	[smem:$0x3FAB] =	sst s10  }
0x32: {  	s10 =	sld [smem:$0x3FA9];
	_ =	sdelay $0x3  }
0x33: {  	p0 =	seq.s32 s10, $0x1;
	s10 =	sld [smem:$0x3FAB];
	_ =	sdelay $0x3  }
0x34: {  	[smem:$0x3FAB] =	sst s10  }
0x35: {  	s10 =	sld [smem:$0x3FAA];
	_ =	sdelay $0x3  }
0x36: {  	p1 =	seq.s32 s10, $0x1;
	s10 =	sld [smem:$0x3FAB];
	_ =	sdelay $0x3  }
0x37: {  	[smem:$0x3FAB] =	sst s10  }
0x38: {  	s10 =	sld [smem:$0x3FAC]  }
0x39: {  	_ = 	snop;
	(pc) =	sbr.ind lr, $3  }
0x3a: {  	_ = 	snop  }
0x3b: {  	_ = 	snop  }
0x3c: {  	p2 =	seq.s32 s10, $0x1;
	s10 =	sld [smem:$0x3FAB]  }
0x3d: {  	_ =	shalt  }
0x3e: {  	_ =	shalt  }
0x3f: {  	_ =	shalt  }
0x40: {  	_ =	shalt  }
0x41: {  	_ =	shalt  }
0x42: {  	_ =	shalt  }
0x43: {  	_ =	shalt  }
0x44: {  	_ =	shalt  }
0x45: {  	_ =	shalt  }
0x46: {  	_ =	shalt  }
0x47: {  	_ =	shalt  }
0x48: {  	_ =	shalt  }
0x49: {  	_ =	shalt  }
0x4a: {  	_ =	shalt  }
0x4b: {  	_ =	shalt  }
0x4c: {  	_ =	shalt  }
0x4d: {  	_ =	shalt  }
0x4e: {  	_ =	shalt  }
0x4f: {  	_ =	shalt  }
0x50: {  	_ =	shalt  }
0x51: {  	_ =	shalt  }
0x52: {  	_ =	shalt  }
0x53: {  	_ =	shalt  }
0x54: {  	_ =	shalt  }
0x55: {  	_ =	shalt  }
0x56: {  	_ =	shalt  }
0x57: {  	_ =	shalt  }
0x58: {  	_ =	shalt  }
0x59: {  	_ =	shalt  }
0x5a: {  	_ =	shalt  }
0x5b: {  	_ =	shalt  }
0x5c: {  	_ =	shalt  }
0x5d: {  	_ =	shalt  }
0x5e: {  	_ =	shalt  }
0x5f: {  	_ =	shalt  }
0x60: {  	_ =	shalt  }
0x61: {  	_ =	shalt  }
0x62: {  	_ =	shalt  }
0x63: {  	_ =	shalt  }
0x64: {  	_ =	shalt  }
0x65: {  	_ =	shalt  }
0x66: {  	_ =	shalt  }
0x67: {  	_ =	shalt  }
0x68: {  	_ =	shalt  }
0x69: {  	_ =	shalt  }
0x6a: {  	_ =	shalt  }
0x6b: {  	_ =	shalt  }
0x6c: {  	_ =	shalt  }
0x6d: {  	_ =	shalt  }
0x6e: {  	_ =	shalt  }
0x6f: {  	_ =	shalt  }
0x70: {  	_ =	shalt  }
0x71: {  	_ =	shalt  }
0x72: {  	_ =	shalt  }
0x73: {  	_ =	shalt  }
0x74: {  	_ =	shalt  }
0x75: {  	_ =	shalt  }
0x76: {  	_ =	shalt  }
0x77: {  	_ =	shalt  }
0x78: {  	_ =	shalt  }
0x79: {  	_ =	shalt  }
0x7a: {  	_ =	shalt  }
0x7b: {  	_ =	shalt  }
0x7c: {  	_ =	shalt  }
0x7d: {  	_ =	shalt  }
0x7e: {  	_ =	shalt  }
0x7f: {  	_ =	shalt  }
0x80: {  	_ =	shalt  }
0x81: {  	_ =	shalt  }
0x82: {  	_ =	shalt  }
0x83: {  	_ =	shalt  }
0x84: {  	_ =	shalt  }
0x85: {  	_ =	shalt  }
0x86: {  	_ =	shalt  }
0x87: {  	_ =	shalt  }
.Lfunc_end0:
.L_simem_size_0:
called_computation.1_lowered:
.L_overlay_start_0:
0x88: {  	s2 =	sld [smem:$0x3FD9]  }
0x89: {  	s3 =	sld [smem:$0x3FFE];
	_ =	sdelay $0x1  }
0x8a: {  	s1 =	srdreg.scid  }
0x8b: {  	s0 =	sand.u32 $0x1, s1  }
0x8c: {  	s17 =	sshll.u32 s0, $0xA;
	s2 =	sadd.s32 s3, s2  }
0x8d: {  	s2 =	sadd.s32 s2, s17  }
0x8e: {  	[smem:$0x3FB7] =	sst s2  }
0x8f: {  	_ = 	snop  }
0x90: {  	s2 =	sld [smem:$0x3FD0];
	(tm) =	ssettm $0x1  }
0x91: {  	s18 =	sld [smem:$0x3FFB];
	_ =	sdelay $0x3  }
0x92: {  	_ =	strace s18  }
0x93: {  	s3 =	sld [smem:$0x3FFC];
	_ =	sdelay $0x3  }
0x94: {  	_ =	strace s3  }
0x95: {  	s3 =	sld [smem:$0x3FFD];
	_ =	sdelay $0x3  }
0x96: {  	_ =	strace s3  }
0x97: {  	_ =	strace $0x8FFFFFFF  }
0x98: {  	s19 =	sld [smem:$0x3FDB];
	_ =	sdelay $0x1  }
0x99: {  	s4 =	simm.s32 $_scs_section_size  }
0x9a: {  	s5 =	simm.s32 $_size__tile_overlayer_lowered;
	s6 =	simm.s32 $_tile_overlayer_lowered  }
0x9b: {  	s22 =	simm.s32 $0x1BFF;
	s21 =	sshll.u32 s6, $0x1;
	s3 =	sadd.s32 s4, s19  }
0x9c: {  	s7 =	simm.s32 $0x0;
	s20 =	sshll.u32 s5, $0x1;
	s5 =	sadd.s32 s21, s3  }
0x9d: {  	[timem:s7], [sflag:s22] =	dma.local [hbm:s5], s20  }
0x9e: {  	_ =	swait.ge [sflag:s22], s20  }
0x9f: {  	s4 =	ssub.s32 $0x0, s20;
	[sflag:s22] =	ssyncset.done $0x0  }
0xa0: {  	[sflag:s22] =	ssyncadd.s32 s4;
	_ =	sdelay $0x1  }
0xa1: {  	s23 =	simm.s32 $0x1B8B  }
0xa2: {  	_ =	swait.ge [sflag:s23], $0x1  }
0xa3: {  	[sflag:s23] =	ssyncset.done $0x0  }
0xa4: {  	s25 =	simm.s32 $0x1B8E;
	s24 =	sld [smem:$0x3FFE];
	[sflag:s23] =	ssyncadd.s32 $0xFFFFFFFF  }
0xa5: {  	s26 =	simm.s32 $execute0_lowered;
	[smem:$0x3FD2] =	sst s25  }
0xa6: {  	s5 =	sshll.u32 s26, $0x1;
	_ =	strace $0x80000049;
	[dreg:$0x1] =	wrdreg $0xFFFFFFFF  }
0xa7: {  	s28 =	simm.s32 $_size_execute0_lowered;
	s3 =	sadd.s32 s3, s5;
	[dreg:$0x0] =	wrdreg $0x0  }
0xa8: {  	s5 =	sshll.u32 s28, $0x1;
	[dreg:$0x2] =	wrdreg s3  }
0xa9: {  	[dreg:$0x3] =	wrdreg s5  }
0xaa: {  	[dreg:$0x4] =	wrdreg $0xC0  }
0xab: {  	_ =	task [dreg:s7], $0x5FFFF  }
0xac: {  	[dreg:$0x1] =	wrdreg $0xFFFFFFFF  }
0xad: {  	[dreg:$0x0] =	wrdreg $0x60  }
0xae: {  	[dreg:$0x2] =	wrdreg s24  }
0xaf: {  	[dreg:$0x3] =	wrdreg s2  }
0xb0: {  	[dreg:$0x4] =	wrdreg $0x9  }
0xb1: {  	_ =	task.clear_ibuf [dreg:s7], $0x5FFFF;
	_ =	strace $0x90000049  }
0xb2: {  	s29 =	simm.s32 $0x9;
	_ =	strace $0x8000004B  }
0xb3: {  	_ =	swait.ge [sflag:s29], $0x1  }
0xb4: {  	[sflag:s29] =	ssyncadd.s32 $0xFFFFFFFF  }
0xb5: {  	_ =	strace $0x9000004B  }
0xb6: {  	_ =	sfence  }
0xb7: {  	s30 =	sld [smem:$0x0];
	_ =	sdelay $0x2  }
0xb8: {  	s31 =	sshll.u32 s1, $0xD;
	s1 =	sshrl.u32 s1, $0x2  }
0xb9: {  	s3 =	sand.u32 $0x4000, s31;
	s1 =	sadd.s32 s1, s30  }
0xba: {  	s0 =	sor.u32 s3, s0;
	s1 =	sshll.u32 s1, $0x11  }
0xbb: {  	s0 =	sor.u32 s1, s0  }
0xbc: {  	s0 =	sadd.s32 $0x8F2B, s0  }
0xbd: {  	[sflag:s0] =	ssyncadd.remote.s32 $0x1  }
0xbe: {  	_ =	sfence.sel $0xFFFF  }
0xbf: {  	[dreg:$0x0] =	wrdreg $0xFFFFFFFF;
	(pc) =	sbr.abs _section_cstart, $3  }
0xc0: {  	[dreg:$0x1] =	wrdreg $0xFFFFFFFF  }
0xc1: {  	_ =	task.clear_ibuf [dreg:s7], $0x2FFFF;
	_ =	strace $0x9FFFFFFF  }
0xc2: {  	(tm) =	ssettm $0x7FFFFFFF  }
0xc3: {  	_ =	shalt  }
tec
execute0_lowered:
.L_overlay_start_1:
0x0: {  	(tag) =	ssettag $0x1  }
0x1: {  	s1 =	srdreg.scid;
	s0 =	stileid.u32  }
0x2: {  	s9 =	rddreg [dreg:$0x0];
	s13 =	sand.u32 $0x1, s1;
	s31 =	sshll.u32 s0, $0x1  }
0x3: {  	s3 =	rddreg [dreg:$0x1];
	s6 =	sor.u32 s13, s31  }
0x4: {  	s2 =	simm.s32 $0x0;
	s1 =	rddreg [dreg:$0x2];
	s4 =	smul.u32 $0x180, s6  }
0x5: {  	[smem:$0x7FF] =	sst s2  }
0x6: {  	_ =	strace $0x8000004A;
	s4 =	sadd.s32 s3, s4;
	s3 =	simm.s32 $0x2  }
0x7: {  	[tilespmem:s2], [sflag:$0x2] =	stream.linear.gather [hbm4b:s4+s2], $0xC00, $0x38;
	[tilespmem:$0x18C00] =	vst v63  }
0x8: {  	s7 =	simm.s32 $0xC00;
	_ =	swait.ge [sflag:s3], $0xC00  }
0x9: {  	s8 =	simm.s32 $0x1;
	s5 =	sadd.s32 $0x7600, s9;
	[sflag:s3] =	ssyncset.done $0x0  }
0xa: {  	s10 =	smul.u32 $0xC000, s6;
	s6 =	simm.s32 $0x300;
	[sflag:s3] =	ssyncadd.s32 $0xFFFFF400  }
0xb: {  	[tilespmem:s7], [sflag:$0x1] =	stream.indirect.gather [hbm4b:s5+s6], $0x80, s2, s6, $0xb8;
	[tilespmem:$0x18C00] =	vst v63  }
0xc: {  	_ =	swait.ge [sflag:s8], $0x18000  }
0xd: {  	s14 =	sadd.s32 s10, s9;
	[sflag:s8] =	ssyncset.done $0x0  }
0xe: {  	s9 =	sadd.s32 $0x87600, s14;
	[sflag:s8] =	ssyncadd.s32 $0xFFFE8000  }
0xf: {  	[hbm4b:s9+s2] =	stream.linear.scatter [tilespmem:s7], [sflag:$0x2], $0x18000, $0x38;
	[tilespmem:$0x18C00] =	vst v63  }
0x10: {  	_ =	swait.ge [sflag:s3], $0x18000  }
0x11: {  	[sflag:s3] =	ssyncset.done $0x0  }
0x12: {  	[sflag:s3] =	ssyncadd.s32 $0xFFFE8000  }
0x13: {  	[tilespmem:s7], [sflag:$0x1] =	stream.indirect.gather [hbm4b:s5+s6], $0x80, s6, s6, $0xb8;
	[tilespmem:$0x18C00] =	vst v63  }
0x14: {  	_ =	swait.ge [sflag:s8], $0x18000  }
0x15: {  	[sflag:s8] =	ssyncset.done $0x0  }
0x16: {  	s10 =	sadd.s32 $0x8A600, s14;
	[sflag:s8] =	ssyncadd.s32 $0xFFFE8000  }
0x17: {  	[hbm4b:s10+s2] =	stream.linear.scatter [tilespmem:s7], [sflag:$0x2], $0x18000, $0x38;
	[tilespmem:$0x18C00] =	vst v63  }
0x18: {  	_ =	swait.ge [sflag:s3], $0x18000  }
0x19: {  	[sflag:s3] =	ssyncset.done $0x0  }
0x1a: {  	s11 =	simm.s32 $0x600;
	[sflag:s3] =	ssyncadd.s32 $0xFFFE8000  }
0x1b: {  	[tilespmem:s7], [sflag:$0x1] =	stream.indirect.gather [hbm4b:s5+s6], $0x80, s11, s6, $0xb8;
	[tilespmem:$0x18C00] =	vst v63  }
0x1c: {  	_ =	swait.ge [sflag:s8], $0x18000  }
0x1d: {  	[sflag:s8] =	ssyncset.done $0x0  }
0x1e: {  	s15 =	ssub.s32 $0x2, s13;
	s12 =	sadd.s32 $0x8D600, s14;
	[sflag:s8] =	ssyncadd.s32 $0xFFFE8000  }
0x1f: {  	[hbm4b:s12+s2] =	stream.linear.scatter [tilespmem:s7], [sflag:$0x2], $0x18000, $0x38;
	[tilespmem:$0x18C00] =	vst v63  }
0x20: {  	s16 =	sshrl.u32 s15, $0x1;
	_ =	swait.ge [sflag:s3], $0x18000  }
0x21: {  	s15 =	ssub.s32 s15, s16;
	[sflag:s3] =	ssyncset.done $0x0  }
0x22: {  	s13 =	simm.s32 $0x900;
	s15 =	smax.u32 s15, $0x1;
	[sflag:s3] =	ssyncadd.s32 $0xFFFE8000  }
0x23: {  	[tilespmem:s7], [sflag:$0x1] =	stream.indirect.gather [hbm4b:s5+s6], $0x80, s13, s6, $0xb8;
	[tilespmem:$0x18C00] =	vst v63  }
0x24: {  	p0 =	sne.s32 s15, $0x1;
	_ =	swait.ge [sflag:s8], $0x18000  }
.Ltmp0:
0x25: {  	[sflag:s8] =	ssyncset.done $0x0;
	(pc) =	sbr.rel @!p0 .LBB2_2-.Ltmp0, $4  }
0x26: {  	s14 =	sadd.s32 $0x90600, s14;
	[sflag:s8] =	ssyncadd.s32 $0xFFFE8000  }
0x27: {  	[hbm4b:s14+s2] =	stream.linear.scatter [tilespmem:s7], [sflag:$0x2], $0x18000, $0x38;
	[tilespmem:$0x18C00] =	vst v63  }
0x28: {  	_ =	swait.ge [sflag:s3], $0x18000  }
0x29: {  	s15 =	sadd.s32 $0xFFFFFFFF, s15;
	[sflag:s3] =	ssyncset.done $0x0  }
.LBB2_1:
0x2a: {  	p0 =	sne.s32 s15, $0x1;
	s15 =	sadd.s32 $0xFFFFFFFF, s15;
	[sflag:s3] =	ssyncadd.s32 $0xFFFE8000  }
0x2b: {  	[tilespmem:s2], [sflag:$0x2] =	stream.linear.gather [hbm4b:s4+s2], $0xC00, $0x38;
	[tilespmem:$0x18C00] =	vst v63  }
0x2c: {  	_ =	swait.ge [sflag:s3], $0xC00  }
0x2d: {  	[sflag:s3] =	ssyncset.done $0x0  }
0x2e: {  	[sflag:s3] =	ssyncadd.s32 $0xFFFFF400  }
0x2f: {  	[tilespmem:s7], [sflag:$0x1] =	stream.indirect.gather [hbm4b:s5+s6], $0x80, s2, s6, $0xb8;
	[tilespmem:$0x18C00] =	vst v63  }
0x30: {  	_ =	swait.ge [sflag:s8], $0x18000  }
0x31: {  	[sflag:s8] =	ssyncset.done $0x0  }
0x32: {  	[sflag:s8] =	ssyncadd.s32 $0xFFFE8000  }
0x33: {  	[hbm4b:s9+s2] =	stream.linear.scatter [tilespmem:s7], [sflag:$0x2], $0x18000, $0x38;
	[tilespmem:$0x18C00] =	vst v63  }
0x34: {  	_ =	swait.ge [sflag:s3], $0x18000  }
0x35: {  	[sflag:s3] =	ssyncset.done $0x0  }
0x36: {  	[sflag:s3] =	ssyncadd.s32 $0xFFFE8000  }
0x37: {  	[tilespmem:s7], [sflag:$0x1] =	stream.indirect.gather [hbm4b:s5+s6], $0x80, s6, s6, $0xb8;
	[tilespmem:$0x18C00] =	vst v63  }
0x38: {  	_ =	swait.ge [sflag:s8], $0x18000  }
0x39: {  	[sflag:s8] =	ssyncset.done $0x0  }
0x3a: {  	[sflag:s8] =	ssyncadd.s32 $0xFFFE8000  }
0x3b: {  	[hbm4b:s10+s2] =	stream.linear.scatter [tilespmem:s7], [sflag:$0x2], $0x18000, $0x38;
	[tilespmem:$0x18C00] =	vst v63  }
0x3c: {  	_ =	swait.ge [sflag:s3], $0x18000  }
0x3d: {  	[sflag:s3] =	ssyncset.done $0x0  }
0x3e: {  	[sflag:s3] =	ssyncadd.s32 $0xFFFE8000  }
0x3f: {  	[tilespmem:s7], [sflag:$0x1] =	stream.indirect.gather [hbm4b:s5+s6], $0x80, s11, s6, $0xb8;
	[tilespmem:$0x18C00] =	vst v63  }
0x40: {  	_ =	swait.ge [sflag:s8], $0x18000  }
0x41: {  	[sflag:s8] =	ssyncset.done $0x0  }
0x42: {  	[sflag:s8] =	ssyncadd.s32 $0xFFFE8000  }
0x43: {  	[hbm4b:s12+s2] =	stream.linear.scatter [tilespmem:s7], [sflag:$0x2], $0x18000, $0x38;
	[tilespmem:$0x18C00] =	vst v63  }
0x44: {  	_ =	swait.ge [sflag:s3], $0x18000  }
0x45: {  	[sflag:s3] =	ssyncset.done $0x0  }
0x46: {  	[sflag:s3] =	ssyncadd.s32 $0xFFFE8000  }
0x47: {  	[tilespmem:s7], [sflag:$0x1] =	stream.indirect.gather [hbm4b:s5+s6], $0x80, s13, s6, $0xb8;
	[tilespmem:$0x18C00] =	vst v63  }
0x48: {  	_ =	swait.ge [sflag:s8], $0x18000  }
.Ltmp1:
0x49: {  	[sflag:s8] =	ssyncset.done $0x0;
	(pc) =	sbr.rel @p0 .LBB2_1-.Ltmp1, $4  }
0x4a: {  	[sflag:s8] =	ssyncadd.s32 $0xFFFE8000  }
0x4b: {  	[hbm4b:s14+s2] =	stream.linear.scatter [tilespmem:s7], [sflag:$0x2], $0x18000, $0x38;
	[tilespmem:$0x18C00] =	vst v63  }
0x4c: {  	_ =	swait.ge [sflag:s3], $0x18000  }
0x4d: {  	[sflag:s3] =	ssyncset.done $0x0  }
.LBB2_2:
0x4e: {  	[sflag:s3] =	ssyncadd.s32 $0xFFFE8000  }
0x4f: {  	_ =	sfence.sel $0x180000  }
0x50: {  	[bflag:$0x0] =	sbarrier.arrive $0xFFFF  }
0x51: {  	p0 =	sne.s32 s0, $0x0;
	_ =	strace $0x9000004A  }
0x52: {  	s0 =	sadd.s32 @!p0 $0x100000, s1;
	[bflag:$0x2] =	sbarrier.arrive $0xFFFF  }
0x53: {  	[sflag:s0] =	ssyncadd.tile.s32 @!p0 $0x1;
	_ =	shalt  }
.Lfunc_end2:
_tile_overlayer_lowered:
.L_overlay_start_2:
0x54: {  	(tag) =	ssettag $0x2  }
0x55: {  	s0 =	rddreg [dreg:$0x0];
	s2 =	stileid.u32  }
0x56: {  	s1 =	rddreg [dreg:$0x1];
	p0 =	sne.s32 s2, $0x0  }
0x57: {  	s3 =	rddreg [dreg:$0x2];
	[bflag:$0x3] =	sbarrier.arrive $0xFFFF;
	s2 =	simm.s32 @!p0 $0x1C02  }
0x58: {  	[timem:s3], [sflag:s2] =	dma.local @!p0 [hbm:s0], s1  }
0x59: {  	s0 =	simm.s32 @!p0 $0x2  }
0x5a: {  	_ =	swait.ge @!p0 [sflag:s0], s1  }
0x5b: {  	s1 =	ssub.s32 @!p0 $0x0, s1;
	[sflag:s0] =	ssyncset.done @!p0 $0x0  }
0x5c: {  	[sflag:s0] =	ssyncadd.s32 @!p0 s1  }
0x5d: {  	[bflag:$0x3] =	sbarrier.arrive $0xFFFF  }
0x5e: {  	_ =	shalt  }

// kernel: kernel.35.cloned.1.call-start
scs
__scs_entry_jumppad:
0x0: {  	(pc) =	sbr.rel $0x88, $3  }
0x1: {  	(tag) =	ssettag $0x0;
	lr =	simm.s32 $0x1  }
0x2: {  	[smem:$0x3F90] =	sst lr;
	_ =	strace $0xD0000000  }
0x3: {  	_ = 	snop  }
0x4: {  	_ = 	snop  }
0x5: {  	_ = 	snop  }
0x6: {  	_ = 	snop  }
0x7: {  	_ = 	snop  }
__scs_overlays_trampoline_lowered:
0x8: {  	[smem:$0x3F9F] =	sst s0  }
0x9: {  	[smem:$0x3FA0] =	sst s1  }
0xa: {  	[smem:$0x3FA1] =	sst s2  }
0xb: {  	[smem:$0x3FA2] =	sst s3  }
0xc: {  	[smem:$0x3FA3] =	sst s4  }
0xd: {  	[smem:$0x3FA4] =	sst s5  }
0xe: {  	[smem:$0x3FA5] =	sst s6  }
0xf: {  	[smem:$0x3FA6] =	sst s7  }
0x10: {  	[smem:$0x3FA7] =	sst s8  }
0x11: {  	[smem:$0x3FA8] =	sst s9;
	s0 =	simm.s32 @!p0 $0x0  }
0x12: {  	s1 =	sld [smem:$0x3F8E];
	s0 =	simm.s32 @p0 $0x1  }
0x13: {  	[smem:$0x3FA9] =	sst s0;
	s0 =	simm.s32 @!p1 $0x0  }
0x14: {  	s2 =	sld [smem:$0x3F8D];
	s0 =	simm.s32 @p1 $0x1  }
0x15: {  	[smem:$0x3FAA] =	sst s0;
	s0 =	simm.s32 @!p2 $0x0  }
0x16: {  	s3 =	sld [smem:$0x3FDB];
	s0 =	simm.s32 @p2 $0x1  }
0x17: {  	s4 =	simm.s32 $0x1BF5;
	[smem:$0x3FAC] =	sst s0  }
0x18: {  	s0 =	sld [smem:$0x3F8F];
	_ =	swait.ge [sflag:s4], $0x0  }
0x19: {  	s7 =	sld [smem:$0x3F90]  }
0x1a: {  	s8 =	sadd.s32 $0xFFFFE003, lr  }
0x1b: {  	s9 =	sadd.s32 $0xFFFFFEF7, lr;
	s5 =	simm.s32 $0xFFFFFFFF;
	p2 =	slt.u32 s8, $0xFFFFF086  }
0x1c: {  	p1 =	slt.u32 s9, $0xF7A;
	s5 =	simm.s32 @!p2 $0x0  }
0x1d: {  	s5 =	simm.s32 @p1 $0x1;
	p0 =	seq.s32 s7, s2  }
0x1e: {  	s7 =	smul.u32 @!p0 $0xF7A, s2;
	p2 =	seq.s32 @!p0 s5, $0x0  }
0x1f: {  	s9 =	smul.u32 $0xF7A, s1;
	s8 =	simm.s32 @!p0 $0x1BF5;
	p2 =	por !p2, p0  }
0x20: {  	[sflag:s8] =	ssyncset.s32 @!p0 $0xFFFFF086;
	s6 =	sadd.s32 @!p0 s3, s7;
	s7 =	simm.s32 @!p0 $0x108  }
0x21: {  	s3 =	sadd.s32 s3, s9;
	s6 =	sadd.s32 @!p0 $0x88, s6;
	s7 =	simm.s32 @p2 $0x1082  }
0x22: {  	[simem:s7], [sflag:s8] =	dma.local @!p0 [hbm:s6], $0xF7A  }
0x23: {  	s9 =	sor.u32 $0xD0000000, s2;
	s6 =	simm.s32 $0x108;
	_ =	swait.ge @!p0 [sflag:s8], $0x0  }
0x24: {  	s3 =	sadd.s32 $0x88, s3;
	s6 =	simm.s32 @!p1 $0x1082;
	[sflag:s4] =	ssyncset.s32 $0xFFFFF086  }
0x25: {  	[simem:s6], [sflag:s4] =	dma.local [hbm:s3], $0xF7A  }
0x26: {  	[smem:$0x3F90] =	sst s1;
	(tag) =	ssettag s2;
	_ =	strace s9  }
0x27: {  	s1 =	sld [smem:$0x3FA0]  }
0x28: {  	s2 =	sld [smem:$0x3FA1]  }
0x29: {  	s4 =	sld [smem:$0x3FA3]  }
0x2a: {  	p0 =	seq.s32 s5, $0x0;
	s5 =	sld [smem:$0x3FA4]  }
0x2b: {  	s6 =	sld [smem:$0x3FA5]  }
0x2c: {  	s7 =	sld [smem:$0x3FA6]  }
0x2d: {  	s3 =	simm.s32 $0x108;
	s8 =	sld [smem:$0x3FA7]  }
0x2e: {  	s3 =	simm.s32 @!p0 $0x1082;
	s9 =	sld [smem:$0x3FA8]  }
0x2f: {  	lr =	sadd.s32 s0, s3;
	s0 =	sld [smem:$0x3F9F]  }
0x30: {  	s3 =	sld [smem:$0x3FA2]  }
0x31: {  	[smem:$0x3FAB] =	sst s10  }
0x32: {  	s10 =	sld [smem:$0x3FA9];
	_ =	sdelay $0x3  }
0x33: {  	p0 =	seq.s32 s10, $0x1;
	s10 =	sld [smem:$0x3FAB];
	_ =	sdelay $0x3  }
0x34: {  	[smem:$0x3FAB] =	sst s10  }
0x35: {  	s10 =	sld [smem:$0x3FAA];
	_ =	sdelay $0x3  }
0x36: {  	p1 =	seq.s32 s10, $0x1;
	s10 =	sld [smem:$0x3FAB];
	_ =	sdelay $0x3  }
0x37: {  	[smem:$0x3FAB] =	sst s10  }
0x38: {  	s10 =	sld [smem:$0x3FAC]  }
0x39: {  	_ = 	snop;
	(pc) =	sbr.ind lr, $3  }
0x3a: {  	_ = 	snop  }
0x3b: {  	_ = 	snop  }
0x3c: {  	p2 =	seq.s32 s10, $0x1;
	s10 =	sld [smem:$0x3FAB]  }
0x3d: {  	_ =	shalt  }
0x3e: {  	_ =	shalt  }
0x3f: {  	_ =	shalt  }
0x40: {  	_ =	shalt  }
0x41: {  	_ =	shalt  }
0x42: {  	_ =	shalt  }
0x43: {  	_ =	shalt  }
0x44: {  	_ =	shalt  }
0x45: {  	_ =	shalt  }
0x46: {  	_ =	shalt  }
0x47: {  	_ =	shalt  }
0x48: {  	_ =	shalt  }
0x49: {  	_ =	shalt  }
0x4a: {  	_ =	shalt  }
0x4b: {  	_ =	shalt  }
0x4c: {  	_ =	shalt  }
0x4d: {  	_ =	shalt  }
0x4e: {  	_ =	shalt  }
0x4f: {  	_ =	shalt  }
0x50: {  	_ =	shalt  }
0x51: {  	_ =	shalt  }
0x52: {  	_ =	shalt  }
0x53: {  	_ =	shalt  }
0x54: {  	_ =	shalt  }
0x55: {  	_ =	shalt  }
0x56: {  	_ =	shalt  }
0x57: {  	_ =	shalt  }
0x58: {  	_ =	shalt  }
0x59: {  	_ =	shalt  }
0x5a: {  	_ =	shalt  }
0x5b: {  	_ =	shalt  }
0x5c: {  	_ =	shalt  }
0x5d: {  	_ =	shalt  }
0x5e: {  	_ =	shalt  }
0x5f: {  	_ =	shalt  }
0x60: {  	_ =	shalt  }
0x61: {  	_ =	shalt  }
0x62: {  	_ =	shalt  }
0x63: {  	_ =	shalt  }
0x64: {  	_ =	shalt  }
0x65: {  	_ =	shalt  }
0x66: {  	_ =	shalt  }
0x67: {  	_ =	shalt  }
0x68: {  	_ =	shalt  }
0x69: {  	_ =	shalt  }
0x6a: {  	_ =	shalt  }
0x6b: {  	_ =	shalt  }
0x6c: {  	_ =	shalt  }
0x6d: {  	_ =	shalt  }
0x6e: {  	_ =	shalt  }
0x6f: {  	_ =	shalt  }
0x70: {  	_ =	shalt  }
0x71: {  	_ =	shalt  }
0x72: {  	_ =	shalt  }
0x73: {  	_ =	shalt  }
0x74: {  	_ =	shalt  }
0x75: {  	_ =	shalt  }
0x76: {  	_ =	shalt  }
0x77: {  	_ =	shalt  }
0x78: {  	_ =	shalt  }
0x79: {  	_ =	shalt  }
0x7a: {  	_ =	shalt  }
0x7b: {  	_ =	shalt  }
0x7c: {  	_ =	shalt  }
0x7d: {  	_ =	shalt  }
0x7e: {  	_ =	shalt  }
0x7f: {  	_ =	shalt  }
0x80: {  	_ =	shalt  }
0x81: {  	_ =	shalt  }
0x82: {  	_ =	shalt  }
0x83: {  	_ =	shalt  }
0x84: {  	_ =	shalt  }
0x85: {  	_ =	shalt  }
0x86: {  	_ =	shalt  }
0x87: {  	_ =	shalt  }
.Lfunc_end0:
.L_simem_size_0:
called_computation.2_lowered:
.L_overlay_start_0:
0x88: {  	s2 =	sld [smem:$0x3FD9]  }
0x89: {  	s3 =	sld [smem:$0x3FFE];
	_ =	sdelay $0x1  }
0x8a: {  	s1 =	srdreg.scid  }
0x8b: {  	s0 =	sand.u32 $0x1, s1  }
0x8c: {  	s17 =	sshll.u32 s0, $0xA;
	s2 =	sadd.s32 s3, s2  }
0x8d: {  	s2 =	sadd.s32 s2, s17  }
0x8e: {  	[smem:$0x3FB7] =	sst s2  }
0x8f: {  	_ = 	snop  }
0x90: {  	s2 =	sld [smem:$0x3FD0];
	(tm) =	ssettm $0x1  }
0x91: {  	s18 =	sld [smem:$0x3FFB];
	_ =	sdelay $0x3  }
0x92: {  	_ =	strace s18  }
0x93: {  	s3 =	sld [smem:$0x3FFC];
	_ =	sdelay $0x3  }
0x94: {  	_ =	strace s3  }
0x95: {  	s3 =	sld [smem:$0x3FFD];
	_ =	sdelay $0x3  }
0x96: {  	_ =	strace s3  }
0x97: {  	_ =	strace $0x8FFFFFFF  }
0x98: {  	s19 =	sld [smem:$0x3FDB];
	_ =	sdelay $0x1  }
0x99: {  	s4 =	simm.s32 $_scs_section_size  }
0x9a: {  	s5 =	simm.s32 $_size__tile_overlayer_lowered;
	s6 =	simm.s32 $_tile_overlayer_lowered  }
0x9b: {  	s22 =	simm.s32 $0x1BFF;
	s21 =	sshll.u32 s6, $0x1;
	s3 =	sadd.s32 s4, s19  }
0x9c: {  	s7 =	simm.s32 $0x0;
	s20 =	sshll.u32 s5, $0x1;
	s5 =	sadd.s32 s21, s3  }
0x9d: {  	[timem:s7], [sflag:s22] =	dma.local [hbm:s5], s20  }
0x9e: {  	_ =	swait.ge [sflag:s22], s20  }
0x9f: {  	s4 =	ssub.s32 $0x0, s20;
	[sflag:s22] =	ssyncset.done $0x0  }
0xa0: {  	[sflag:s22] =	ssyncadd.s32 s4;
	_ =	sdelay $0x1  }
0xa1: {  	s23 =	simm.s32 $0x1B8B  }
0xa2: {  	_ =	swait.ge [sflag:s23], $0x1  }
0xa3: {  	[sflag:s23] =	ssyncset.done $0x0  }
0xa4: {  	s25 =	simm.s32 $0x1B8E;
	s24 =	sld [smem:$0x3FFE];
	[sflag:s23] =	ssyncadd.s32 $0xFFFFFFFF  }
0xa5: {  	s26 =	simm.s32 $execute0_lowered;
	[smem:$0x3FD2] =	sst s25  }
0xa6: {  	s5 =	sshll.u32 s26, $0x1;
	_ =	strace $0x8000004C;
	[dreg:$0x1] =	wrdreg $0xFFFFFFFF  }
0xa7: {  	s28 =	simm.s32 $_size_execute0_lowered;
	s3 =	sadd.s32 s3, s5;
	[dreg:$0x0] =	wrdreg $0x0  }
0xa8: {  	s5 =	sshll.u32 s28, $0x1;
	[dreg:$0x2] =	wrdreg s3  }
0xa9: {  	[dreg:$0x3] =	wrdreg s5  }
0xaa: {  	[dreg:$0x4] =	wrdreg $0xC0  }
0xab: {  	_ =	task [dreg:s7], $0x5FFFF  }
0xac: {  	[dreg:$0x1] =	wrdreg $0xFFFFFFFF  }
0xad: {  	[dreg:$0x0] =	wrdreg $0x60  }
0xae: {  	[dreg:$0x2] =	wrdreg s24  }
0xaf: {  	[dreg:$0x3] =	wrdreg s2  }
0xb0: {  	[dreg:$0x4] =	wrdreg $0x9  }
0xb1: {  	_ =	task.clear_ibuf [dreg:s7], $0x5FFFF;
	_ =	strace $0x9000004C  }
0xb2: {  	s29 =	simm.s32 $0x9;
	_ =	strace $0x8000004E  }
0xb3: {  	_ =	swait.ge [sflag:s29], $0x1  }
0xb4: {  	[sflag:s29] =	ssyncadd.s32 $0xFFFFFFFF  }
0xb5: {  	_ =	strace $0x9000004E  }
0xb6: {  	_ =	sfence  }
0xb7: {  	s30 =	sld [smem:$0x0];
	_ =	sdelay $0x2  }
0xb8: {  	s31 =	sshll.u32 s1, $0xD;
	s1 =	sshrl.u32 s1, $0x2  }
0xb9: {  	s3 =	sand.u32 $0x4000, s31;
	s1 =	sadd.s32 s1, s30  }
0xba: {  	s0 =	sor.u32 s3, s0;
	s1 =	sshll.u32 s1, $0x11  }
0xbb: {  	s0 =	sor.u32 s1, s0  }
0xbc: {  	s0 =	sadd.s32 $0x8F2B, s0  }
0xbd: {  	[sflag:s0] =	ssyncadd.remote.s32 $0x1  }
0xbe: {  	_ =	sfence.sel $0xFFFF  }
0xbf: {  	[dreg:$0x0] =	wrdreg $0xFFFFFFFF;
	(pc) =	sbr.abs _section_cstart, $3  }
0xc0: {  	[dreg:$0x1] =	wrdreg $0xFFFFFFFF  }
0xc1: {  	_ =	task.clear_ibuf [dreg:s7], $0x2FFFF;
	_ =	strace $0x9FFFFFFF  }
0xc2: {  	(tm) =	ssettm $0x7FFFFFFF  }
0xc3: {  	_ =	shalt  }
tec
execute0_lowered:
.L_overlay_start_1:
0x0: {  	(tag) =	ssettag $0x1  }
0x1: {  	s1 =	srdreg.scid;
	s0 =	stileid.u32  }
0x2: {  	s9 =	rddreg [dreg:$0x0];
	s13 =	sand.u32 $0x1, s1;
	s31 =	sshll.u32 s0, $0x1  }
0x3: {  	s3 =	rddreg [dreg:$0x1];
	s6 =	sor.u32 s13, s31  }
0x4: {  	s2 =	simm.s32 $0x0;
	s1 =	rddreg [dreg:$0x2];
	s4 =	smul.u32 $0x180, s6  }
0x5: {  	[smem:$0x7FF] =	sst s2  }
0x6: {  	_ =	strace $0x8000004D;
	s4 =	sadd.s32 s3, s4;
	s3 =	simm.s32 $0x2  }
0x7: {  	[tilespmem:s2], [sflag:$0x2] =	stream.linear.gather [hbm4b:s4+s2], $0xC00, $0x38;
	[tilespmem:$0x18C00] =	vst v63  }
0x8: {  	s7 =	simm.s32 $0xC00;
	_ =	swait.ge [sflag:s3], $0xC00  }
0x9: {  	s8 =	simm.s32 $0x1;
	s5 =	sadd.s32 $0x7600, s9;
	[sflag:s3] =	ssyncset.done $0x0  }
0xa: {  	s10 =	smul.u32 $0xC000, s6;
	s6 =	simm.s32 $0x300;
	[sflag:s3] =	ssyncadd.s32 $0xFFFFF400  }
0xb: {  	[tilespmem:s7], [sflag:$0x1] =	stream.indirect.gather [hbm4b:s5+s6], $0x80, s2, s6, $0xb8;
	[tilespmem:$0x18C00] =	vst v63  }
0xc: {  	_ =	swait.ge [sflag:s8], $0x18000  }
0xd: {  	s14 =	sadd.s32 s10, s9;
	[sflag:s8] =	ssyncset.done $0x0  }
0xe: {  	s9 =	sadd.s32 $0x87600, s14;
	[sflag:s8] =	ssyncadd.s32 $0xFFFE8000  }
0xf: {  	[hbm4b:s9+s2] =	stream.linear.scatter [tilespmem:s7], [sflag:$0x2], $0x18000, $0x38;
	[tilespmem:$0x18C00] =	vst v63  }
0x10: {  	_ =	swait.ge [sflag:s3], $0x18000  }
0x11: {  	[sflag:s3] =	ssyncset.done $0x0  }
0x12: {  	[sflag:s3] =	ssyncadd.s32 $0xFFFE8000  }
0x13: {  	[tilespmem:s7], [sflag:$0x1] =	stream.indirect.gather [hbm4b:s5+s6], $0x80, s6, s6, $0xb8;
	[tilespmem:$0x18C00] =	vst v63  }
0x14: {  	_ =	swait.ge [sflag:s8], $0x18000  }
0x15: {  	[sflag:s8] =	ssyncset.done $0x0  }
0x16: {  	s10 =	sadd.s32 $0x8A600, s14;
	[sflag:s8] =	ssyncadd.s32 $0xFFFE8000  }
0x17: {  	[hbm4b:s10+s2] =	stream.linear.scatter [tilespmem:s7], [sflag:$0x2], $0x18000, $0x38;
	[tilespmem:$0x18C00] =	vst v63  }
0x18: {  	_ =	swait.ge [sflag:s3], $0x18000  }
0x19: {  	[sflag:s3] =	ssyncset.done $0x0  }
0x1a: {  	s11 =	simm.s32 $0x600;
	[sflag:s3] =	ssyncadd.s32 $0xFFFE8000  }
0x1b: {  	[tilespmem:s7], [sflag:$0x1] =	stream.indirect.gather [hbm4b:s5+s6], $0x80, s11, s6, $0xb8;
	[tilespmem:$0x18C00] =	vst v63  }
0x1c: {  	_ =	swait.ge [sflag:s8], $0x18000  }
0x1d: {  	[sflag:s8] =	ssyncset.done $0x0  }
0x1e: {  	s15 =	ssub.s32 $0x2, s13;
	s12 =	sadd.s32 $0x8D600, s14;
	[sflag:s8] =	ssyncadd.s32 $0xFFFE8000  }
0x1f: {  	[hbm4b:s12+s2] =	stream.linear.scatter [tilespmem:s7], [sflag:$0x2], $0x18000, $0x38;
	[tilespmem:$0x18C00] =	vst v63  }
0x20: {  	s16 =	sshrl.u32 s15, $0x1;
	_ =	swait.ge [sflag:s3], $0x18000  }
0x21: {  	s15 =	ssub.s32 s15, s16;
	[sflag:s3] =	ssyncset.done $0x0  }
0x22: {  	s13 =	simm.s32 $0x900;
	s15 =	smax.u32 s15, $0x1;
	[sflag:s3] =	ssyncadd.s32 $0xFFFE8000  }
0x23: {  	[tilespmem:s7], [sflag:$0x1] =	stream.indirect.gather [hbm4b:s5+s6], $0x80, s13, s6, $0xb8;
	[tilespmem:$0x18C00] =	vst v63  }
0x24: {  	p0 =	sne.s32 s15, $0x1;
	_ =	swait.ge [sflag:s8], $0x18000  }
.Ltmp0:
0x25: {  	[sflag:s8] =	ssyncset.done $0x0;
	(pc) =	sbr.rel @!p0 .LBB2_2-.Ltmp0, $4  }
0x26: {  	s14 =	sadd.s32 $0x90600, s14;
	[sflag:s8] =	ssyncadd.s32 $0xFFFE8000  }
0x27: {  	[hbm4b:s14+s2] =	stream.linear.scatter [tilespmem:s7], [sflag:$0x2], $0x18000, $0x38;
	[tilespmem:$0x18C00] =	vst v63  }
0x28: {  	_ =	swait.ge [sflag:s3], $0x18000  }
0x29: {  	s15 =	sadd.s32 $0xFFFFFFFF, s15;
	[sflag:s3] =	ssyncset.done $0x0  }
.LBB2_1:
0x2a: {  	p0 =	sne.s32 s15, $0x1;
	s15 =	sadd.s32 $0xFFFFFFFF, s15;
	[sflag:s3] =	ssyncadd.s32 $0xFFFE8000  }
0x2b: {  	[tilespmem:s2], [sflag:$0x2] =	stream.linear.gather [hbm4b:s4+s2], $0xC00, $0x38;
	[tilespmem:$0x18C00] =	vst v63  }
0x2c: {  	_ =	swait.ge [sflag:s3], $0xC00  }
0x2d: {  	[sflag:s3] =	ssyncset.done $0x0  }
0x2e: {  	[sflag:s3] =	ssyncadd.s32 $0xFFFFF400  }
0x2f: {  	[tilespmem:s7], [sflag:$0x1] =	stream.indirect.gather [hbm4b:s5+s6], $0x80, s2, s6, $0xb8;
	[tilespmem:$0x18C00] =	vst v63  }
0x30: {  	_ =	swait.ge [sflag:s8], $0x18000  }
0x31: {  	[sflag:s8] =	ssyncset.done $0x0  }
0x32: {  	[sflag:s8] =	ssyncadd.s32 $0xFFFE8000  }
0x33: {  	[hbm4b:s9+s2] =	stream.linear.scatter [tilespmem:s7], [sflag:$0x2], $0x18000, $0x38;
	[tilespmem:$0x18C00] =	vst v63  }
0x34: {  	_ =	swait.ge [sflag:s3], $0x18000  }
0x35: {  	[sflag:s3] =	ssyncset.done $0x0  }
0x36: {  	[sflag:s3] =	ssyncadd.s32 $0xFFFE8000  }
0x37: {  	[tilespmem:s7], [sflag:$0x1] =	stream.indirect.gather [hbm4b:s5+s6], $0x80, s6, s6, $0xb8;
	[tilespmem:$0x18C00] =	vst v63  }
0x38: {  	_ =	swait.ge [sflag:s8], $0x18000  }
0x39: {  	[sflag:s8] =	ssyncset.done $0x0  }
0x3a: {  	[sflag:s8] =	ssyncadd.s32 $0xFFFE8000  }
0x3b: {  	[hbm4b:s10+s2] =	stream.linear.scatter [tilespmem:s7], [sflag:$0x2], $0x18000, $0x38;
	[tilespmem:$0x18C00] =	vst v63  }
0x3c: {  	_ =	swait.ge [sflag:s3], $0x18000  }
0x3d: {  	[sflag:s3] =	ssyncset.done $0x0  }
0x3e: {  	[sflag:s3] =	ssyncadd.s32 $0xFFFE8000  }
0x3f: {  	[tilespmem:s7], [sflag:$0x1] =	stream.indirect.gather [hbm4b:s5+s6], $0x80, s11, s6, $0xb8;
	[tilespmem:$0x18C00] =	vst v63  }
0x40: {  	_ =	swait.ge [sflag:s8], $0x18000  }
0x41: {  	[sflag:s8] =	ssyncset.done $0x0  }
0x42: {  	[sflag:s8] =	ssyncadd.s32 $0xFFFE8000  }
0x43: {  	[hbm4b:s12+s2] =	stream.linear.scatter [tilespmem:s7], [sflag:$0x2], $0x18000, $0x38;
	[tilespmem:$0x18C00] =	vst v63  }
0x44: {  	_ =	swait.ge [sflag:s3], $0x18000  }
0x45: {  	[sflag:s3] =	ssyncset.done $0x0  }
0x46: {  	[sflag:s3] =	ssyncadd.s32 $0xFFFE8000  }
0x47: {  	[tilespmem:s7], [sflag:$0x1] =	stream.indirect.gather [hbm4b:s5+s6], $0x80, s13, s6, $0xb8;
	[tilespmem:$0x18C00] =	vst v63  }
0x48: {  	_ =	swait.ge [sflag:s8], $0x18000  }
.Ltmp1:
0x49: {  	[sflag:s8] =	ssyncset.done $0x0;
	(pc) =	sbr.rel @p0 .LBB2_1-.Ltmp1, $4  }
0x4a: {  	[sflag:s8] =	ssyncadd.s32 $0xFFFE8000  }
0x4b: {  	[hbm4b:s14+s2] =	stream.linear.scatter [tilespmem:s7], [sflag:$0x2], $0x18000, $0x38;
	[tilespmem:$0x18C00] =	vst v63  }
0x4c: {  	_ =	swait.ge [sflag:s3], $0x18000  }
0x4d: {  	[sflag:s3] =	ssyncset.done $0x0  }
.LBB2_2:
0x4e: {  	[sflag:s3] =	ssyncadd.s32 $0xFFFE8000  }
0x4f: {  	_ =	sfence.sel $0x180000  }
0x50: {  	[bflag:$0x0] =	sbarrier.arrive $0xFFFF  }
0x51: {  	p0 =	sne.s32 s0, $0x0;
	_ =	strace $0x9000004D  }
0x52: {  	s0 =	sadd.s32 @!p0 $0x100000, s1;
	[bflag:$0x2] =	sbarrier.arrive $0xFFFF  }
0x53: {  	[sflag:s0] =	ssyncadd.tile.s32 @!p0 $0x1;
	_ =	shalt  }
.Lfunc_end2:
_tile_overlayer_lowered:
.L_overlay_start_2:
0x54: {  	(tag) =	ssettag $0x2  }
0x55: {  	s0 =	rddreg [dreg:$0x0];
	s2 =	stileid.u32  }
0x56: {  	s1 =	rddreg [dreg:$0x1];
	p0 =	sne.s32 s2, $0x0  }
0x57: {  	s3 =	rddreg [dreg:$0x2];
	[bflag:$0x3] =	sbarrier.arrive $0xFFFF;
	s2 =	simm.s32 @!p0 $0x1C02  }
0x58: {  	[timem:s3], [sflag:s2] =	dma.local @!p0 [hbm:s0], s1  }
0x59: {  	s0 =	simm.s32 @!p0 $0x2  }
0x5a: {  	_ =	swait.ge @!p0 [sflag:s0], s1  }
0x5b: {  	s1 =	ssub.s32 @!p0 $0x0, s1;
	[sflag:s0] =	ssyncset.done @!p0 $0x0  }
0x5c: {  	[sflag:s0] =	ssyncadd.s32 @!p0 s1  }
0x5d: {  	[bflag:$0x3] =	sbarrier.arrive $0xFFFF  }
0x5e: {  	_ =	shalt  }

// kernel: kernel.38.cloned.1.call-start
scs
__scs_entry_jumppad:
0x0: {  	(pc) =	sbr.rel $0x88, $3  }
0x1: {  	(tag) =	ssettag $0x0;
	lr =	simm.s32 $0x1  }
0x2: {  	[smem:$0x3F90] =	sst lr;
	_ =	strace $0xD0000000  }
0x3: {  	_ = 	snop  }
0x4: {  	_ = 	snop  }
0x5: {  	_ = 	snop  }
0x6: {  	_ = 	snop  }
0x7: {  	_ = 	snop  }
__scs_overlays_trampoline_lowered:
0x8: {  	[smem:$0x3F9F] =	sst s0  }
0x9: {  	[smem:$0x3FA0] =	sst s1  }
0xa: {  	[smem:$0x3FA1] =	sst s2  }
0xb: {  	[smem:$0x3FA2] =	sst s3  }
0xc: {  	[smem:$0x3FA3] =	sst s4  }
0xd: {  	[smem:$0x3FA4] =	sst s5  }
0xe: {  	[smem:$0x3FA5] =	sst s6  }
0xf: {  	[smem:$0x3FA6] =	sst s7  }
0x10: {  	[smem:$0x3FA7] =	sst s8  }
0x11: {  	[smem:$0x3FA8] =	sst s9;
	s0 =	simm.s32 @!p0 $0x0  }
0x12: {  	s1 =	sld [smem:$0x3F8E];
	s0 =	simm.s32 @p0 $0x1  }
0x13: {  	[smem:$0x3FA9] =	sst s0;
	s0 =	simm.s32 @!p1 $0x0  }
0x14: {  	s2 =	sld [smem:$0x3F8D];
	s0 =	simm.s32 @p1 $0x1  }
0x15: {  	[smem:$0x3FAA] =	sst s0;
	s0 =	simm.s32 @!p2 $0x0  }
0x16: {  	s3 =	sld [smem:$0x3FDB];
	s0 =	simm.s32 @p2 $0x1  }
0x17: {  	s4 =	simm.s32 $0x1BF5;
	[smem:$0x3FAC] =	sst s0  }
0x18: {  	s0 =	sld [smem:$0x3F8F];
	_ =	swait.ge [sflag:s4], $0x0  }
0x19: {  	s7 =	sld [smem:$0x3F90]  }
0x1a: {  	s8 =	sadd.s32 $0xFFFFE003, lr  }
0x1b: {  	s9 =	sadd.s32 $0xFFFFFEF7, lr;
	s5 =	simm.s32 $0xFFFFFFFF;
	p2 =	slt.u32 s8, $0xFFFFF086  }
0x1c: {  	p1 =	slt.u32 s9, $0xF7A;
	s5 =	simm.s32 @!p2 $0x0  }
0x1d: {  	s5 =	simm.s32 @p1 $0x1;
	p0 =	seq.s32 s7, s2  }
0x1e: {  	s7 =	smul.u32 @!p0 $0xF7A, s2;
	p2 =	seq.s32 @!p0 s5, $0x0  }
0x1f: {  	s9 =	smul.u32 $0xF7A, s1;
	s8 =	simm.s32 @!p0 $0x1BF5;
	p2 =	por !p2, p0  }
0x20: {  	[sflag:s8] =	ssyncset.s32 @!p0 $0xFFFFF086;
	s6 =	sadd.s32 @!p0 s3, s7;
	s7 =	simm.s32 @!p0 $0x108  }
0x21: {  	s3 =	sadd.s32 s3, s9;
	s6 =	sadd.s32 @!p0 $0x88, s6;
	s7 =	simm.s32 @p2 $0x1082  }
0x22: {  	[simem:s7], [sflag:s8] =	dma.local @!p0 [hbm:s6], $0xF7A  }
0x23: {  	s9 =	sor.u32 $0xD0000000, s2;
	s6 =	simm.s32 $0x108;
	_ =	swait.ge @!p0 [sflag:s8], $0x0  }
0x24: {  	s3 =	sadd.s32 $0x88, s3;
	s6 =	simm.s32 @!p1 $0x1082;
	[sflag:s4] =	ssyncset.s32 $0xFFFFF086  }
0x25: {  	[simem:s6], [sflag:s4] =	dma.local [hbm:s3], $0xF7A  }
0x26: {  	[smem:$0x3F90] =	sst s1;
	(tag) =	ssettag s2;
	_ =	strace s9  }
0x27: {  	s1 =	sld [smem:$0x3FA0]  }
0x28: {  	s2 =	sld [smem:$0x3FA1]  }
0x29: {  	s4 =	sld [smem:$0x3FA3]  }
0x2a: {  	p0 =	seq.s32 s5, $0x0;
	s5 =	sld [smem:$0x3FA4]  }
0x2b: {  	s6 =	sld [smem:$0x3FA5]  }
0x2c: {  	s7 =	sld [smem:$0x3FA6]  }
0x2d: {  	s3 =	simm.s32 $0x108;
	s8 =	sld [smem:$0x3FA7]  }
0x2e: {  	s3 =	simm.s32 @!p0 $0x1082;
	s9 =	sld [smem:$0x3FA8]  }
0x2f: {  	lr =	sadd.s32 s0, s3;
	s0 =	sld [smem:$0x3F9F]  }
0x30: {  	s3 =	sld [smem:$0x3FA2]  }
0x31: {  	[smem:$0x3FAB] =	sst s10  }
0x32: {  	s10 =	sld [smem:$0x3FA9];
	_ =	sdelay $0x3  }
0x33: {  	p0 =	seq.s32 s10, $0x1;
	s10 =	sld [smem:$0x3FAB];
	_ =	sdelay $0x3  }
0x34: {  	[smem:$0x3FAB] =	sst s10  }
0x35: {  	s10 =	sld [smem:$0x3FAA];
	_ =	sdelay $0x3  }
0x36: {  	p1 =	seq.s32 s10, $0x1;
	s10 =	sld [smem:$0x3FAB];
	_ =	sdelay $0x3  }
0x37: {  	[smem:$0x3FAB] =	sst s10  }
0x38: {  	s10 =	sld [smem:$0x3FAC]  }
0x39: {  	_ = 	snop;
	(pc) =	sbr.ind lr, $3  }
0x3a: {  	_ = 	snop  }
0x3b: {  	_ = 	snop  }
0x3c: {  	p2 =	seq.s32 s10, $0x1;
	s10 =	sld [smem:$0x3FAB]  }
0x3d: {  	_ =	shalt  }
0x3e: {  	_ =	shalt  }
0x3f: {  	_ =	shalt  }
0x40: {  	_ =	shalt  }
0x41: {  	_ =	shalt  }
0x42: {  	_ =	shalt  }
0x43: {  	_ =	shalt  }
0x44: {  	_ =	shalt  }
0x45: {  	_ =	shalt  }
0x46: {  	_ =	shalt  }
0x47: {  	_ =	shalt  }
0x48: {  	_ =	shalt  }
0x49: {  	_ =	shalt  }
0x4a: {  	_ =	shalt  }
0x4b: {  	_ =	shalt  }
0x4c: {  	_ =	shalt  }
0x4d: {  	_ =	shalt  }
0x4e: {  	_ =	shalt  }
0x4f: {  	_ =	shalt  }
0x50: {  	_ =	shalt  }
0x51: {  	_ =	shalt  }
0x52: {  	_ =	shalt  }
0x53: {  	_ =	shalt  }
0x54: {  	_ =	shalt  }
0x55: {  	_ =	shalt  }
0x56: {  	_ =	shalt  }
0x57: {  	_ =	shalt  }
0x58: {  	_ =	shalt  }
0x59: {  	_ =	shalt  }
0x5a: {  	_ =	shalt  }
0x5b: {  	_ =	shalt  }
0x5c: {  	_ =	shalt  }
0x5d: {  	_ =	shalt  }
0x5e: {  	_ =	shalt  }
0x5f: {  	_ =	shalt  }
0x60: {  	_ =	shalt  }
0x61: {  	_ =	shalt  }
0x62: {  	_ =	shalt  }
0x63: {  	_ =	shalt  }
0x64: {  	_ =	shalt  }
0x65: {  	_ =	shalt  }
0x66: {  	_ =	shalt  }
0x67: {  	_ =	shalt  }
0x68: {  	_ =	shalt  }
0x69: {  	_ =	shalt  }
0x6a: {  	_ =	shalt  }
0x6b: {  	_ =	shalt  }
0x6c: {  	_ =	shalt  }
0x6d: {  	_ =	shalt  }
0x6e: {  	_ =	shalt  }
0x6f: {  	_ =	shalt  }
0x70: {  	_ =	shalt  }
0x71: {  	_ =	shalt  }
0x72: {  	_ =	shalt  }
0x73: {  	_ =	shalt  }
0x74: {  	_ =	shalt  }
0x75: {  	_ =	shalt  }
0x76: {  	_ =	shalt  }
0x77: {  	_ =	shalt  }
0x78: {  	_ =	shalt  }
0x79: {  	_ =	shalt  }
0x7a: {  	_ =	shalt  }
0x7b: {  	_ =	shalt  }
0x7c: {  	_ =	shalt  }
0x7d: {  	_ =	shalt  }
0x7e: {  	_ =	shalt  }
0x7f: {  	_ =	shalt  }
0x80: {  	_ =	shalt  }
0x81: {  	_ =	shalt  }
0x82: {  	_ =	shalt  }
0x83: {  	_ =	shalt  }
0x84: {  	_ =	shalt  }
0x85: {  	_ =	shalt  }
0x86: {  	_ =	shalt  }
0x87: {  	_ =	shalt  }
.Lfunc_end0:
.L_simem_size_0:
called_computation.3_lowered:
.L_overlay_start_0:
0x88: {  	s2 =	sld [smem:$0x3FD9]  }
0x89: {  	s3 =	sld [smem:$0x3FFE];
	_ =	sdelay $0x1  }
0x8a: {  	s1 =	srdreg.scid  }
0x8b: {  	s0 =	sand.u32 $0x1, s1  }
0x8c: {  	s17 =	sshll.u32 s0, $0xA;
	s2 =	sadd.s32 s3, s2  }
0x8d: {  	s2 =	sadd.s32 s2, s17  }
0x8e: {  	[smem:$0x3FB7] =	sst s2  }
0x8f: {  	_ = 	snop  }
0x90: {  	s2 =	sld [smem:$0x3FD0];
	(tm) =	ssettm $0x1  }
0x91: {  	s18 =	sld [smem:$0x3FFB];
	_ =	sdelay $0x3  }
0x92: {  	_ =	strace s18  }
0x93: {  	s3 =	sld [smem:$0x3FFC];
	_ =	sdelay $0x3  }
0x94: {  	_ =	strace s3  }
0x95: {  	s3 =	sld [smem:$0x3FFD];
	_ =	sdelay $0x3  }
0x96: {  	_ =	strace s3  }
0x97: {  	_ =	strace $0x8FFFFFFF  }
0x98: {  	s19 =	sld [smem:$0x3FDB];
	_ =	sdelay $0x1  }
0x99: {  	s4 =	simm.s32 $_scs_section_size  }
0x9a: {  	s5 =	simm.s32 $_size__tile_overlayer_lowered;
	s6 =	simm.s32 $_tile_overlayer_lowered  }
0x9b: {  	s22 =	simm.s32 $0x1BFF;
	s21 =	sshll.u32 s6, $0x1;
	s3 =	sadd.s32 s4, s19  }
0x9c: {  	s7 =	simm.s32 $0x0;
	s20 =	sshll.u32 s5, $0x1;
	s5 =	sadd.s32 s21, s3  }
0x9d: {  	[timem:s7], [sflag:s22] =	dma.local [hbm:s5], s20  }
0x9e: {  	_ =	swait.ge [sflag:s22], s20  }
0x9f: {  	s4 =	ssub.s32 $0x0, s20;
	[sflag:s22] =	ssyncset.done $0x0  }
0xa0: {  	[sflag:s22] =	ssyncadd.s32 s4;
	_ =	sdelay $0x1  }
0xa1: {  	s23 =	simm.s32 $0x1B8B  }
0xa2: {  	_ =	swait.ge [sflag:s23], $0x1  }
0xa3: {  	[sflag:s23] =	ssyncset.done $0x0  }
0xa4: {  	s25 =	simm.s32 $0x1B8E;
	s24 =	sld [smem:$0x3FFE];
	[sflag:s23] =	ssyncadd.s32 $0xFFFFFFFF  }
0xa5: {  	s26 =	simm.s32 $execute0_lowered;
	[smem:$0x3FD2] =	sst s25  }
0xa6: {  	s5 =	sshll.u32 s26, $0x1;
	_ =	strace $0x8000004F;
	[dreg:$0x1] =	wrdreg $0xFFFFFFFF  }
0xa7: {  	s28 =	simm.s32 $_size_execute0_lowered;
	s3 =	sadd.s32 s3, s5;
	[dreg:$0x0] =	wrdreg $0x0  }
0xa8: {  	s5 =	sshll.u32 s28, $0x1;
	[dreg:$0x2] =	wrdreg s3  }
0xa9: {  	[dreg:$0x3] =	wrdreg s5  }
0xaa: {  	[dreg:$0x4] =	wrdreg $0xC0  }
0xab: {  	_ =	task [dreg:s7], $0x5FFFF  }
0xac: {  	[dreg:$0x1] =	wrdreg $0xFFFFFFFF  }
0xad: {  	[dreg:$0x0] =	wrdreg $0x60  }
0xae: {  	[dreg:$0x2] =	wrdreg s24  }
0xaf: {  	[dreg:$0x3] =	wrdreg s2  }
0xb0: {  	[dreg:$0x4] =	wrdreg $0x9  }
0xb1: {  	_ =	task.clear_ibuf [dreg:s7], $0x5FFFF;
	_ =	strace $0x9000004F  }
0xb2: {  	s29 =	simm.s32 $0x9;
	_ =	strace $0x80000051  }
0xb3: {  	_ =	swait.ge [sflag:s29], $0x1  }
0xb4: {  	[sflag:s29] =	ssyncadd.s32 $0xFFFFFFFF  }
0xb5: {  	_ =	strace $0x90000051  }
0xb6: {  	_ =	sfence  }
0xb7: {  	s30 =	sld [smem:$0x0];
	_ =	sdelay $0x2  }
0xb8: {  	s31 =	sshll.u32 s1, $0xD;
	s1 =	sshrl.u32 s1, $0x2  }
0xb9: {  	s3 =	sand.u32 $0x4000, s31;
	s1 =	sadd.s32 s1, s30  }
0xba: {  	s0 =	sor.u32 s3, s0;
	s1 =	sshll.u32 s1, $0x11  }
0xbb: {  	s0 =	sor.u32 s1, s0  }
0xbc: {  	s0 =	sadd.s32 $0x8F2B, s0  }
0xbd: {  	[sflag:s0] =	ssyncadd.remote.s32 $0x1  }
0xbe: {  	_ =	sfence.sel $0xFFFF  }
0xbf: {  	[dreg:$0x0] =	wrdreg $0xFFFFFFFF;
	(pc) =	sbr.abs _section_cstart, $3  }
0xc0: {  	[dreg:$0x1] =	wrdreg $0xFFFFFFFF  }
0xc1: {  	_ =	task.clear_ibuf [dreg:s7], $0x2FFFF;
	_ =	strace $0x9FFFFFFF  }
0xc2: {  	(tm) =	ssettm $0x7FFFFFFF  }
0xc3: {  	_ =	shalt  }
tec
execute0_lowered:
.L_overlay_start_1:
0x0: {  	(tag) =	ssettag $0x1  }
0x1: {  	s1 =	srdreg.scid;
	s0 =	stileid.u32  }
0x2: {  	s9 =	rddreg [dreg:$0x0];
	s13 =	sand.u32 $0x1, s1;
	s31 =	sshll.u32 s0, $0x1  }
0x3: {  	s3 =	rddreg [dreg:$0x1];
	s6 =	sor.u32 s13, s31  }
0x4: {  	s2 =	simm.s32 $0x0;
	s1 =	rddreg [dreg:$0x2];
	s4 =	smul.u32 $0x180, s6  }
0x5: {  	[smem:$0x7FF] =	sst s2  }
0x6: {  	_ =	strace $0x80000050;
	s4 =	sadd.s32 s3, s4;
	s3 =	simm.s32 $0x2  }
0x7: {  	[tilespmem:s2], [sflag:$0x2] =	stream.linear.gather [hbm4b:s4+s2], $0xC00, $0x38;
	[tilespmem:$0x18C00] =	vst v63  }
0x8: {  	s7 =	simm.s32 $0xC00;
	_ =	swait.ge [sflag:s3], $0xC00  }
0x9: {  	s8 =	simm.s32 $0x1;
	s5 =	sadd.s32 $0x7600, s9;
	[sflag:s3] =	ssyncset.done $0x0  }
0xa: {  	s10 =	smul.u32 $0xC000, s6;
	s6 =	simm.s32 $0x300;
	[sflag:s3] =	ssyncadd.s32 $0xFFFFF400  }
0xb: {  	[tilespmem:s7], [sflag:$0x1] =	stream.indirect.gather [hbm4b:s5+s6], $0x80, s2, s6, $0xb8;
	[tilespmem:$0x18C00] =	vst v63  }
0xc: {  	_ =	swait.ge [sflag:s8], $0x18000  }
0xd: {  	s14 =	sadd.s32 s10, s9;
	[sflag:s8] =	ssyncset.done $0x0  }
0xe: {  	s9 =	sadd.s32 $0x87600, s14;
	[sflag:s8] =	ssyncadd.s32 $0xFFFE8000  }
0xf: {  	[hbm4b:s9+s2] =	stream.linear.scatter [tilespmem:s7], [sflag:$0x2], $0x18000, $0x38;
	[tilespmem:$0x18C00] =	vst v63  }
0x10: {  	_ =	swait.ge [sflag:s3], $0x18000  }
0x11: {  	[sflag:s3] =	ssyncset.done $0x0  }
0x12: {  	[sflag:s3] =	ssyncadd.s32 $0xFFFE8000  }
0x13: {  	[tilespmem:s7], [sflag:$0x1] =	stream.indirect.gather [hbm4b:s5+s6], $0x80, s6, s6, $0xb8;
	[tilespmem:$0x18C00] =	vst v63  }
0x14: {  	_ =	swait.ge [sflag:s8], $0x18000  }
0x15: {  	[sflag:s8] =	ssyncset.done $0x0  }
0x16: {  	s10 =	sadd.s32 $0x8A600, s14;
	[sflag:s8] =	ssyncadd.s32 $0xFFFE8000  }
0x17: {  	[hbm4b:s10+s2] =	stream.linear.scatter [tilespmem:s7], [sflag:$0x2], $0x18000, $0x38;
	[tilespmem:$0x18C00] =	vst v63  }
0x18: {  	_ =	swait.ge [sflag:s3], $0x18000  }
0x19: {  	[sflag:s3] =	ssyncset.done $0x0  }
0x1a: {  	s11 =	simm.s32 $0x600;
	[sflag:s3] =	ssyncadd.s32 $0xFFFE8000  }
0x1b: {  	[tilespmem:s7], [sflag:$0x1] =	stream.indirect.gather [hbm4b:s5+s6], $0x80, s11, s6, $0xb8;
	[tilespmem:$0x18C00] =	vst v63  }
0x1c: {  	_ =	swait.ge [sflag:s8], $0x18000  }
0x1d: {  	[sflag:s8] =	ssyncset.done $0x0  }
0x1e: {  	s15 =	ssub.s32 $0x2, s13;
	s12 =	sadd.s32 $0x8D600, s14;
	[sflag:s8] =	ssyncadd.s32 $0xFFFE8000  }
0x1f: {  	[hbm4b:s12+s2] =	stream.linear.scatter [tilespmem:s7], [sflag:$0x2], $0x18000, $0x38;
	[tilespmem:$0x18C00] =	vst v63  }
0x20: {  	s16 =	sshrl.u32 s15, $0x1;
	_ =	swait.ge [sflag:s3], $0x18000  }
0x21: {  	s15 =	ssub.s32 s15, s16;
	[sflag:s3] =	ssyncset.done $0x0  }
0x22: {  	s13 =	simm.s32 $0x900;
	s15 =	smax.u32 s15, $0x1;
	[sflag:s3] =	ssyncadd.s32 $0xFFFE8000  }
0x23: {  	[tilespmem:s7], [sflag:$0x1] =	stream.indirect.gather [hbm4b:s5+s6], $0x80, s13, s6, $0xb8;
	[tilespmem:$0x18C00] =	vst v63  }
0x24: {  	p0 =	sne.s32 s15, $0x1;
	_ =	swait.ge [sflag:s8], $0x18000  }
.Ltmp0:
0x25: {  	[sflag:s8] =	ssyncset.done $0x0;
	(pc) =	sbr.rel @!p0 .LBB2_2-.Ltmp0, $4  }
0x26: {  	s14 =	sadd.s32 $0x90600, s14;
	[sflag:s8] =	ssyncadd.s32 $0xFFFE8000  }
0x27: {  	[hbm4b:s14+s2] =	stream.linear.scatter [tilespmem:s7], [sflag:$0x2], $0x18000, $0x38;
	[tilespmem:$0x18C00] =	vst v63  }
0x28: {  	_ =	swait.ge [sflag:s3], $0x18000  }
0x29: {  	s15 =	sadd.s32 $0xFFFFFFFF, s15;
	[sflag:s3] =	ssyncset.done $0x0  }
.LBB2_1:
0x2a: {  	p0 =	sne.s32 s15, $0x1;
	s15 =	sadd.s32 $0xFFFFFFFF, s15;
	[sflag:s3] =	ssyncadd.s32 $0xFFFE8000  }
0x2b: {  	[tilespmem:s2], [sflag:$0x2] =	stream.linear.gather [hbm4b:s4+s2], $0xC00, $0x38;
	[tilespmem:$0x18C00] =	vst v63  }
0x2c: {  	_ =	swait.ge [sflag:s3], $0xC00  }
0x2d: {  	[sflag:s3] =	ssyncset.done $0x0  }
0x2e: {  	[sflag:s3] =	ssyncadd.s32 $0xFFFFF400  }
0x2f: {  	[tilespmem:s7], [sflag:$0x1] =	stream.indirect.gather [hbm4b:s5+s6], $0x80, s2, s6, $0xb8;
	[tilespmem:$0x18C00] =	vst v63  }
0x30: {  	_ =	swait.ge [sflag:s8], $0x18000  }
0x31: {  	[sflag:s8] =	ssyncset.done $0x0  }
0x32: {  	[sflag:s8] =	ssyncadd.s32 $0xFFFE8000  }
0x33: {  	[hbm4b:s9+s2] =	stream.linear.scatter [tilespmem:s7], [sflag:$0x2], $0x18000, $0x38;
	[tilespmem:$0x18C00] =	vst v63  }
0x34: {  	_ =	swait.ge [sflag:s3], $0x18000  }
0x35: {  	[sflag:s3] =	ssyncset.done $0x0  }
0x36: {  	[sflag:s3] =	ssyncadd.s32 $0xFFFE8000  }
0x37: {  	[tilespmem:s7], [sflag:$0x1] =	stream.indirect.gather [hbm4b:s5+s6], $0x80, s6, s6, $0xb8;
	[tilespmem:$0x18C00] =	vst v63  }
0x38: {  	_ =	swait.ge [sflag:s8], $0x18000  }
0x39: {  	[sflag:s8] =	ssyncset.done $0x0  }
0x3a: {  	[sflag:s8] =	ssyncadd.s32 $0xFFFE8000  }
0x3b: {  	[hbm4b:s10+s2] =	stream.linear.scatter [tilespmem:s7], [sflag:$0x2], $0x18000, $0x38;
	[tilespmem:$0x18C00] =	vst v63  }
0x3c: {  	_ =	swait.ge [sflag:s3], $0x18000  }
0x3d: {  	[sflag:s3] =	ssyncset.done $0x0  }
0x3e: {  	[sflag:s3] =	ssyncadd.s32 $0xFFFE8000  }
0x3f: {  	[tilespmem:s7], [sflag:$0x1] =	stream.indirect.gather [hbm4b:s5+s6], $0x80, s11, s6, $0xb8;
	[tilespmem:$0x18C00] =	vst v63  }
0x40: {  	_ =	swait.ge [sflag:s8], $0x18000  }
0x41: {  	[sflag:s8] =	ssyncset.done $0x0  }
0x42: {  	[sflag:s8] =	ssyncadd.s32 $0xFFFE8000  }
0x43: {  	[hbm4b:s12+s2] =	stream.linear.scatter [tilespmem:s7], [sflag:$0x2], $0x18000, $0x38;
	[tilespmem:$0x18C00] =	vst v63  }
0x44: {  	_ =	swait.ge [sflag:s3], $0x18000  }
0x45: {  	[sflag:s3] =	ssyncset.done $0x0  }
0x46: {  	[sflag:s3] =	ssyncadd.s32 $0xFFFE8000  }
0x47: {  	[tilespmem:s7], [sflag:$0x1] =	stream.indirect.gather [hbm4b:s5+s6], $0x80, s13, s6, $0xb8;
	[tilespmem:$0x18C00] =	vst v63  }
0x48: {  	_ =	swait.ge [sflag:s8], $0x18000  }
.Ltmp1:
0x49: {  	[sflag:s8] =	ssyncset.done $0x0;
	(pc) =	sbr.rel @p0 .LBB2_1-.Ltmp1, $4  }
0x4a: {  	[sflag:s8] =	ssyncadd.s32 $0xFFFE8000  }
0x4b: {  	[hbm4b:s14+s2] =	stream.linear.scatter [tilespmem:s7], [sflag:$0x2], $0x18000, $0x38;
	[tilespmem:$0x18C00] =	vst v63  }
0x4c: {  	_ =	swait.ge [sflag:s3], $0x18000  }
0x4d: {  	[sflag:s3] =	ssyncset.done $0x0  }
.LBB2_2:
0x4e: {  	[sflag:s3] =	ssyncadd.s32 $0xFFFE8000  }
0x4f: {  	_ =	sfence.sel $0x180000  }
0x50: {  	[bflag:$0x0] =	sbarrier.arrive $0xFFFF  }
0x51: {  	p0 =	sne.s32 s0, $0x0;
	_ =	strace $0x90000050  }
0x52: {  	s0 =	sadd.s32 @!p0 $0x100000, s1;
	[bflag:$0x2] =	sbarrier.arrive $0xFFFF  }
0x53: {  	[sflag:s0] =	ssyncadd.tile.s32 @!p0 $0x1;
	_ =	shalt  }
.Lfunc_end2:
_tile_overlayer_lowered:
.L_overlay_start_2:
0x54: {  	(tag) =	ssettag $0x2  }
0x55: {  	s0 =	rddreg [dreg:$0x0];
	s2 =	stileid.u32  }
0x56: {  	s1 =	rddreg [dreg:$0x1];
	p0 =	sne.s32 s2, $0x0  }
0x57: {  	s3 =	rddreg [dreg:$0x2];
	[bflag:$0x3] =	sbarrier.arrive $0xFFFF;
	s2 =	simm.s32 @!p0 $0x1C02  }
0x58: {  	[timem:s3], [sflag:s2] =	dma.local @!p0 [hbm:s0], s1  }
0x59: {  	s0 =	simm.s32 @!p0 $0x2  }
0x5a: {  	_ =	swait.ge @!p0 [sflag:s0], s1  }
0x5b: {  	s1 =	ssub.s32 @!p0 $0x0, s1;
	[sflag:s0] =	ssyncset.done @!p0 $0x0  }
0x5c: {  	[sflag:s0] =	ssyncadd.s32 @!p0 s1  }
0x5d: {  	[bflag:$0x3] =	sbarrier.arrive $0xFFFF  }
0x5e: {  	_ =	shalt  }

// kernel: kernel.41.cloned.1.call-start
scs
__scs_entry_jumppad:
0x0: {  	(pc) =	sbr.rel $0x88, $3  }
0x1: {  	(tag) =	ssettag $0x0;
	lr =	simm.s32 $0x1  }
0x2: {  	[smem:$0x3F90] =	sst lr;
	_ =	strace $0xD0000000  }
0x3: {  	_ = 	snop  }
0x4: {  	_ = 	snop  }
0x5: {  	_ = 	snop  }
0x6: {  	_ = 	snop  }
0x7: {  	_ = 	snop  }
__scs_overlays_trampoline_lowered:
0x8: {  	[smem:$0x3F9F] =	sst s0  }
0x9: {  	[smem:$0x3FA0] =	sst s1  }
0xa: {  	[smem:$0x3FA1] =	sst s2  }
0xb: {  	[smem:$0x3FA2] =	sst s3  }
0xc: {  	[smem:$0x3FA3] =	sst s4  }
0xd: {  	[smem:$0x3FA4] =	sst s5  }
0xe: {  	[smem:$0x3FA5] =	sst s6  }
0xf: {  	[smem:$0x3FA6] =	sst s7  }
0x10: {  	[smem:$0x3FA7] =	sst s8  }
0x11: {  	[smem:$0x3FA8] =	sst s9;
	s0 =	simm.s32 @!p0 $0x0  }
0x12: {  	s1 =	sld [smem:$0x3F8E];
	s0 =	simm.s32 @p0 $0x1  }
0x13: {  	[smem:$0x3FA9] =	sst s0;
	s0 =	simm.s32 @!p1 $0x0  }
0x14: {  	s2 =	sld [smem:$0x3F8D];
	s0 =	simm.s32 @p1 $0x1  }
0x15: {  	[smem:$0x3FAA] =	sst s0;
	s0 =	simm.s32 @!p2 $0x0  }
0x16: {  	s3 =	sld [smem:$0x3FDB];
	s0 =	simm.s32 @p2 $0x1  }
0x17: {  	s4 =	simm.s32 $0x1BF5;
	[smem:$0x3FAC] =	sst s0  }
0x18: {  	s0 =	sld [smem:$0x3F8F];
	_ =	swait.ge [sflag:s4], $0x0  }
0x19: {  	s7 =	sld [smem:$0x3F90]  }
0x1a: {  	s8 =	sadd.s32 $0xFFFFE003, lr  }
0x1b: {  	s9 =	sadd.s32 $0xFFFFFEF7, lr;
	s5 =	simm.s32 $0xFFFFFFFF;
	p2 =	slt.u32 s8, $0xFFFFF086  }
0x1c: {  	p1 =	slt.u32 s9, $0xF7A;
	s5 =	simm.s32 @!p2 $0x0  }
0x1d: {  	s5 =	simm.s32 @p1 $0x1;
	p0 =	seq.s32 s7, s2  }
0x1e: {  	s7 =	smul.u32 @!p0 $0xF7A, s2;
	p2 =	seq.s32 @!p0 s5, $0x0  }
0x1f: {  	s9 =	smul.u32 $0xF7A, s1;
	s8 =	simm.s32 @!p0 $0x1BF5;
	p2 =	por !p2, p0  }
0x20: {  	[sflag:s8] =	ssyncset.s32 @!p0 $0xFFFFF086;
	s6 =	sadd.s32 @!p0 s3, s7;
	s7 =	simm.s32 @!p0 $0x108  }
0x21: {  	s3 =	sadd.s32 s3, s9;
	s6 =	sadd.s32 @!p0 $0x88, s6;
	s7 =	simm.s32 @p2 $0x1082  }
0x22: {  	[simem:s7], [sflag:s8] =	dma.local @!p0 [hbm:s6], $0xF7A  }
0x23: {  	s9 =	sor.u32 $0xD0000000, s2;
	s6 =	simm.s32 $0x108;
	_ =	swait.ge @!p0 [sflag:s8], $0x0  }
0x24: {  	s3 =	sadd.s32 $0x88, s3;
	s6 =	simm.s32 @!p1 $0x1082;
	[sflag:s4] =	ssyncset.s32 $0xFFFFF086  }
0x25: {  	[simem:s6], [sflag:s4] =	dma.local [hbm:s3], $0xF7A  }
0x26: {  	[smem:$0x3F90] =	sst s1;
	(tag) =	ssettag s2;
	_ =	strace s9  }
0x27: {  	s1 =	sld [smem:$0x3FA0]  }
0x28: {  	s2 =	sld [smem:$0x3FA1]  }
0x29: {  	s4 =	sld [smem:$0x3FA3]  }
0x2a: {  	p0 =	seq.s32 s5, $0x0;
	s5 =	sld [smem:$0x3FA4]  }
0x2b: {  	s6 =	sld [smem:$0x3FA5]  }
0x2c: {  	s7 =	sld [smem:$0x3FA6]  }
0x2d: {  	s3 =	simm.s32 $0x108;
	s8 =	sld [smem:$0x3FA7]  }
0x2e: {  	s3 =	simm.s32 @!p0 $0x1082;
	s9 =	sld [smem:$0x3FA8]  }
0x2f: {  	lr =	sadd.s32 s0, s3;
	s0 =	sld [smem:$0x3F9F]  }
0x30: {  	s3 =	sld [smem:$0x3FA2]  }
0x31: {  	[smem:$0x3FAB] =	sst s10  }
0x32: {  	s10 =	sld [smem:$0x3FA9];
	_ =	sdelay $0x3  }
0x33: {  	p0 =	seq.s32 s10, $0x1;
	s10 =	sld [smem:$0x3FAB];
	_ =	sdelay $0x3  }
0x34: {  	[smem:$0x3FAB] =	sst s10  }
0x35: {  	s10 =	sld [smem:$0x3FAA];
	_ =	sdelay $0x3  }
0x36: {  	p1 =	seq.s32 s10, $0x1;
	s10 =	sld [smem:$0x3FAB];
	_ =	sdelay $0x3  }
0x37: {  	[smem:$0x3FAB] =	sst s10  }
0x38: {  	s10 =	sld [smem:$0x3FAC]  }
0x39: {  	_ = 	snop;
	(pc) =	sbr.ind lr, $3  }
0x3a: {  	_ = 	snop  }
0x3b: {  	_ = 	snop  }
0x3c: {  	p2 =	seq.s32 s10, $0x1;
	s10 =	sld [smem:$0x3FAB]  }
0x3d: {  	_ =	shalt  }
0x3e: {  	_ =	shalt  }
0x3f: {  	_ =	shalt  }
0x40: {  	_ =	shalt  }
0x41: {  	_ =	shalt  }
0x42: {  	_ =	shalt  }
0x43: {  	_ =	shalt  }
0x44: {  	_ =	shalt  }
0x45: {  	_ =	shalt  }
0x46: {  	_ =	shalt  }
0x47: {  	_ =	shalt  }
0x48: {  	_ =	shalt  }
0x49: {  	_ =	shalt  }
0x4a: {  	_ =	shalt  }
0x4b: {  	_ =	shalt  }
0x4c: {  	_ =	shalt  }
0x4d: {  	_ =	shalt  }
0x4e: {  	_ =	shalt  }
0x4f: {  	_ =	shalt  }
0x50: {  	_ =	shalt  }
0x51: {  	_ =	shalt  }
0x52: {  	_ =	shalt  }
0x53: {  	_ =	shalt  }
0x54: {  	_ =	shalt  }
0x55: {  	_ =	shalt  }
0x56: {  	_ =	shalt  }
0x57: {  	_ =	shalt  }
0x58: {  	_ =	shalt  }
0x59: {  	_ =	shalt  }
0x5a: {  	_ =	shalt  }
0x5b: {  	_ =	shalt  }
0x5c: {  	_ =	shalt  }
0x5d: {  	_ =	shalt  }
0x5e: {  	_ =	shalt  }
0x5f: {  	_ =	shalt  }
0x60: {  	_ =	shalt  }
0x61: {  	_ =	shalt  }
0x62: {  	_ =	shalt  }
0x63: {  	_ =	shalt  }
0x64: {  	_ =	shalt  }
0x65: {  	_ =	shalt  }
0x66: {  	_ =	shalt  }
0x67: {  	_ =	shalt  }
0x68: {  	_ =	shalt  }
0x69: {  	_ =	shalt  }
0x6a: {  	_ =	shalt  }
0x6b: {  	_ =	shalt  }
0x6c: {  	_ =	shalt  }
0x6d: {  	_ =	shalt  }
0x6e: {  	_ =	shalt  }
0x6f: {  	_ =	shalt  }
0x70: {  	_ =	shalt  }
0x71: {  	_ =	shalt  }
0x72: {  	_ =	shalt  }
0x73: {  	_ =	shalt  }
0x74: {  	_ =	shalt  }
0x75: {  	_ =	shalt  }
0x76: {  	_ =	shalt  }
0x77: {  	_ =	shalt  }
0x78: {  	_ =	shalt  }
0x79: {  	_ =	shalt  }
0x7a: {  	_ =	shalt  }
0x7b: {  	_ =	shalt  }
0x7c: {  	_ =	shalt  }
0x7d: {  	_ =	shalt  }
0x7e: {  	_ =	shalt  }
0x7f: {  	_ =	shalt  }
0x80: {  	_ =	shalt  }
0x81: {  	_ =	shalt  }
0x82: {  	_ =	shalt  }
0x83: {  	_ =	shalt  }
0x84: {  	_ =	shalt  }
0x85: {  	_ =	shalt  }
0x86: {  	_ =	shalt  }
0x87: {  	_ =	shalt  }
.Lfunc_end0:
.L_simem_size_0:
called_computation.4_lowered:
.L_overlay_start_0:
0x88: {  	s2 =	sld [smem:$0x3FD9]  }
0x89: {  	s3 =	sld [smem:$0x3FFE];
	_ =	sdelay $0x1  }
0x8a: {  	s1 =	srdreg.scid  }
0x8b: {  	s0 =	sand.u32 $0x1, s1  }
0x8c: {  	s17 =	sshll.u32 s0, $0xA;
	s2 =	sadd.s32 s3, s2  }
0x8d: {  	s2 =	sadd.s32 s2, s17  }
0x8e: {  	[smem:$0x3FB7] =	sst s2  }
0x8f: {  	_ = 	snop  }
0x90: {  	s2 =	sld [smem:$0x3FD0];
	(tm) =	ssettm $0x1  }
0x91: {  	s18 =	sld [smem:$0x3FFB];
	_ =	sdelay $0x3  }
0x92: {  	_ =	strace s18  }
0x93: {  	s3 =	sld [smem:$0x3FFC];
	_ =	sdelay $0x3  }
0x94: {  	_ =	strace s3  }
0x95: {  	s3 =	sld [smem:$0x3FFD];
	_ =	sdelay $0x3  }
0x96: {  	_ =	strace s3  }
0x97: {  	_ =	strace $0x8FFFFFFF  }
0x98: {  	s19 =	sld [smem:$0x3FDB];
	_ =	sdelay $0x1  }
0x99: {  	s4 =	simm.s32 $_scs_section_size  }
0x9a: {  	s5 =	simm.s32 $_size__tile_overlayer_lowered;
	s6 =	simm.s32 $_tile_overlayer_lowered  }
0x9b: {  	s22 =	simm.s32 $0x1BFF;
	s21 =	sshll.u32 s6, $0x1;
	s3 =	sadd.s32 s4, s19  }
0x9c: {  	s7 =	simm.s32 $0x0;
	s20 =	sshll.u32 s5, $0x1;
	s5 =	sadd.s32 s21, s3  }
0x9d: {  	[timem:s7], [sflag:s22] =	dma.local [hbm:s5], s20  }
0x9e: {  	_ =	swait.ge [sflag:s22], s20  }
0x9f: {  	s4 =	ssub.s32 $0x0, s20;
	[sflag:s22] =	ssyncset.done $0x0  }
0xa0: {  	[sflag:s22] =	ssyncadd.s32 s4;
	_ =	sdelay $0x1  }
0xa1: {  	s23 =	simm.s32 $0x1B8B  }
0xa2: {  	_ =	swait.ge [sflag:s23], $0x1  }
0xa3: {  	[sflag:s23] =	ssyncset.done $0x0  }
0xa4: {  	s25 =	simm.s32 $0x1B8E;
	s24 =	sld [smem:$0x3FFE];
	[sflag:s23] =	ssyncadd.s32 $0xFFFFFFFF  }
0xa5: {  	s26 =	simm.s32 $execute0_lowered;
	[smem:$0x3FD2] =	sst s25  }
0xa6: {  	s5 =	sshll.u32 s26, $0x1;
	_ =	strace $0x80000052;
	[dreg:$0x1] =	wrdreg $0xFFFFFFFF  }
0xa7: {  	s28 =	simm.s32 $_size_execute0_lowered;
	s3 =	sadd.s32 s3, s5;
	[dreg:$0x0] =	wrdreg $0x0  }
0xa8: {  	s5 =	sshll.u32 s28, $0x1;
	[dreg:$0x2] =	wrdreg s3  }
0xa9: {  	[dreg:$0x3] =	wrdreg s5  }
0xaa: {  	[dreg:$0x4] =	wrdreg $0xC0  }
0xab: {  	_ =	task [dreg:s7], $0x5FFFF  }
0xac: {  	[dreg:$0x1] =	wrdreg $0xFFFFFFFF  }
0xad: {  	[dreg:$0x0] =	wrdreg $0x60  }
0xae: {  	[dreg:$0x2] =	wrdreg s24  }
0xaf: {  	[dreg:$0x3] =	wrdreg s2  }
0xb0: {  	[dreg:$0x4] =	wrdreg $0x9  }
0xb1: {  	_ =	task.clear_ibuf [dreg:s7], $0x5FFFF;
	_ =	strace $0x90000052  }
0xb2: {  	s29 =	simm.s32 $0x9;
	_ =	strace $0x80000054  }
0xb3: {  	_ =	swait.ge [sflag:s29], $0x1  }
0xb4: {  	[sflag:s29] =	ssyncadd.s32 $0xFFFFFFFF  }
0xb5: {  	_ =	strace $0x90000054  }
0xb6: {  	_ =	sfence  }
0xb7: {  	s30 =	sld [smem:$0x0];
	_ =	sdelay $0x2  }
0xb8: {  	s31 =	sshll.u32 s1, $0xD;
	s1 =	sshrl.u32 s1, $0x2  }
0xb9: {  	s3 =	sand.u32 $0x4000, s31;
	s1 =	sadd.s32 s1, s30  }
0xba: {  	s0 =	sor.u32 s3, s0;
	s1 =	sshll.u32 s1, $0x11  }
0xbb: {  	s0 =	sor.u32 s1, s0  }
0xbc: {  	s0 =	sadd.s32 $0x8F2B, s0  }
0xbd: {  	[sflag:s0] =	ssyncadd.remote.s32 $0x1  }
0xbe: {  	_ =	sfence.sel $0xFFFF  }
0xbf: {  	[dreg:$0x0] =	wrdreg $0xFFFFFFFF;
	(pc) =	sbr.abs _section_cstart, $3  }
0xc0: {  	[dreg:$0x1] =	wrdreg $0xFFFFFFFF  }
0xc1: {  	_ =	task.clear_ibuf [dreg:s7], $0x2FFFF;
	_ =	strace $0x9FFFFFFF  }
0xc2: {  	(tm) =	ssettm $0x7FFFFFFF  }
0xc3: {  	_ =	shalt  }
tec
execute0_lowered:
.L_overlay_start_1:
0x0: {  	(tag) =	ssettag $0x1  }
0x1: {  	s1 =	srdreg.scid;
	s0 =	stileid.u32  }
0x2: {  	s9 =	rddreg [dreg:$0x0];
	s13 =	sand.u32 $0x1, s1;
	s31 =	sshll.u32 s0, $0x1  }
0x3: {  	s3 =	rddreg [dreg:$0x1];
	s6 =	sor.u32 s13, s31  }
0x4: {  	s2 =	simm.s32 $0x0;
	s1 =	rddreg [dreg:$0x2];
	s4 =	smul.u32 $0x180, s6  }
0x5: {  	[smem:$0x7FF] =	sst s2  }
0x6: {  	_ =	strace $0x80000053;
	s4 =	sadd.s32 s3, s4;
	s3 =	simm.s32 $0x2  }
0x7: {  	[tilespmem:s2], [sflag:$0x2] =	stream.linear.gather [hbm4b:s4+s2], $0xC00, $0x38;
	[tilespmem:$0x18C00] =	vst v63  }
0x8: {  	s7 =	simm.s32 $0xC00;
	_ =	swait.ge [sflag:s3], $0xC00  }
0x9: {  	s8 =	simm.s32 $0x1;
	s5 =	sadd.s32 $0x7600, s9;
	[sflag:s3] =	ssyncset.done $0x0  }
0xa: {  	s10 =	smul.u32 $0xC000, s6;
	s6 =	simm.s32 $0x300;
	[sflag:s3] =	ssyncadd.s32 $0xFFFFF400  }
0xb: {  	[tilespmem:s7], [sflag:$0x1] =	stream.indirect.gather [hbm4b:s5+s6], $0x80, s2, s6, $0xb8;
	[tilespmem:$0x18C00] =	vst v63  }
0xc: {  	_ =	swait.ge [sflag:s8], $0x18000  }
0xd: {  	s14 =	sadd.s32 s10, s9;
	[sflag:s8] =	ssyncset.done $0x0  }
0xe: {  	s9 =	sadd.s32 $0x87600, s14;
	[sflag:s8] =	ssyncadd.s32 $0xFFFE8000  }
0xf: {  	[hbm4b:s9+s2] =	stream.linear.scatter [tilespmem:s7], [sflag:$0x2], $0x18000, $0x38;
	[tilespmem:$0x18C00] =	vst v63  }
0x10: {  	_ =	swait.ge [sflag:s3], $0x18000  }
0x11: {  	[sflag:s3] =	ssyncset.done $0x0  }
0x12: {  	[sflag:s3] =	ssyncadd.s32 $0xFFFE8000  }
0x13: {  	[tilespmem:s7], [sflag:$0x1] =	stream.indirect.gather [hbm4b:s5+s6], $0x80, s6, s6, $0xb8;
	[tilespmem:$0x18C00] =	vst v63  }
0x14: {  	_ =	swait.ge [sflag:s8], $0x18000  }
0x15: {  	[sflag:s8] =	ssyncset.done $0x0  }
0x16: {  	s10 =	sadd.s32 $0x8A600, s14;
	[sflag:s8] =	ssyncadd.s32 $0xFFFE8000  }
0x17: {  	[hbm4b:s10+s2] =	stream.linear.scatter [tilespmem:s7], [sflag:$0x2], $0x18000, $0x38;
	[tilespmem:$0x18C00] =	vst v63  }
0x18: {  	_ =	swait.ge [sflag:s3], $0x18000  }
0x19: {  	[sflag:s3] =	ssyncset.done $0x0  }
0x1a: {  	s11 =	simm.s32 $0x600;
	[sflag:s3] =	ssyncadd.s32 $0xFFFE8000  }
0x1b: {  	[tilespmem:s7], [sflag:$0x1] =	stream.indirect.gather [hbm4b:s5+s6], $0x80, s11, s6, $0xb8;
	[tilespmem:$0x18C00] =	vst v63  }
0x1c: {  	_ =	swait.ge [sflag:s8], $0x18000  }
0x1d: {  	[sflag:s8] =	ssyncset.done $0x0  }
0x1e: {  	s15 =	ssub.s32 $0x2, s13;
	s12 =	sadd.s32 $0x8D600, s14;
	[sflag:s8] =	ssyncadd.s32 $0xFFFE8000  }
0x1f: {  	[hbm4b:s12+s2] =	stream.linear.scatter [tilespmem:s7], [sflag:$0x2], $0x18000, $0x38;
	[tilespmem:$0x18C00] =	vst v63  }
0x20: {  	s16 =	sshrl.u32 s15, $0x1;
	_ =	swait.ge [sflag:s3], $0x18000  }
0x21: {  	s15 =	ssub.s32 s15, s16;
	[sflag:s3] =	ssyncset.done $0x0  }
0x22: {  	s13 =	simm.s32 $0x900;
	s15 =	smax.u32 s15, $0x1;
	[sflag:s3] =	ssyncadd.s32 $0xFFFE8000  }
0x23: {  	[tilespmem:s7], [sflag:$0x1] =	stream.indirect.gather [hbm4b:s5+s6], $0x80, s13, s6, $0xb8;
	[tilespmem:$0x18C00] =	vst v63  }
0x24: {  	p0 =	sne.s32 s15, $0x1;
	_ =	swait.ge [sflag:s8], $0x18000  }
.Ltmp0:
0x25: {  	[sflag:s8] =	ssyncset.done $0x0;
	(pc) =	sbr.rel @!p0 .LBB2_2-.Ltmp0, $4  }
0x26: {  	s14 =	sadd.s32 $0x90600, s14;
	[sflag:s8] =	ssyncadd.s32 $0xFFFE8000  }
0x27: {  	[hbm4b:s14+s2] =	stream.linear.scatter [tilespmem:s7], [sflag:$0x2], $0x18000, $0x38;
	[tilespmem:$0x18C00] =	vst v63  }
0x28: {  	_ =	swait.ge [sflag:s3], $0x18000  }
0x29: {  	s15 =	sadd.s32 $0xFFFFFFFF, s15;
	[sflag:s3] =	ssyncset.done $0x0  }
.LBB2_1:
0x2a: {  	p0 =	sne.s32 s15, $0x1;
	s15 =	sadd.s32 $0xFFFFFFFF, s15;
	[sflag:s3] =	ssyncadd.s32 $0xFFFE8000  }
0x2b: {  	[tilespmem:s2], [sflag:$0x2] =	stream.linear.gather [hbm4b:s4+s2], $0xC00, $0x38;
	[tilespmem:$0x18C00] =	vst v63  }
0x2c: {  	_ =	swait.ge [sflag:s3], $0xC00  }
0x2d: {  	[sflag:s3] =	ssyncset.done $0x0  }
0x2e: {  	[sflag:s3] =	ssyncadd.s32 $0xFFFFF400  }
0x2f: {  	[tilespmem:s7], [sflag:$0x1] =	stream.indirect.gather [hbm4b:s5+s6], $0x80, s2, s6, $0xb8;
	[tilespmem:$0x18C00] =	vst v63  }
0x30: {  	_ =	swait.ge [sflag:s8], $0x18000  }
0x31: {  	[sflag:s8] =	ssyncset.done $0x0  }
0x32: {  	[sflag:s8] =	ssyncadd.s32 $0xFFFE8000  }
0x33: {  	[hbm4b:s9+s2] =	stream.linear.scatter [tilespmem:s7], [sflag:$0x2], $0x18000, $0x38;
	[tilespmem:$0x18C00] =	vst v63  }
0x34: {  	_ =	swait.ge [sflag:s3], $0x18000  }
0x35: {  	[sflag:s3] =	ssyncset.done $0x0  }
0x36: {  	[sflag:s3] =	ssyncadd.s32 $0xFFFE8000  }
0x37: {  	[tilespmem:s7], [sflag:$0x1] =	stream.indirect.gather [hbm4b:s5+s6], $0x80, s6, s6, $0xb8;
	[tilespmem:$0x18C00] =	vst v63  }
0x38: {  	_ =	swait.ge [sflag:s8], $0x18000  }
0x39: {  	[sflag:s8] =	ssyncset.done $0x0  }
0x3a: {  	[sflag:s8] =	ssyncadd.s32 $0xFFFE8000  }
0x3b: {  	[hbm4b:s10+s2] =	stream.linear.scatter [tilespmem:s7], [sflag:$0x2], $0x18000, $0x38;
	[tilespmem:$0x18C00] =	vst v63  }
0x3c: {  	_ =	swait.ge [sflag:s3], $0x18000  }
0x3d: {  	[sflag:s3] =	ssyncset.done $0x0  }
0x3e: {  	[sflag:s3] =	ssyncadd.s32 $0xFFFE8000  }
0x3f: {  	[tilespmem:s7], [sflag:$0x1] =	stream.indirect.gather [hbm4b:s5+s6], $0x80, s11, s6, $0xb8;
	[tilespmem:$0x18C00] =	vst v63  }
0x40: {  	_ =	swait.ge [sflag:s8], $0x18000  }
0x41: {  	[sflag:s8] =	ssyncset.done $0x0  }
0x42: {  	[sflag:s8] =	ssyncadd.s32 $0xFFFE8000  }
0x43: {  	[hbm4b:s12+s2] =	stream.linear.scatter [tilespmem:s7], [sflag:$0x2], $0x18000, $0x38;
	[tilespmem:$0x18C00] =	vst v63  }
0x44: {  	_ =	swait.ge [sflag:s3], $0x18000  }
0x45: {  	[sflag:s3] =	ssyncset.done $0x0  }
0x46: {  	[sflag:s3] =	ssyncadd.s32 $0xFFFE8000  }
0x47: {  	[tilespmem:s7], [sflag:$0x1] =	stream.indirect.gather [hbm4b:s5+s6], $0x80, s13, s6, $0xb8;
	[tilespmem:$0x18C00] =	vst v63  }
0x48: {  	_ =	swait.ge [sflag:s8], $0x18000  }
.Ltmp1:
0x49: {  	[sflag:s8] =	ssyncset.done $0x0;
	(pc) =	sbr.rel @p0 .LBB2_1-.Ltmp1, $4  }
0x4a: {  	[sflag:s8] =	ssyncadd.s32 $0xFFFE8000  }
0x4b: {  	[hbm4b:s14+s2] =	stream.linear.scatter [tilespmem:s7], [sflag:$0x2], $0x18000, $0x38;
	[tilespmem:$0x18C00] =	vst v63  }
0x4c: {  	_ =	swait.ge [sflag:s3], $0x18000  }
0x4d: {  	[sflag:s3] =	ssyncset.done $0x0  }
.LBB2_2:
0x4e: {  	[sflag:s3] =	ssyncadd.s32 $0xFFFE8000  }
0x4f: {  	_ =	sfence.sel $0x180000  }
0x50: {  	[bflag:$0x0] =	sbarrier.arrive $0xFFFF  }
0x51: {  	p0 =	sne.s32 s0, $0x0;
	_ =	strace $0x90000053  }
0x52: {  	s0 =	sadd.s32 @!p0 $0x100000, s1;
	[bflag:$0x2] =	sbarrier.arrive $0xFFFF  }
0x53: {  	[sflag:s0] =	ssyncadd.tile.s32 @!p0 $0x1;
	_ =	shalt  }
.Lfunc_end2:
_tile_overlayer_lowered:
.L_overlay_start_2:
0x54: {  	(tag) =	ssettag $0x2  }
0x55: {  	s0 =	rddreg [dreg:$0x0];
	s2 =	stileid.u32  }
0x56: {  	s1 =	rddreg [dreg:$0x1];
	p0 =	sne.s32 s2, $0x0  }
0x57: {  	s3 =	rddreg [dreg:$0x2];
	[bflag:$0x3] =	sbarrier.arrive $0xFFFF;
	s2 =	simm.s32 @!p0 $0x1C02  }
0x58: {  	[timem:s3], [sflag:s2] =	dma.local @!p0 [hbm:s0], s1  }
0x59: {  	s0 =	simm.s32 @!p0 $0x2  }
0x5a: {  	_ =	swait.ge @!p0 [sflag:s0], s1  }
0x5b: {  	s1 =	ssub.s32 @!p0 $0x0, s1;
	[sflag:s0] =	ssyncset.done @!p0 $0x0  }
0x5c: {  	[sflag:s0] =	ssyncadd.s32 @!p0 s1  }
0x5d: {  	[bflag:$0x3] =	sbarrier.arrive $0xFFFF  }
0x5e: {  	_ =	shalt  }

// kernel: kernel.44.cloned.1.call-start
scs
__scs_entry_jumppad:
0x0: {  	(pc) =	sbr.rel $0x88, $3  }
0x1: {  	(tag) =	ssettag $0x0;
	lr =	simm.s32 $0x1  }
0x2: {  	[smem:$0x3F90] =	sst lr;
	_ =	strace $0xD0000000  }
0x3: {  	_ = 	snop  }
0x4: {  	_ = 	snop  }
0x5: {  	_ = 	snop  }
0x6: {  	_ = 	snop  }
0x7: {  	_ = 	snop  }
__scs_overlays_trampoline_lowered:
0x8: {  	[smem:$0x3F9F] =	sst s0  }
0x9: {  	[smem:$0x3FA0] =	sst s1  }
0xa: {  	[smem:$0x3FA1] =	sst s2  }
0xb: {  	[smem:$0x3FA2] =	sst s3  }
0xc: {  	[smem:$0x3FA3] =	sst s4  }
0xd: {  	[smem:$0x3FA4] =	sst s5  }
0xe: {  	[smem:$0x3FA5] =	sst s6  }
0xf: {  	[smem:$0x3FA6] =	sst s7  }
0x10: {  	[smem:$0x3FA7] =	sst s8  }
0x11: {  	[smem:$0x3FA8] =	sst s9;
	s0 =	simm.s32 @!p0 $0x0  }
0x12: {  	s1 =	sld [smem:$0x3F8E];
	s0 =	simm.s32 @p0 $0x1  }
0x13: {  	[smem:$0x3FA9] =	sst s0;
	s0 =	simm.s32 @!p1 $0x0  }
0x14: {  	s2 =	sld [smem:$0x3F8D];
	s0 =	simm.s32 @p1 $0x1  }
0x15: {  	[smem:$0x3FAA] =	sst s0;
	s0 =	simm.s32 @!p2 $0x0  }
0x16: {  	s3 =	sld [smem:$0x3FDB];
	s0 =	simm.s32 @p2 $0x1  }
0x17: {  	s4 =	simm.s32 $0x1BF5;
	[smem:$0x3FAC] =	sst s0  }
0x18: {  	s0 =	sld [smem:$0x3F8F];
	_ =	swait.ge [sflag:s4], $0x0  }
0x19: {  	s7 =	sld [smem:$0x3F90]  }
0x1a: {  	s8 =	sadd.s32 $0xFFFFE003, lr  }
0x1b: {  	s9 =	sadd.s32 $0xFFFFFEF7, lr;
	s5 =	simm.s32 $0xFFFFFFFF;
	p2 =	slt.u32 s8, $0xFFFFF086  }
0x1c: {  	p1 =	slt.u32 s9, $0xF7A;
	s5 =	simm.s32 @!p2 $0x0  }
0x1d: {  	s5 =	simm.s32 @p1 $0x1;
	p0 =	seq.s32 s7, s2  }
0x1e: {  	s7 =	smul.u32 @!p0 $0xF7A, s2;
	p2 =	seq.s32 @!p0 s5, $0x0  }
0x1f: {  	s9 =	smul.u32 $0xF7A, s1;
	s8 =	simm.s32 @!p0 $0x1BF5;
	p2 =	por !p2, p0  }
0x20: {  	[sflag:s8] =	ssyncset.s32 @!p0 $0xFFFFF086;
	s6 =	sadd.s32 @!p0 s3, s7;
	s7 =	simm.s32 @!p0 $0x108  }
0x21: {  	s3 =	sadd.s32 s3, s9;
	s6 =	sadd.s32 @!p0 $0x88, s6;
	s7 =	simm.s32 @p2 $0x1082  }
0x22: {  	[simem:s7], [sflag:s8] =	dma.local @!p0 [hbm:s6], $0xF7A  }
0x23: {  	s9 =	sor.u32 $0xD0000000, s2;
	s6 =	simm.s32 $0x108;
	_ =	swait.ge @!p0 [sflag:s8], $0x0  }
0x24: {  	s3 =	sadd.s32 $0x88, s3;
	s6 =	simm.s32 @!p1 $0x1082;
	[sflag:s4] =	ssyncset.s32 $0xFFFFF086  }
0x25: {  	[simem:s6], [sflag:s4] =	dma.local [hbm:s3], $0xF7A  }
0x26: {  	[smem:$0x3F90] =	sst s1;
	(tag) =	ssettag s2;
	_ =	strace s9  }
0x27: {  	s1 =	sld [smem:$0x3FA0]  }
0x28: {  	s2 =	sld [smem:$0x3FA1]  }
0x29: {  	s4 =	sld [smem:$0x3FA3]  }
0x2a: {  	p0 =	seq.s32 s5, $0x0;
	s5 =	sld [smem:$0x3FA4]  }
0x2b: {  	s6 =	sld [smem:$0x3FA5]  }
0x2c: {  	s7 =	sld [smem:$0x3FA6]  }
0x2d: {  	s3 =	simm.s32 $0x108;
	s8 =	sld [smem:$0x3FA7]  }
0x2e: {  	s3 =	simm.s32 @!p0 $0x1082;
	s9 =	sld [smem:$0x3FA8]  }
0x2f: {  	lr =	sadd.s32 s0, s3;
	s0 =	sld [smem:$0x3F9F]  }
0x30: {  	s3 =	sld [smem:$0x3FA2]  }
0x31: {  	[smem:$0x3FAB] =	sst s10  }
0x32: {  	s10 =	sld [smem:$0x3FA9];
	_ =	sdelay $0x3  }
0x33: {  	p0 =	seq.s32 s10, $0x1;
	s10 =	sld [smem:$0x3FAB];
	_ =	sdelay $0x3  }
0x34: {  	[smem:$0x3FAB] =	sst s10  }
0x35: {  	s10 =	sld [smem:$0x3FAA];
	_ =	sdelay $0x3  }
0x36: {  	p1 =	seq.s32 s10, $0x1;
	s10 =	sld [smem:$0x3FAB];
	_ =	sdelay $0x3  }
0x37: {  	[smem:$0x3FAB] =	sst s10  }
0x38: {  	s10 =	sld [smem:$0x3FAC]  }
0x39: {  	_ = 	snop;
	(pc) =	sbr.ind lr, $3  }
0x3a: {  	_ = 	snop  }
0x3b: {  	_ = 	snop  }
0x3c: {  	p2 =	seq.s32 s10, $0x1;
	s10 =	sld [smem:$0x3FAB]  }
0x3d: {  	_ =	shalt  }
0x3e: {  	_ =	shalt  }
0x3f: {  	_ =	shalt  }
0x40: {  	_ =	shalt  }
0x41: {  	_ =	shalt  }
0x42: {  	_ =	shalt  }
0x43: {  	_ =	shalt  }
0x44: {  	_ =	shalt  }
0x45: {  	_ =	shalt  }
0x46: {  	_ =	shalt  }
0x47: {  	_ =	shalt  }
0x48: {  	_ =	shalt  }
0x49: {  	_ =	shalt  }
0x4a: {  	_ =	shalt  }
0x4b: {  	_ =	shalt  }
0x4c: {  	_ =	shalt  }
0x4d: {  	_ =	shalt  }
0x4e: {  	_ =	shalt  }
0x4f: {  	_ =	shalt  }
0x50: {  	_ =	shalt  }
0x51: {  	_ =	shalt  }
0x52: {  	_ =	shalt  }
0x53: {  	_ =	shalt  }
0x54: {  	_ =	shalt  }
0x55: {  	_ =	shalt  }
0x56: {  	_ =	shalt  }
0x57: {  	_ =	shalt  }
0x58: {  	_ =	shalt  }
0x59: {  	_ =	shalt  }
0x5a: {  	_ =	shalt  }
0x5b: {  	_ =	shalt  }
0x5c: {  	_ =	shalt  }
0x5d: {  	_ =	shalt  }
0x5e: {  	_ =	shalt  }
0x5f: {  	_ =	shalt  }
0x60: {  	_ =	shalt  }
0x61: {  	_ =	shalt  }
0x62: {  	_ =	shalt  }
0x63: {  	_ =	shalt  }
0x64: {  	_ =	shalt  }
0x65: {  	_ =	shalt  }
0x66: {  	_ =	shalt  }
0x67: {  	_ =	shalt  }
0x68: {  	_ =	shalt  }
0x69: {  	_ =	shalt  }
0x6a: {  	_ =	shalt  }
0x6b: {  	_ =	shalt  }
0x6c: {  	_ =	shalt  }
0x6d: {  	_ =	shalt  }
0x6e: {  	_ =	shalt  }
0x6f: {  	_ =	shalt  }
0x70: {  	_ =	shalt  }
0x71: {  	_ =	shalt  }
0x72: {  	_ =	shalt  }
0x73: {  	_ =	shalt  }
0x74: {  	_ =	shalt  }
0x75: {  	_ =	shalt  }
0x76: {  	_ =	shalt  }
0x77: {  	_ =	shalt  }
0x78: {  	_ =	shalt  }
0x79: {  	_ =	shalt  }
0x7a: {  	_ =	shalt  }
0x7b: {  	_ =	shalt  }
0x7c: {  	_ =	shalt  }
0x7d: {  	_ =	shalt  }
0x7e: {  	_ =	shalt  }
0x7f: {  	_ =	shalt  }
0x80: {  	_ =	shalt  }
0x81: {  	_ =	shalt  }
0x82: {  	_ =	shalt  }
0x83: {  	_ =	shalt  }
0x84: {  	_ =	shalt  }
0x85: {  	_ =	shalt  }
0x86: {  	_ =	shalt  }
0x87: {  	_ =	shalt  }
.Lfunc_end0:
.L_simem_size_0:
called_computation.5_lowered:
.L_overlay_start_0:
0x88: {  	s2 =	sld [smem:$0x3FD9]  }
0x89: {  	s3 =	sld [smem:$0x3FFE];
	_ =	sdelay $0x1  }
0x8a: {  	s1 =	srdreg.scid  }
0x8b: {  	s0 =	sand.u32 $0x1, s1  }
0x8c: {  	s17 =	sshll.u32 s0, $0xA;
	s2 =	sadd.s32 s3, s2  }
0x8d: {  	s2 =	sadd.s32 s2, s17  }
0x8e: {  	[smem:$0x3FB7] =	sst s2  }
0x8f: {  	_ = 	snop  }
0x90: {  	s2 =	sld [smem:$0x3FD0];
	(tm) =	ssettm $0x1  }
0x91: {  	s18 =	sld [smem:$0x3FFB];
	_ =	sdelay $0x3  }
0x92: {  	_ =	strace s18  }
0x93: {  	s3 =	sld [smem:$0x3FFC];
	_ =	sdelay $0x3  }
0x94: {  	_ =	strace s3  }
0x95: {  	s3 =	sld [smem:$0x3FFD];
	_ =	sdelay $0x3  }
0x96: {  	_ =	strace s3  }
0x97: {  	_ =	strace $0x8FFFFFFF  }
0x98: {  	s19 =	sld [smem:$0x3FDB];
	_ =	sdelay $0x1  }
0x99: {  	s4 =	simm.s32 $_scs_section_size  }
0x9a: {  	s5 =	simm.s32 $_size__tile_overlayer_lowered;
	s6 =	simm.s32 $_tile_overlayer_lowered  }
0x9b: {  	s22 =	simm.s32 $0x1BFF;
	s21 =	sshll.u32 s6, $0x1;
	s3 =	sadd.s32 s4, s19  }
0x9c: {  	s7 =	simm.s32 $0x0;
	s20 =	sshll.u32 s5, $0x1;
	s5 =	sadd.s32 s21, s3  }
0x9d: {  	[timem:s7], [sflag:s22] =	dma.local [hbm:s5], s20  }
0x9e: {  	_ =	swait.ge [sflag:s22], s20  }
0x9f: {  	s4 =	ssub.s32 $0x0, s20;
	[sflag:s22] =	ssyncset.done $0x0  }
0xa0: {  	[sflag:s22] =	ssyncadd.s32 s4;
	_ =	sdelay $0x1  }
0xa1: {  	s23 =	simm.s32 $0x1B8B  }
0xa2: {  	_ =	swait.ge [sflag:s23], $0x1  }
0xa3: {  	[sflag:s23] =	ssyncset.done $0x0  }
0xa4: {  	s25 =	simm.s32 $0x1B8E;
	s24 =	sld [smem:$0x3FFE];
	[sflag:s23] =	ssyncadd.s32 $0xFFFFFFFF  }
0xa5: {  	s26 =	simm.s32 $execute0_lowered;
	[smem:$0x3FD2] =	sst s25  }
0xa6: {  	s5 =	sshll.u32 s26, $0x1;
	_ =	strace $0x80000055;
	[dreg:$0x1] =	wrdreg $0xFFFFFFFF  }
0xa7: {  	s28 =	simm.s32 $_size_execute0_lowered;
	s3 =	sadd.s32 s3, s5;
	[dreg:$0x0] =	wrdreg $0x0  }
0xa8: {  	s5 =	sshll.u32 s28, $0x1;
	[dreg:$0x2] =	wrdreg s3  }
0xa9: {  	[dreg:$0x3] =	wrdreg s5  }
0xaa: {  	[dreg:$0x4] =	wrdreg $0xC0  }
0xab: {  	_ =	task [dreg:s7], $0x5FFFF  }
0xac: {  	[dreg:$0x1] =	wrdreg $0xFFFFFFFF  }
0xad: {  	[dreg:$0x0] =	wrdreg $0x60  }
0xae: {  	[dreg:$0x2] =	wrdreg s24  }
0xaf: {  	[dreg:$0x3] =	wrdreg s2  }
0xb0: {  	[dreg:$0x4] =	wrdreg $0x9  }
0xb1: {  	_ =	task.clear_ibuf [dreg:s7], $0x5FFFF;
	_ =	strace $0x90000055  }
0xb2: {  	s29 =	simm.s32 $0x9;
	_ =	strace $0x80000057  }
0xb3: {  	_ =	swait.ge [sflag:s29], $0x1  }
0xb4: {  	[sflag:s29] =	ssyncadd.s32 $0xFFFFFFFF  }
0xb5: {  	_ =	strace $0x90000057  }
0xb6: {  	_ =	sfence  }
0xb7: {  	s30 =	sld [smem:$0x0];
	_ =	sdelay $0x2  }
0xb8: {  	s31 =	sshll.u32 s1, $0xD;
	s1 =	sshrl.u32 s1, $0x2  }
0xb9: {  	s3 =	sand.u32 $0x4000, s31;
	s1 =	sadd.s32 s1, s30  }
0xba: {  	s0 =	sor.u32 s3, s0;
	s1 =	sshll.u32 s1, $0x11  }
0xbb: {  	s0 =	sor.u32 s1, s0  }
0xbc: {  	s0 =	sadd.s32 $0x8F2B, s0  }
0xbd: {  	[sflag:s0] =	ssyncadd.remote.s32 $0x1  }
0xbe: {  	_ =	sfence.sel $0xFFFF  }
0xbf: {  	[dreg:$0x0] =	wrdreg $0xFFFFFFFF;
	(pc) =	sbr.abs _section_cstart, $3  }
0xc0: {  	[dreg:$0x1] =	wrdreg $0xFFFFFFFF  }
0xc1: {  	_ =	task.clear_ibuf [dreg:s7], $0x2FFFF;
	_ =	strace $0x9FFFFFFF  }
0xc2: {  	(tm) =	ssettm $0x7FFFFFFF  }
0xc3: {  	_ =	shalt  }
tec
execute0_lowered:
.L_overlay_start_1:
0x0: {  	(tag) =	ssettag $0x1  }
0x1: {  	s1 =	srdreg.scid;
	s0 =	stileid.u32  }
0x2: {  	s9 =	rddreg [dreg:$0x0];
	s13 =	sand.u32 $0x1, s1;
	s31 =	sshll.u32 s0, $0x1  }
0x3: {  	s3 =	rddreg [dreg:$0x1];
	s6 =	sor.u32 s13, s31  }
0x4: {  	s2 =	simm.s32 $0x0;
	s1 =	rddreg [dreg:$0x2];
	s4 =	smul.u32 $0x180, s6  }
0x5: {  	[smem:$0x7FF] =	sst s2  }
0x6: {  	_ =	strace $0x80000056;
	s4 =	sadd.s32 s3, s4;
	s3 =	simm.s32 $0x2  }
0x7: {  	[tilespmem:s2], [sflag:$0x2] =	stream.linear.gather [hbm4b:s4+s2], $0xC00, $0x38;
	[tilespmem:$0x18C00] =	vst v63  }
0x8: {  	s7 =	simm.s32 $0xC00;
	_ =	swait.ge [sflag:s3], $0xC00  }
0x9: {  	s8 =	simm.s32 $0x1;
	s5 =	sadd.s32 $0x7600, s9;
	[sflag:s3] =	ssyncset.done $0x0  }
0xa: {  	s10 =	smul.u32 $0xC000, s6;
	s6 =	simm.s32 $0x300;
	[sflag:s3] =	ssyncadd.s32 $0xFFFFF400  }
0xb: {  	[tilespmem:s7], [sflag:$0x1] =	stream.indirect.gather [hbm4b:s5+s6], $0x80, s2, s6, $0xb8;
	[tilespmem:$0x18C00] =	vst v63  }
0xc: {  	_ =	swait.ge [sflag:s8], $0x18000  }
0xd: {  	s14 =	sadd.s32 s10, s9;
	[sflag:s8] =	ssyncset.done $0x0  }
0xe: {  	s9 =	sadd.s32 $0x87600, s14;
	[sflag:s8] =	ssyncadd.s32 $0xFFFE8000  }
0xf: {  	[hbm4b:s9+s2] =	stream.linear.scatter [tilespmem:s7], [sflag:$0x2], $0x18000, $0x38;
	[tilespmem:$0x18C00] =	vst v63  }
0x10: {  	_ =	swait.ge [sflag:s3], $0x18000  }
0x11: {  	[sflag:s3] =	ssyncset.done $0x0  }
0x12: {  	[sflag:s3] =	ssyncadd.s32 $0xFFFE8000  }
0x13: {  	[tilespmem:s7], [sflag:$0x1] =	stream.indirect.gather [hbm4b:s5+s6], $0x80, s6, s6, $0xb8;
	[tilespmem:$0x18C00] =	vst v63  }
0x14: {  	_ =	swait.ge [sflag:s8], $0x18000  }
0x15: {  	[sflag:s8] =	ssyncset.done $0x0  }
0x16: {  	s10 =	sadd.s32 $0x8A600, s14;
	[sflag:s8] =	ssyncadd.s32 $0xFFFE8000  }
0x17: {  	[hbm4b:s10+s2] =	stream.linear.scatter [tilespmem:s7], [sflag:$0x2], $0x18000, $0x38;
	[tilespmem:$0x18C00] =	vst v63  }
0x18: {  	_ =	swait.ge [sflag:s3], $0x18000  }
0x19: {  	[sflag:s3] =	ssyncset.done $0x0  }
0x1a: {  	s11 =	simm.s32 $0x600;
	[sflag:s3] =	ssyncadd.s32 $0xFFFE8000  }
0x1b: {  	[tilespmem:s7], [sflag:$0x1] =	stream.indirect.gather [hbm4b:s5+s6], $0x80, s11, s6, $0xb8;
	[tilespmem:$0x18C00] =	vst v63  }
0x1c: {  	_ =	swait.ge [sflag:s8], $0x18000  }
0x1d: {  	[sflag:s8] =	ssyncset.done $0x0  }
0x1e: {  	s15 =	ssub.s32 $0x2, s13;
	s12 =	sadd.s32 $0x8D600, s14;
	[sflag:s8] =	ssyncadd.s32 $0xFFFE8000  }
0x1f: {  	[hbm4b:s12+s2] =	stream.linear.scatter [tilespmem:s7], [sflag:$0x2], $0x18000, $0x38;
	[tilespmem:$0x18C00] =	vst v63  }
0x20: {  	s16 =	sshrl.u32 s15, $0x1;
	_ =	swait.ge [sflag:s3], $0x18000  }
0x21: {  	s15 =	ssub.s32 s15, s16;
	[sflag:s3] =	ssyncset.done $0x0  }
0x22: {  	s13 =	simm.s32 $0x900;
	s15 =	smax.u32 s15, $0x1;
	[sflag:s3] =	ssyncadd.s32 $0xFFFE8000  }
0x23: {  	[tilespmem:s7], [sflag:$0x1] =	stream.indirect.gather [hbm4b:s5+s6], $0x80, s13, s6, $0xb8;
	[tilespmem:$0x18C00] =	vst v63  }
0x24: {  	p0 =	sne.s32 s15, $0x1;
	_ =	swait.ge [sflag:s8], $0x18000  }
.Ltmp0:
0x25: {  	[sflag:s8] =	ssyncset.done $0x0;
	(pc) =	sbr.rel @!p0 .LBB2_2-.Ltmp0, $4  }
0x26: {  	s14 =	sadd.s32 $0x90600, s14;
	[sflag:s8] =	ssyncadd.s32 $0xFFFE8000  }
0x27: {  	[hbm4b:s14+s2] =	stream.linear.scatter [tilespmem:s7], [sflag:$0x2], $0x18000, $0x38;
	[tilespmem:$0x18C00] =	vst v63  }
0x28: {  	_ =	swait.ge [sflag:s3], $0x18000  }
0x29: {  	s15 =	sadd.s32 $0xFFFFFFFF, s15;
	[sflag:s3] =	ssyncset.done $0x0  }
.LBB2_1:
0x2a: {  	p0 =	sne.s32 s15, $0x1;
	s15 =	sadd.s32 $0xFFFFFFFF, s15;
	[sflag:s3] =	ssyncadd.s32 $0xFFFE8000  }
0x2b: {  	[tilespmem:s2], [sflag:$0x2] =	stream.linear.gather [hbm4b:s4+s2], $0xC00, $0x38;
	[tilespmem:$0x18C00] =	vst v63  }
0x2c: {  	_ =	swait.ge [sflag:s3], $0xC00  }
0x2d: {  	[sflag:s3] =	ssyncset.done $0x0  }
0x2e: {  	[sflag:s3] =	ssyncadd.s32 $0xFFFFF400  }
0x2f: {  	[tilespmem:s7], [sflag:$0x1] =	stream.indirect.gather [hbm4b:s5+s6], $0x80, s2, s6, $0xb8;
	[tilespmem:$0x18C00] =	vst v63  }
0x30: {  	_ =	swait.ge [sflag:s8], $0x18000  }
0x31: {  	[sflag:s8] =	ssyncset.done $0x0  }
0x32: {  	[sflag:s8] =	ssyncadd.s32 $0xFFFE8000  }
0x33: {  	[hbm4b:s9+s2] =	stream.linear.scatter [tilespmem:s7], [sflag:$0x2], $0x18000, $0x38;
	[tilespmem:$0x18C00] =	vst v63  }
0x34: {  	_ =	swait.ge [sflag:s3], $0x18000  }
0x35: {  	[sflag:s3] =	ssyncset.done $0x0  }
0x36: {  	[sflag:s3] =	ssyncadd.s32 $0xFFFE8000  }
0x37: {  	[tilespmem:s7], [sflag:$0x1] =	stream.indirect.gather [hbm4b:s5+s6], $0x80, s6, s6, $0xb8;
	[tilespmem:$0x18C00] =	vst v63  }
0x38: {  	_ =	swait.ge [sflag:s8], $0x18000  }
0x39: {  	[sflag:s8] =	ssyncset.done $0x0  }
0x3a: {  	[sflag:s8] =	ssyncadd.s32 $0xFFFE8000  }
0x3b: {  	[hbm4b:s10+s2] =	stream.linear.scatter [tilespmem:s7], [sflag:$0x2], $0x18000, $0x38;
	[tilespmem:$0x18C00] =	vst v63  }
0x3c: {  	_ =	swait.ge [sflag:s3], $0x18000  }
0x3d: {  	[sflag:s3] =	ssyncset.done $0x0  }
0x3e: {  	[sflag:s3] =	ssyncadd.s32 $0xFFFE8000  }
0x3f: {  	[tilespmem:s7], [sflag:$0x1] =	stream.indirect.gather [hbm4b:s5+s6], $0x80, s11, s6, $0xb8;
	[tilespmem:$0x18C00] =	vst v63  }
0x40: {  	_ =	swait.ge [sflag:s8], $0x18000  }
0x41: {  	[sflag:s8] =	ssyncset.done $0x0  }
0x42: {  	[sflag:s8] =	ssyncadd.s32 $0xFFFE8000  }
0x43: {  	[hbm4b:s12+s2] =	stream.linear.scatter [tilespmem:s7], [sflag:$0x2], $0x18000, $0x38;
	[tilespmem:$0x18C00] =	vst v63  }
0x44: {  	_ =	swait.ge [sflag:s3], $0x18000  }
0x45: {  	[sflag:s3] =	ssyncset.done $0x0  }
0x46: {  	[sflag:s3] =	ssyncadd.s32 $0xFFFE8000  }
0x47: {  	[tilespmem:s7], [sflag:$0x1] =	stream.indirect.gather [hbm4b:s5+s6], $0x80, s13, s6, $0xb8;
	[tilespmem:$0x18C00] =	vst v63  }
0x48: {  	_ =	swait.ge [sflag:s8], $0x18000  }
.Ltmp1:
0x49: {  	[sflag:s8] =	ssyncset.done $0x0;
	(pc) =	sbr.rel @p0 .LBB2_1-.Ltmp1, $4  }
0x4a: {  	[sflag:s8] =	ssyncadd.s32 $0xFFFE8000  }
0x4b: {  	[hbm4b:s14+s2] =	stream.linear.scatter [tilespmem:s7], [sflag:$0x2], $0x18000, $0x38;
	[tilespmem:$0x18C00] =	vst v63  }
0x4c: {  	_ =	swait.ge [sflag:s3], $0x18000  }
0x4d: {  	[sflag:s3] =	ssyncset.done $0x0  }
.LBB2_2:
0x4e: {  	[sflag:s3] =	ssyncadd.s32 $0xFFFE8000  }
0x4f: {  	_ =	sfence.sel $0x180000  }
0x50: {  	[bflag:$0x0] =	sbarrier.arrive $0xFFFF  }
0x51: {  	p0 =	sne.s32 s0, $0x0;
	_ =	strace $0x90000056  }
0x52: {  	s0 =	sadd.s32 @!p0 $0x100000, s1;
	[bflag:$0x2] =	sbarrier.arrive $0xFFFF  }
0x53: {  	[sflag:s0] =	ssyncadd.tile.s32 @!p0 $0x1;
	_ =	shalt  }
.Lfunc_end2:
_tile_overlayer_lowered:
.L_overlay_start_2:
0x54: {  	(tag) =	ssettag $0x2  }
0x55: {  	s0 =	rddreg [dreg:$0x0];
	s2 =	stileid.u32  }
0x56: {  	s1 =	rddreg [dreg:$0x1];
	p0 =	sne.s32 s2, $0x0  }
0x57: {  	s3 =	rddreg [dreg:$0x2];
	[bflag:$0x3] =	sbarrier.arrive $0xFFFF;
	s2 =	simm.s32 @!p0 $0x1C02  }
0x58: {  	[timem:s3], [sflag:s2] =	dma.local @!p0 [hbm:s0], s1  }
0x59: {  	s0 =	simm.s32 @!p0 $0x2  }
0x5a: {  	_ =	swait.ge @!p0 [sflag:s0], s1  }
0x5b: {  	s1 =	ssub.s32 @!p0 $0x0, s1;
	[sflag:s0] =	ssyncset.done @!p0 $0x0  }
0x5c: {  	[sflag:s0] =	ssyncadd.s32 @!p0 s1  }
0x5d: {  	[bflag:$0x3] =	sbarrier.arrive $0xFFFF  }
0x5e: {  	_ =	shalt  }

// kernel: kernel.47.cloned.1.call-start
scs
__scs_entry_jumppad:
0x0: {  	(pc) =	sbr.rel $0x88, $3  }
0x1: {  	(tag) =	ssettag $0x0;
	lr =	simm.s32 $0x1  }
0x2: {  	[smem:$0x3F90] =	sst lr;
	_ =	strace $0xD0000000  }
0x3: {  	_ = 	snop  }
0x4: {  	_ = 	snop  }
0x5: {  	_ = 	snop  }
0x6: {  	_ = 	snop  }
0x7: {  	_ = 	snop  }
__scs_overlays_trampoline_lowered:
0x8: {  	[smem:$0x3F9F] =	sst s0  }
0x9: {  	[smem:$0x3FA0] =	sst s1  }
0xa: {  	[smem:$0x3FA1] =	sst s2  }
0xb: {  	[smem:$0x3FA2] =	sst s3  }
0xc: {  	[smem:$0x3FA3] =	sst s4  }
0xd: {  	[smem:$0x3FA4] =	sst s5  }
0xe: {  	[smem:$0x3FA5] =	sst s6  }
0xf: {  	[smem:$0x3FA6] =	sst s7  }
0x10: {  	[smem:$0x3FA7] =	sst s8  }
0x11: {  	[smem:$0x3FA8] =	sst s9;
	s0 =	simm.s32 @!p0 $0x0  }
0x12: {  	s1 =	sld [smem:$0x3F8E];
	s0 =	simm.s32 @p0 $0x1  }
0x13: {  	[smem:$0x3FA9] =	sst s0;
	s0 =	simm.s32 @!p1 $0x0  }
0x14: {  	s2 =	sld [smem:$0x3F8D];
	s0 =	simm.s32 @p1 $0x1  }
0x15: {  	[smem:$0x3FAA] =	sst s0;
	s0 =	simm.s32 @!p2 $0x0  }
0x16: {  	s3 =	sld [smem:$0x3FDB];
	s0 =	simm.s32 @p2 $0x1  }
0x17: {  	s4 =	simm.s32 $0x1BF5;
	[smem:$0x3FAC] =	sst s0  }
0x18: {  	s0 =	sld [smem:$0x3F8F];
	_ =	swait.ge [sflag:s4], $0x0  }
0x19: {  	s7 =	sld [smem:$0x3F90]  }
0x1a: {  	s8 =	sadd.s32 $0xFFFFE003, lr  }
0x1b: {  	s9 =	sadd.s32 $0xFFFFFEF7, lr;
	s5 =	simm.s32 $0xFFFFFFFF;
	p2 =	slt.u32 s8, $0xFFFFF086  }
0x1c: {  	p1 =	slt.u32 s9, $0xF7A;
	s5 =	simm.s32 @!p2 $0x0  }
0x1d: {  	s5 =	simm.s32 @p1 $0x1;
	p0 =	seq.s32 s7, s2  }
0x1e: {  	s7 =	smul.u32 @!p0 $0xF7A, s2;
	p2 =	seq.s32 @!p0 s5, $0x0  }
0x1f: {  	s9 =	smul.u32 $0xF7A, s1;
	s8 =	simm.s32 @!p0 $0x1BF5;
	p2 =	por !p2, p0  }
0x20: {  	[sflag:s8] =	ssyncset.s32 @!p0 $0xFFFFF086;
	s6 =	sadd.s32 @!p0 s3, s7;
	s7 =	simm.s32 @!p0 $0x108  }
0x21: {  	s3 =	sadd.s32 s3, s9;
	s6 =	sadd.s32 @!p0 $0x88, s6;
	s7 =	simm.s32 @p2 $0x1082  }
0x22: {  	[simem:s7], [sflag:s8] =	dma.local @!p0 [hbm:s6], $0xF7A  }
0x23: {  	s9 =	sor.u32 $0xD0000000, s2;
	s6 =	simm.s32 $0x108;
	_ =	swait.ge @!p0 [sflag:s8], $0x0  }
0x24: {  	s3 =	sadd.s32 $0x88, s3;
	s6 =	simm.s32 @!p1 $0x1082;
	[sflag:s4] =	ssyncset.s32 $0xFFFFF086  }
0x25: {  	[simem:s6], [sflag:s4] =	dma.local [hbm:s3], $0xF7A  }
0x26: {  	[smem:$0x3F90] =	sst s1;
	(tag) =	ssettag s2;
	_ =	strace s9  }
0x27: {  	s1 =	sld [smem:$0x3FA0]  }
0x28: {  	s2 =	sld [smem:$0x3FA1]  }
0x29: {  	s4 =	sld [smem:$0x3FA3]  }
0x2a: {  	p0 =	seq.s32 s5, $0x0;
	s5 =	sld [smem:$0x3FA4]  }
0x2b: {  	s6 =	sld [smem:$0x3FA5]  }
0x2c: {  	s7 =	sld [smem:$0x3FA6]  }
0x2d: {  	s3 =	simm.s32 $0x108;
	s8 =	sld [smem:$0x3FA7]  }
0x2e: {  	s3 =	simm.s32 @!p0 $0x1082;
	s9 =	sld [smem:$0x3FA8]  }
0x2f: {  	lr =	sadd.s32 s0, s3;
	s0 =	sld [smem:$0x3F9F]  }
0x30: {  	s3 =	sld [smem:$0x3FA2]  }
0x31: {  	[smem:$0x3FAB] =	sst s10  }
0x32: {  	s10 =	sld [smem:$0x3FA9];
	_ =	sdelay $0x3  }
0x33: {  	p0 =	seq.s32 s10, $0x1;
	s10 =	sld [smem:$0x3FAB];
	_ =	sdelay $0x3  }
0x34: {  	[smem:$0x3FAB] =	sst s10  }
0x35: {  	s10 =	sld [smem:$0x3FAA];
	_ =	sdelay $0x3  }
0x36: {  	p1 =	seq.s32 s10, $0x1;
	s10 =	sld [smem:$0x3FAB];
	_ =	sdelay $0x3  }
0x37: {  	[smem:$0x3FAB] =	sst s10  }
0x38: {  	s10 =	sld [smem:$0x3FAC]  }
0x39: {  	_ = 	snop;
	(pc) =	sbr.ind lr, $3  }
0x3a: {  	_ = 	snop  }
0x3b: {  	_ = 	snop  }
0x3c: {  	p2 =	seq.s32 s10, $0x1;
	s10 =	sld [smem:$0x3FAB]  }
0x3d: {  	_ =	shalt  }
0x3e: {  	_ =	shalt  }
0x3f: {  	_ =	shalt  }
0x40: {  	_ =	shalt  }
0x41: {  	_ =	shalt  }
0x42: {  	_ =	shalt  }
0x43: {  	_ =	shalt  }
0x44: {  	_ =	shalt  }
0x45: {  	_ =	shalt  }
0x46: {  	_ =	shalt  }
0x47: {  	_ =	shalt  }
0x48: {  	_ =	shalt  }
0x49: {  	_ =	shalt  }
0x4a: {  	_ =	shalt  }
0x4b: {  	_ =	shalt  }
0x4c: {  	_ =	shalt  }
0x4d: {  	_ =	shalt  }
0x4e: {  	_ =	shalt  }
0x4f: {  	_ =	shalt  }
0x50: {  	_ =	shalt  }
0x51: {  	_ =	shalt  }
0x52: {  	_ =	shalt  }
0x53: {  	_ =	shalt  }
0x54: {  	_ =	shalt  }
0x55: {  	_ =	shalt  }
0x56: {  	_ =	shalt  }
0x57: {  	_ =	shalt  }
0x58: {  	_ =	shalt  }
0x59: {  	_ =	shalt  }
0x5a: {  	_ =	shalt  }
0x5b: {  	_ =	shalt  }
0x5c: {  	_ =	shalt  }
0x5d: {  	_ =	shalt  }
0x5e: {  	_ =	shalt  }
0x5f: {  	_ =	shalt  }
0x60: {  	_ =	shalt  }
0x61: {  	_ =	shalt  }
0x62: {  	_ =	shalt  }
0x63: {  	_ =	shalt  }
0x64: {  	_ =	shalt  }
0x65: {  	_ =	shalt  }
0x66: {  	_ =	shalt  }
0x67: {  	_ =	shalt  }
0x68: {  	_ =	shalt  }
0x69: {  	_ =	shalt  }
0x6a: {  	_ =	shalt  }
0x6b: {  	_ =	shalt  }
0x6c: {  	_ =	shalt  }
0x6d: {  	_ =	shalt  }
0x6e: {  	_ =	shalt  }
0x6f: {  	_ =	shalt  }
0x70: {  	_ =	shalt  }
0x71: {  	_ =	shalt  }
0x72: {  	_ =	shalt  }
0x73: {  	_ =	shalt  }
0x74: {  	_ =	shalt  }
0x75: {  	_ =	shalt  }
0x76: {  	_ =	shalt  }
0x77: {  	_ =	shalt  }
0x78: {  	_ =	shalt  }
0x79: {  	_ =	shalt  }
0x7a: {  	_ =	shalt  }
0x7b: {  	_ =	shalt  }
0x7c: {  	_ =	shalt  }
0x7d: {  	_ =	shalt  }
0x7e: {  	_ =	shalt  }
0x7f: {  	_ =	shalt  }
0x80: {  	_ =	shalt  }
0x81: {  	_ =	shalt  }
0x82: {  	_ =	shalt  }
0x83: {  	_ =	shalt  }
0x84: {  	_ =	shalt  }
0x85: {  	_ =	shalt  }
0x86: {  	_ =	shalt  }
0x87: {  	_ =	shalt  }
.Lfunc_end0:
.L_simem_size_0:
called_computation.6_lowered:
.L_overlay_start_0:
0x88: {  	s2 =	sld [smem:$0x3FD9]  }
0x89: {  	s3 =	sld [smem:$0x3FFE];
	_ =	sdelay $0x1  }
0x8a: {  	s1 =	srdreg.scid  }
0x8b: {  	s0 =	sand.u32 $0x1, s1  }
0x8c: {  	s17 =	sshll.u32 s0, $0xA;
	s2 =	sadd.s32 s3, s2  }
0x8d: {  	s2 =	sadd.s32 s2, s17  }
0x8e: {  	[smem:$0x3FB7] =	sst s2  }
0x8f: {  	_ = 	snop  }
0x90: {  	s2 =	sld [smem:$0x3FD0];
	(tm) =	ssettm $0x1  }
0x91: {  	s18 =	sld [smem:$0x3FFB];
	_ =	sdelay $0x3  }
0x92: {  	_ =	strace s18  }
0x93: {  	s3 =	sld [smem:$0x3FFC];
	_ =	sdelay $0x3  }
0x94: {  	_ =	strace s3  }
0x95: {  	s3 =	sld [smem:$0x3FFD];
	_ =	sdelay $0x3  }
0x96: {  	_ =	strace s3  }
0x97: {  	_ =	strace $0x8FFFFFFF  }
0x98: {  	s19 =	sld [smem:$0x3FDB];
	_ =	sdelay $0x1  }
0x99: {  	s4 =	simm.s32 $_scs_section_size  }
0x9a: {  	s5 =	simm.s32 $_size__tile_overlayer_lowered;
	s6 =	simm.s32 $_tile_overlayer_lowered  }
0x9b: {  	s22 =	simm.s32 $0x1BFF;
	s21 =	sshll.u32 s6, $0x1;
	s3 =	sadd.s32 s4, s19  }
0x9c: {  	s7 =	simm.s32 $0x0;
	s20 =	sshll.u32 s5, $0x1;
	s5 =	sadd.s32 s21, s3  }
0x9d: {  	[timem:s7], [sflag:s22] =	dma.local [hbm:s5], s20  }
0x9e: {  	_ =	swait.ge [sflag:s22], s20  }
0x9f: {  	s4 =	ssub.s32 $0x0, s20;
	[sflag:s22] =	ssyncset.done $0x0  }
0xa0: {  	[sflag:s22] =	ssyncadd.s32 s4;
	_ =	sdelay $0x1  }
0xa1: {  	s23 =	simm.s32 $0x1B8B  }
0xa2: {  	_ =	swait.ge [sflag:s23], $0x1  }
0xa3: {  	[sflag:s23] =	ssyncset.done $0x0  }
0xa4: {  	s25 =	simm.s32 $0x1B8E;
	s24 =	sld [smem:$0x3FFE];
	[sflag:s23] =	ssyncadd.s32 $0xFFFFFFFF  }
0xa5: {  	s26 =	simm.s32 $execute0_lowered;
	[smem:$0x3FD2] =	sst s25  }
0xa6: {  	s5 =	sshll.u32 s26, $0x1;
	_ =	strace $0x80000058;
	[dreg:$0x1] =	wrdreg $0xFFFFFFFF  }
0xa7: {  	s28 =	simm.s32 $_size_execute0_lowered;
	s3 =	sadd.s32 s3, s5;
	[dreg:$0x0] =	wrdreg $0x0  }
0xa8: {  	s5 =	sshll.u32 s28, $0x1;
	[dreg:$0x2] =	wrdreg s3  }
0xa9: {  	[dreg:$0x3] =	wrdreg s5  }
0xaa: {  	[dreg:$0x4] =	wrdreg $0xC0  }
0xab: {  	_ =	task [dreg:s7], $0x5FFFF  }
0xac: {  	[dreg:$0x1] =	wrdreg $0xFFFFFFFF  }
0xad: {  	[dreg:$0x0] =	wrdreg $0x60  }
0xae: {  	[dreg:$0x2] =	wrdreg s24  }
0xaf: {  	[dreg:$0x3] =	wrdreg s2  }
0xb0: {  	[dreg:$0x4] =	wrdreg $0x9  }
0xb1: {  	_ =	task.clear_ibuf [dreg:s7], $0x5FFFF;
	_ =	strace $0x90000058  }
0xb2: {  	s29 =	simm.s32 $0x9;
	_ =	strace $0x8000005A  }
0xb3: {  	_ =	swait.ge [sflag:s29], $0x1  }
0xb4: {  	[sflag:s29] =	ssyncadd.s32 $0xFFFFFFFF  }
0xb5: {  	_ =	strace $0x9000005A  }
0xb6: {  	_ =	sfence  }
0xb7: {  	s30 =	sld [smem:$0x0];
	_ =	sdelay $0x2  }
0xb8: {  	s31 =	sshll.u32 s1, $0xD;
	s1 =	sshrl.u32 s1, $0x2  }
0xb9: {  	s3 =	sand.u32 $0x4000, s31;
	s1 =	sadd.s32 s1, s30  }
0xba: {  	s0 =	sor.u32 s3, s0;
	s1 =	sshll.u32 s1, $0x11  }
0xbb: {  	s0 =	sor.u32 s1, s0  }
0xbc: {  	s0 =	sadd.s32 $0x8F2B, s0  }
0xbd: {  	[sflag:s0] =	ssyncadd.remote.s32 $0x1  }
0xbe: {  	_ =	sfence.sel $0xFFFF  }
0xbf: {  	[dreg:$0x0] =	wrdreg $0xFFFFFFFF;
	(pc) =	sbr.abs _section_cstart, $3  }
0xc0: {  	[dreg:$0x1] =	wrdreg $0xFFFFFFFF  }
0xc1: {  	_ =	task.clear_ibuf [dreg:s7], $0x2FFFF;
	_ =	strace $0x9FFFFFFF  }
0xc2: {  	(tm) =	ssettm $0x7FFFFFFF  }
0xc3: {  	_ =	shalt  }
tec
execute0_lowered:
.L_overlay_start_1:
0x0: {  	(tag) =	ssettag $0x1  }
0x1: {  	s1 =	srdreg.scid;
	s0 =	stileid.u32  }
0x2: {  	s9 =	rddreg [dreg:$0x0];
	s13 =	sand.u32 $0x1, s1;
	s31 =	sshll.u32 s0, $0x1  }
0x3: {  	s3 =	rddreg [dreg:$0x1];
	s6 =	sor.u32 s13, s31  }
0x4: {  	s2 =	simm.s32 $0x0;
	s1 =	rddreg [dreg:$0x2];
	s4 =	smul.u32 $0x180, s6  }
0x5: {  	[smem:$0x7FF] =	sst s2  }
0x6: {  	_ =	strace $0x80000059;
	s4 =	sadd.s32 s3, s4;
	s3 =	simm.s32 $0x2  }
0x7: {  	[tilespmem:s2], [sflag:$0x2] =	stream.linear.gather [hbm4b:s4+s2], $0xC00, $0x38;
	[tilespmem:$0x18C00] =	vst v63  }
0x8: {  	s7 =	simm.s32 $0xC00;
	_ =	swait.ge [sflag:s3], $0xC00  }
0x9: {  	s8 =	simm.s32 $0x1;
	s5 =	sadd.s32 $0x7600, s9;
	[sflag:s3] =	ssyncset.done $0x0  }
0xa: {  	s10 =	smul.u32 $0xC000, s6;
	s6 =	simm.s32 $0x300;
	[sflag:s3] =	ssyncadd.s32 $0xFFFFF400  }
0xb: {  	[tilespmem:s7], [sflag:$0x1] =	stream.indirect.gather [hbm4b:s5+s6], $0x80, s2, s6, $0xb8;
	[tilespmem:$0x18C00] =	vst v63  }
0xc: {  	_ =	swait.ge [sflag:s8], $0x18000  }
0xd: {  	s14 =	sadd.s32 s10, s9;
	[sflag:s8] =	ssyncset.done $0x0  }
0xe: {  	s9 =	sadd.s32 $0x87600, s14;
	[sflag:s8] =	ssyncadd.s32 $0xFFFE8000  }
0xf: {  	[hbm4b:s9+s2] =	stream.linear.scatter [tilespmem:s7], [sflag:$0x2], $0x18000, $0x38;
	[tilespmem:$0x18C00] =	vst v63  }
0x10: {  	_ =	swait.ge [sflag:s3], $0x18000  }
0x11: {  	[sflag:s3] =	ssyncset.done $0x0  }
0x12: {  	[sflag:s3] =	ssyncadd.s32 $0xFFFE8000  }
0x13: {  	[tilespmem:s7], [sflag:$0x1] =	stream.indirect.gather [hbm4b:s5+s6], $0x80, s6, s6, $0xb8;
	[tilespmem:$0x18C00] =	vst v63  }
0x14: {  	_ =	swait.ge [sflag:s8], $0x18000  }
0x15: {  	[sflag:s8] =	ssyncset.done $0x0  }
0x16: {  	s10 =	sadd.s32 $0x8A600, s14;
	[sflag:s8] =	ssyncadd.s32 $0xFFFE8000  }
0x17: {  	[hbm4b:s10+s2] =	stream.linear.scatter [tilespmem:s7], [sflag:$0x2], $0x18000, $0x38;
	[tilespmem:$0x18C00] =	vst v63  }
0x18: {  	_ =	swait.ge [sflag:s3], $0x18000  }
0x19: {  	[sflag:s3] =	ssyncset.done $0x0  }
0x1a: {  	s11 =	simm.s32 $0x600;
	[sflag:s3] =	ssyncadd.s32 $0xFFFE8000  }
0x1b: {  	[tilespmem:s7], [sflag:$0x1] =	stream.indirect.gather [hbm4b:s5+s6], $0x80, s11, s6, $0xb8;
	[tilespmem:$0x18C00] =	vst v63  }
0x1c: {  	_ =	swait.ge [sflag:s8], $0x18000  }
0x1d: {  	[sflag:s8] =	ssyncset.done $0x0  }
0x1e: {  	s15 =	ssub.s32 $0x2, s13;
	s12 =	sadd.s32 $0x8D600, s14;
	[sflag:s8] =	ssyncadd.s32 $0xFFFE8000  }
0x1f: {  	[hbm4b:s12+s2] =	stream.linear.scatter [tilespmem:s7], [sflag:$0x2], $0x18000, $0x38;
	[tilespmem:$0x18C00] =	vst v63  }
0x20: {  	s16 =	sshrl.u32 s15, $0x1;
	_ =	swait.ge [sflag:s3], $0x18000  }
0x21: {  	s15 =	ssub.s32 s15, s16;
	[sflag:s3] =	ssyncset.done $0x0  }
0x22: {  	s13 =	simm.s32 $0x900;
	s15 =	smax.u32 s15, $0x1;
	[sflag:s3] =	ssyncadd.s32 $0xFFFE8000  }
0x23: {  	[tilespmem:s7], [sflag:$0x1] =	stream.indirect.gather [hbm4b:s5+s6], $0x80, s13, s6, $0xb8;
	[tilespmem:$0x18C00] =	vst v63  }
0x24: {  	p0 =	sne.s32 s15, $0x1;
	_ =	swait.ge [sflag:s8], $0x18000  }
.Ltmp0:
0x25: {  	[sflag:s8] =	ssyncset.done $0x0;
	(pc) =	sbr.rel @!p0 .LBB2_2-.Ltmp0, $4  }
0x26: {  	s14 =	sadd.s32 $0x90600, s14;
	[sflag:s8] =	ssyncadd.s32 $0xFFFE8000  }
0x27: {  	[hbm4b:s14+s2] =	stream.linear.scatter [tilespmem:s7], [sflag:$0x2], $0x18000, $0x38;
	[tilespmem:$0x18C00] =	vst v63  }
0x28: {  	_ =	swait.ge [sflag:s3], $0x18000  }
0x29: {  	s15 =	sadd.s32 $0xFFFFFFFF, s15;
	[sflag:s3] =	ssyncset.done $0x0  }
.LBB2_1:
0x2a: {  	p0 =	sne.s32 s15, $0x1;
	s15 =	sadd.s32 $0xFFFFFFFF, s15;
	[sflag:s3] =	ssyncadd.s32 $0xFFFE8000  }
0x2b: {  	[tilespmem:s2], [sflag:$0x2] =	stream.linear.gather [hbm4b:s4+s2], $0xC00, $0x38;
	[tilespmem:$0x18C00] =	vst v63  }
0x2c: {  	_ =	swait.ge [sflag:s3], $0xC00  }
0x2d: {  	[sflag:s3] =	ssyncset.done $0x0  }
0x2e: {  	[sflag:s3] =	ssyncadd.s32 $0xFFFFF400  }
0x2f: {  	[tilespmem:s7], [sflag:$0x1] =	stream.indirect.gather [hbm4b:s5+s6], $0x80, s2, s6, $0xb8;
	[tilespmem:$0x18C00] =	vst v63  }
0x30: {  	_ =	swait.ge [sflag:s8], $0x18000  }
0x31: {  	[sflag:s8] =	ssyncset.done $0x0  }
0x32: {  	[sflag:s8] =	ssyncadd.s32 $0xFFFE8000  }
0x33: {  	[hbm4b:s9+s2] =	stream.linear.scatter [tilespmem:s7], [sflag:$0x2], $0x18000, $0x38;
	[tilespmem:$0x18C00] =	vst v63  }
0x34: {  	_ =	swait.ge [sflag:s3], $0x18000  }
0x35: {  	[sflag:s3] =	ssyncset.done $0x0  }
0x36: {  	[sflag:s3] =	ssyncadd.s32 $0xFFFE8000  }
0x37: {  	[tilespmem:s7], [sflag:$0x1] =	stream.indirect.gather [hbm4b:s5+s6], $0x80, s6, s6, $0xb8;
	[tilespmem:$0x18C00] =	vst v63  }
0x38: {  	_ =	swait.ge [sflag:s8], $0x18000  }
0x39: {  	[sflag:s8] =	ssyncset.done $0x0  }
0x3a: {  	[sflag:s8] =	ssyncadd.s32 $0xFFFE8000  }
0x3b: {  	[hbm4b:s10+s2] =	stream.linear.scatter [tilespmem:s7], [sflag:$0x2], $0x18000, $0x38;
	[tilespmem:$0x18C00] =	vst v63  }
0x3c: {  	_ =	swait.ge [sflag:s3], $0x18000  }
0x3d: {  	[sflag:s3] =	ssyncset.done $0x0  }
0x3e: {  	[sflag:s3] =	ssyncadd.s32 $0xFFFE8000  }
0x3f: {  	[tilespmem:s7], [sflag:$0x1] =	stream.indirect.gather [hbm4b:s5+s6], $0x80, s11, s6, $0xb8;
	[tilespmem:$0x18C00] =	vst v63  }
0x40: {  	_ =	swait.ge [sflag:s8], $0x18000  }
0x41: {  	[sflag:s8] =	ssyncset.done $0x0  }
0x42: {  	[sflag:s8] =	ssyncadd.s32 $0xFFFE8000  }
0x43: {  	[hbm4b:s12+s2] =	stream.linear.scatter [tilespmem:s7], [sflag:$0x2], $0x18000, $0x38;
	[tilespmem:$0x18C00] =	vst v63  }
0x44: {  	_ =	swait.ge [sflag:s3], $0x18000  }
0x45: {  	[sflag:s3] =	ssyncset.done $0x0  }
0x46: {  	[sflag:s3] =	ssyncadd.s32 $0xFFFE8000  }
0x47: {  	[tilespmem:s7], [sflag:$0x1] =	stream.indirect.gather [hbm4b:s5+s6], $0x80, s13, s6, $0xb8;
	[tilespmem:$0x18C00] =	vst v63  }
0x48: {  	_ =	swait.ge [sflag:s8], $0x18000  }
.Ltmp1:
0x49: {  	[sflag:s8] =	ssyncset.done $0x0;
	(pc) =	sbr.rel @p0 .LBB2_1-.Ltmp1, $4  }
0x4a: {  	[sflag:s8] =	ssyncadd.s32 $0xFFFE8000  }
0x4b: {  	[hbm4b:s14+s2] =	stream.linear.scatter [tilespmem:s7], [sflag:$0x2], $0x18000, $0x38;
	[tilespmem:$0x18C00] =	vst v63  }
0x4c: {  	_ =	swait.ge [sflag:s3], $0x18000  }
0x4d: {  	[sflag:s3] =	ssyncset.done $0x0  }
.LBB2_2:
0x4e: {  	[sflag:s3] =	ssyncadd.s32 $0xFFFE8000  }
0x4f: {  	_ =	sfence.sel $0x180000  }
0x50: {  	[bflag:$0x0] =	sbarrier.arrive $0xFFFF  }
0x51: {  	p0 =	sne.s32 s0, $0x0;
	_ =	strace $0x90000059  }
0x52: {  	s0 =	sadd.s32 @!p0 $0x100000, s1;
	[bflag:$0x2] =	sbarrier.arrive $0xFFFF  }
0x53: {  	[sflag:s0] =	ssyncadd.tile.s32 @!p0 $0x1;
	_ =	shalt  }
.Lfunc_end2:
_tile_overlayer_lowered:
.L_overlay_start_2:
0x54: {  	(tag) =	ssettag $0x2  }
0x55: {  	s0 =	rddreg [dreg:$0x0];
	s2 =	stileid.u32  }
0x56: {  	s1 =	rddreg [dreg:$0x1];
	p0 =	sne.s32 s2, $0x0  }
0x57: {  	s3 =	rddreg [dreg:$0x2];
	[bflag:$0x3] =	sbarrier.arrive $0xFFFF;
	s2 =	simm.s32 @!p0 $0x1C02  }
0x58: {  	[timem:s3], [sflag:s2] =	dma.local @!p0 [hbm:s0], s1  }
0x59: {  	s0 =	simm.s32 @!p0 $0x2  }
0x5a: {  	_ =	swait.ge @!p0 [sflag:s0], s1  }
0x5b: {  	s1 =	ssub.s32 @!p0 $0x0, s1;
	[sflag:s0] =	ssyncset.done @!p0 $0x0  }
0x5c: {  	[sflag:s0] =	ssyncadd.s32 @!p0 s1  }
0x5d: {  	[bflag:$0x3] =	sbarrier.arrive $0xFFFF  }
0x5e: {  	_ =	shalt  }

// kernel: kernel.50.cloned.1.call-start
scs
__scs_entry_jumppad:
0x0: {  	(pc) =	sbr.rel $0x88, $3  }
0x1: {  	(tag) =	ssettag $0x0;
	lr =	simm.s32 $0x1  }
0x2: {  	[smem:$0x3F90] =	sst lr;
	_ =	strace $0xD0000000  }
0x3: {  	_ = 	snop  }
0x4: {  	_ = 	snop  }
0x5: {  	_ = 	snop  }
0x6: {  	_ = 	snop  }
0x7: {  	_ = 	snop  }
__scs_overlays_trampoline_lowered:
0x8: {  	[smem:$0x3F9F] =	sst s0  }
0x9: {  	[smem:$0x3FA0] =	sst s1  }
0xa: {  	[smem:$0x3FA1] =	sst s2  }
0xb: {  	[smem:$0x3FA2] =	sst s3  }
0xc: {  	[smem:$0x3FA3] =	sst s4  }
0xd: {  	[smem:$0x3FA4] =	sst s5  }
0xe: {  	[smem:$0x3FA5] =	sst s6  }
0xf: {  	[smem:$0x3FA6] =	sst s7  }
0x10: {  	[smem:$0x3FA7] =	sst s8  }
0x11: {  	[smem:$0x3FA8] =	sst s9;
	s0 =	simm.s32 @!p0 $0x0  }
0x12: {  	s1 =	sld [smem:$0x3F8E];
	s0 =	simm.s32 @p0 $0x1  }
0x13: {  	[smem:$0x3FA9] =	sst s0;
	s0 =	simm.s32 @!p1 $0x0  }
0x14: {  	s2 =	sld [smem:$0x3F8D];
	s0 =	simm.s32 @p1 $0x1  }
0x15: {  	[smem:$0x3FAA] =	sst s0;
	s0 =	simm.s32 @!p2 $0x0  }
0x16: {  	s3 =	sld [smem:$0x3FDB];
	s0 =	simm.s32 @p2 $0x1  }
0x17: {  	s4 =	simm.s32 $0x1BF5;
	[smem:$0x3FAC] =	sst s0  }
0x18: {  	s0 =	sld [smem:$0x3F8F];
	_ =	swait.ge [sflag:s4], $0x0  }
0x19: {  	s7 =	sld [smem:$0x3F90]  }
0x1a: {  	s8 =	sadd.s32 $0xFFFFE003, lr  }
0x1b: {  	s9 =	sadd.s32 $0xFFFFFEF7, lr;
	s5 =	simm.s32 $0xFFFFFFFF;
	p2 =	slt.u32 s8, $0xFFFFF086  }
0x1c: {  	p1 =	slt.u32 s9, $0xF7A;
	s5 =	simm.s32 @!p2 $0x0  }
0x1d: {  	s5 =	simm.s32 @p1 $0x1;
	p0 =	seq.s32 s7, s2  }
0x1e: {  	s7 =	smul.u32 @!p0 $0xF7A, s2;
	p2 =	seq.s32 @!p0 s5, $0x0  }
0x1f: {  	s9 =	smul.u32 $0xF7A, s1;
	s8 =	simm.s32 @!p0 $0x1BF5;
	p2 =	por !p2, p0  }
0x20: {  	[sflag:s8] =	ssyncset.s32 @!p0 $0xFFFFF086;
	s6 =	sadd.s32 @!p0 s3, s7;
	s7 =	simm.s32 @!p0 $0x108  }
0x21: {  	s3 =	sadd.s32 s3, s9;
	s6 =	sadd.s32 @!p0 $0x88, s6;
	s7 =	simm.s32 @p2 $0x1082  }
0x22: {  	[simem:s7], [sflag:s8] =	dma.local @!p0 [hbm:s6], $0xF7A  }
0x23: {  	s9 =	sor.u32 $0xD0000000, s2;
	s6 =	simm.s32 $0x108;
	_ =	swait.ge @!p0 [sflag:s8], $0x0  }
0x24: {  	s3 =	sadd.s32 $0x88, s3;
	s6 =	simm.s32 @!p1 $0x1082;
	[sflag:s4] =	ssyncset.s32 $0xFFFFF086  }
0x25: {  	[simem:s6], [sflag:s4] =	dma.local [hbm:s3], $0xF7A  }
0x26: {  	[smem:$0x3F90] =	sst s1;
	(tag) =	ssettag s2;
	_ =	strace s9  }
0x27: {  	s1 =	sld [smem:$0x3FA0]  }
0x28: {  	s2 =	sld [smem:$0x3FA1]  }
0x29: {  	s4 =	sld [smem:$0x3FA3]  }
0x2a: {  	p0 =	seq.s32 s5, $0x0;
	s5 =	sld [smem:$0x3FA4]  }
0x2b: {  	s6 =	sld [smem:$0x3FA5]  }
0x2c: {  	s7 =	sld [smem:$0x3FA6]  }
0x2d: {  	s3 =	simm.s32 $0x108;
	s8 =	sld [smem:$0x3FA7]  }
0x2e: {  	s3 =	simm.s32 @!p0 $0x1082;
	s9 =	sld [smem:$0x3FA8]  }
0x2f: {  	lr =	sadd.s32 s0, s3;
	s0 =	sld [smem:$0x3F9F]  }
0x30: {  	s3 =	sld [smem:$0x3FA2]  }
0x31: {  	[smem:$0x3FAB] =	sst s10  }
0x32: {  	s10 =	sld [smem:$0x3FA9];
	_ =	sdelay $0x3  }
0x33: {  	p0 =	seq.s32 s10, $0x1;
	s10 =	sld [smem:$0x3FAB];
	_ =	sdelay $0x3  }
0x34: {  	[smem:$0x3FAB] =	sst s10  }
0x35: {  	s10 =	sld [smem:$0x3FAA];
	_ =	sdelay $0x3  }
0x36: {  	p1 =	seq.s32 s10, $0x1;
	s10 =	sld [smem:$0x3FAB];
	_ =	sdelay $0x3  }
0x37: {  	[smem:$0x3FAB] =	sst s10  }
0x38: {  	s10 =	sld [smem:$0x3FAC]  }
0x39: {  	_ = 	snop;
	(pc) =	sbr.ind lr, $3  }
0x3a: {  	_ = 	snop  }
0x3b: {  	_ = 	snop  }
0x3c: {  	p2 =	seq.s32 s10, $0x1;
	s10 =	sld [smem:$0x3FAB]  }
0x3d: {  	_ =	shalt  }
0x3e: {  	_ =	shalt  }
0x3f: {  	_ =	shalt  }
0x40: {  	_ =	shalt  }
0x41: {  	_ =	shalt  }
0x42: {  	_ =	shalt  }
0x43: {  	_ =	shalt  }
0x44: {  	_ =	shalt  }
0x45: {  	_ =	shalt  }
0x46: {  	_ =	shalt  }
0x47: {  	_ =	shalt  }
0x48: {  	_ =	shalt  }
0x49: {  	_ =	shalt  }
0x4a: {  	_ =	shalt  }
0x4b: {  	_ =	shalt  }
0x4c: {  	_ =	shalt  }
0x4d: {  	_ =	shalt  }
0x4e: {  	_ =	shalt  }
0x4f: {  	_ =	shalt  }
0x50: {  	_ =	shalt  }
0x51: {  	_ =	shalt  }
0x52: {  	_ =	shalt  }
0x53: {  	_ =	shalt  }
0x54: {  	_ =	shalt  }
0x55: {  	_ =	shalt  }
0x56: {  	_ =	shalt  }
0x57: {  	_ =	shalt  }
0x58: {  	_ =	shalt  }
0x59: {  	_ =	shalt  }
0x5a: {  	_ =	shalt  }
0x5b: {  	_ =	shalt  }
0x5c: {  	_ =	shalt  }
0x5d: {  	_ =	shalt  }
0x5e: {  	_ =	shalt  }
0x5f: {  	_ =	shalt  }
0x60: {  	_ =	shalt  }
0x61: {  	_ =	shalt  }
0x62: {  	_ =	shalt  }
0x63: {  	_ =	shalt  }
0x64: {  	_ =	shalt  }
0x65: {  	_ =	shalt  }
0x66: {  	_ =	shalt  }
0x67: {  	_ =	shalt  }
0x68: {  	_ =	shalt  }
0x69: {  	_ =	shalt  }
0x6a: {  	_ =	shalt  }
0x6b: {  	_ =	shalt  }
0x6c: {  	_ =	shalt  }
0x6d: {  	_ =	shalt  }
0x6e: {  	_ =	shalt  }
0x6f: {  	_ =	shalt  }
0x70: {  	_ =	shalt  }
0x71: {  	_ =	shalt  }
0x72: {  	_ =	shalt  }
0x73: {  	_ =	shalt  }
0x74: {  	_ =	shalt  }
0x75: {  	_ =	shalt  }
0x76: {  	_ =	shalt  }
0x77: {  	_ =	shalt  }
0x78: {  	_ =	shalt  }
0x79: {  	_ =	shalt  }
0x7a: {  	_ =	shalt  }
0x7b: {  	_ =	shalt  }
0x7c: {  	_ =	shalt  }
0x7d: {  	_ =	shalt  }
0x7e: {  	_ =	shalt  }
0x7f: {  	_ =	shalt  }
0x80: {  	_ =	shalt  }
0x81: {  	_ =	shalt  }
0x82: {  	_ =	shalt  }
0x83: {  	_ =	shalt  }
0x84: {  	_ =	shalt  }
0x85: {  	_ =	shalt  }
0x86: {  	_ =	shalt  }
0x87: {  	_ =	shalt  }
.Lfunc_end0:
.L_simem_size_0:
called_computation.7_lowered:
.L_overlay_start_0:
0x88: {  	s2 =	sld [smem:$0x3FD9]  }
0x89: {  	s3 =	sld [smem:$0x3FFE];
	_ =	sdelay $0x1  }
0x8a: {  	s1 =	srdreg.scid  }
0x8b: {  	s0 =	sand.u32 $0x1, s1  }
0x8c: {  	s17 =	sshll.u32 s0, $0xA;
	s2 =	sadd.s32 s3, s2  }
0x8d: {  	s2 =	sadd.s32 s2, s17  }
0x8e: {  	[smem:$0x3FB7] =	sst s2  }
0x8f: {  	_ = 	snop  }
0x90: {  	s2 =	sld [smem:$0x3FD0];
	(tm) =	ssettm $0x1  }
0x91: {  	s18 =	sld [smem:$0x3FFB];
	_ =	sdelay $0x3  }
0x92: {  	_ =	strace s18  }
0x93: {  	s3 =	sld [smem:$0x3FFC];
	_ =	sdelay $0x3  }
0x94: {  	_ =	strace s3  }
0x95: {  	s3 =	sld [smem:$0x3FFD];
	_ =	sdelay $0x3  }
0x96: {  	_ =	strace s3  }
0x97: {  	_ =	strace $0x8FFFFFFF  }
0x98: {  	s19 =	sld [smem:$0x3FDB];
	_ =	sdelay $0x1  }
0x99: {  	s4 =	simm.s32 $_scs_section_size  }
0x9a: {  	s5 =	simm.s32 $_size__tile_overlayer_lowered;
	s6 =	simm.s32 $_tile_overlayer_lowered  }
0x9b: {  	s22 =	simm.s32 $0x1BFF;
	s21 =	sshll.u32 s6, $0x1;
	s3 =	sadd.s32 s4, s19  }
0x9c: {  	s7 =	simm.s32 $0x0;
	s20 =	sshll.u32 s5, $0x1;
	s5 =	sadd.s32 s21, s3  }
0x9d: {  	[timem:s7], [sflag:s22] =	dma.local [hbm:s5], s20  }
0x9e: {  	_ =	swait.ge [sflag:s22], s20  }
0x9f: {  	s4 =	ssub.s32 $0x0, s20;
	[sflag:s22] =	ssyncset.done $0x0  }
0xa0: {  	[sflag:s22] =	ssyncadd.s32 s4;
	_ =	sdelay $0x1  }
0xa1: {  	s23 =	simm.s32 $0x1B8B  }
0xa2: {  	_ =	swait.ge [sflag:s23], $0x1  }
0xa3: {  	[sflag:s23] =	ssyncset.done $0x0  }
0xa4: {  	s25 =	simm.s32 $0x1B8E;
	s24 =	sld [smem:$0x3FFE];
	[sflag:s23] =	ssyncadd.s32 $0xFFFFFFFF  }
0xa5: {  	s26 =	simm.s32 $execute0_lowered;
	[smem:$0x3FD2] =	sst s25  }
0xa6: {  	s5 =	sshll.u32 s26, $0x1;
	_ =	strace $0x8000005B;
	[dreg:$0x1] =	wrdreg $0xFFFFFFFF  }
0xa7: {  	s28 =	simm.s32 $_size_execute0_lowered;
	s3 =	sadd.s32 s3, s5;
	[dreg:$0x0] =	wrdreg $0x0  }
0xa8: {  	s5 =	sshll.u32 s28, $0x1;
	[dreg:$0x2] =	wrdreg s3  }
0xa9: {  	[dreg:$0x3] =	wrdreg s5  }
0xaa: {  	[dreg:$0x4] =	wrdreg $0xC0  }
0xab: {  	_ =	task [dreg:s7], $0x5FFFF  }
0xac: {  	[dreg:$0x1] =	wrdreg $0xFFFFFFFF  }
0xad: {  	[dreg:$0x0] =	wrdreg $0x60  }
0xae: {  	[dreg:$0x2] =	wrdreg s24  }
0xaf: {  	[dreg:$0x3] =	wrdreg s2  }
0xb0: {  	[dreg:$0x4] =	wrdreg $0x9  }
0xb1: {  	_ =	task.clear_ibuf [dreg:s7], $0x5FFFF;
	_ =	strace $0x9000005B  }
0xb2: {  	s29 =	simm.s32 $0x9;
	_ =	strace $0x8000005D  }
0xb3: {  	_ =	swait.ge [sflag:s29], $0x1  }
0xb4: {  	[sflag:s29] =	ssyncadd.s32 $0xFFFFFFFF  }
0xb5: {  	_ =	strace $0x9000005D  }
0xb6: {  	_ =	sfence  }
0xb7: {  	s30 =	sld [smem:$0x0];
	_ =	sdelay $0x2  }
0xb8: {  	s31 =	sshll.u32 s1, $0xD;
	s1 =	sshrl.u32 s1, $0x2  }
0xb9: {  	s3 =	sand.u32 $0x4000, s31;
	s1 =	sadd.s32 s1, s30  }
0xba: {  	s0 =	sor.u32 s3, s0;
	s1 =	sshll.u32 s1, $0x11  }
0xbb: {  	s0 =	sor.u32 s1, s0  }
0xbc: {  	s0 =	sadd.s32 $0x8F2B, s0  }
0xbd: {  	[sflag:s0] =	ssyncadd.remote.s32 $0x1  }
0xbe: {  	_ =	sfence.sel $0xFFFF  }
0xbf: {  	[dreg:$0x0] =	wrdreg $0xFFFFFFFF;
	(pc) =	sbr.abs _section_cstart, $3  }
0xc0: {  	[dreg:$0x1] =	wrdreg $0xFFFFFFFF  }
0xc1: {  	_ =	task.clear_ibuf [dreg:s7], $0x2FFFF;
	_ =	strace $0x9FFFFFFF  }
0xc2: {  	(tm) =	ssettm $0x7FFFFFFF  }
0xc3: {  	_ =	shalt  }
tec
execute0_lowered:
.L_overlay_start_1:
0x0: {  	(tag) =	ssettag $0x1  }
0x1: {  	s1 =	srdreg.scid;
	s0 =	stileid.u32  }
0x2: {  	s9 =	rddreg [dreg:$0x0];
	s13 =	sand.u32 $0x1, s1;
	s31 =	sshll.u32 s0, $0x1  }
0x3: {  	s3 =	rddreg [dreg:$0x1];
	s6 =	sor.u32 s13, s31  }
0x4: {  	s2 =	simm.s32 $0x0;
	s1 =	rddreg [dreg:$0x2];
	s4 =	smul.u32 $0x180, s6  }
0x5: {  	[smem:$0x7FF] =	sst s2  }
0x6: {  	_ =	strace $0x8000005C;
	s4 =	sadd.s32 s3, s4;
	s3 =	simm.s32 $0x2  }
0x7: {  	[tilespmem:s2], [sflag:$0x2] =	stream.linear.gather [hbm4b:s4+s2], $0xC00, $0x38;
	[tilespmem:$0x18C00] =	vst v63  }
0x8: {  	s7 =	simm.s32 $0xC00;
	_ =	swait.ge [sflag:s3], $0xC00  }
0x9: {  	s8 =	simm.s32 $0x1;
	s5 =	sadd.s32 $0x7600, s9;
	[sflag:s3] =	ssyncset.done $0x0  }
0xa: {  	s10 =	smul.u32 $0xC000, s6;
	s6 =	simm.s32 $0x300;
	[sflag:s3] =	ssyncadd.s32 $0xFFFFF400  }
0xb: {  	[tilespmem:s7], [sflag:$0x1] =	stream.indirect.gather [hbm4b:s5+s6], $0x80, s2, s6, $0xb8;
	[tilespmem:$0x18C00] =	vst v63  }
0xc: {  	_ =	swait.ge [sflag:s8], $0x18000  }
0xd: {  	s14 =	sadd.s32 s10, s9;
	[sflag:s8] =	ssyncset.done $0x0  }
0xe: {  	s9 =	sadd.s32 $0x87600, s14;
	[sflag:s8] =	ssyncadd.s32 $0xFFFE8000  }
0xf: {  	[hbm4b:s9+s2] =	stream.linear.scatter [tilespmem:s7], [sflag:$0x2], $0x18000, $0x38;
	[tilespmem:$0x18C00] =	vst v63  }
0x10: {  	_ =	swait.ge [sflag:s3], $0x18000  }
0x11: {  	[sflag:s3] =	ssyncset.done $0x0  }
0x12: {  	[sflag:s3] =	ssyncadd.s32 $0xFFFE8000  }
0x13: {  	[tilespmem:s7], [sflag:$0x1] =	stream.indirect.gather [hbm4b:s5+s6], $0x80, s6, s6, $0xb8;
	[tilespmem:$0x18C00] =	vst v63  }
0x14: {  	_ =	swait.ge [sflag:s8], $0x18000  }
0x15: {  	[sflag:s8] =	ssyncset.done $0x0  }
0x16: {  	s10 =	sadd.s32 $0x8A600, s14;
	[sflag:s8] =	ssyncadd.s32 $0xFFFE8000  }
0x17: {  	[hbm4b:s10+s2] =	stream.linear.scatter [tilespmem:s7], [sflag:$0x2], $0x18000, $0x38;
	[tilespmem:$0x18C00] =	vst v63  }
0x18: {  	_ =	swait.ge [sflag:s3], $0x18000  }
0x19: {  	[sflag:s3] =	ssyncset.done $0x0  }
0x1a: {  	s11 =	simm.s32 $0x600;
	[sflag:s3] =	ssyncadd.s32 $0xFFFE8000  }
0x1b: {  	[tilespmem:s7], [sflag:$0x1] =	stream.indirect.gather [hbm4b:s5+s6], $0x80, s11, s6, $0xb8;
	[tilespmem:$0x18C00] =	vst v63  }
0x1c: {  	_ =	swait.ge [sflag:s8], $0x18000  }
0x1d: {  	[sflag:s8] =	ssyncset.done $0x0  }
0x1e: {  	s15 =	ssub.s32 $0x2, s13;
	s12 =	sadd.s32 $0x8D600, s14;
	[sflag:s8] =	ssyncadd.s32 $0xFFFE8000  }
0x1f: {  	[hbm4b:s12+s2] =	stream.linear.scatter [tilespmem:s7], [sflag:$0x2], $0x18000, $0x38;
	[tilespmem:$0x18C00] =	vst v63  }
0x20: {  	s16 =	sshrl.u32 s15, $0x1;
	_ =	swait.ge [sflag:s3], $0x18000  }
0x21: {  	s15 =	ssub.s32 s15, s16;
	[sflag:s3] =	ssyncset.done $0x0  }
0x22: {  	s13 =	simm.s32 $0x900;
	s15 =	smax.u32 s15, $0x1;
	[sflag:s3] =	ssyncadd.s32 $0xFFFE8000  }
0x23: {  	[tilespmem:s7], [sflag:$0x1] =	stream.indirect.gather [hbm4b:s5+s6], $0x80, s13, s6, $0xb8;
	[tilespmem:$0x18C00] =	vst v63  }
0x24: {  	p0 =	sne.s32 s15, $0x1;
	_ =	swait.ge [sflag:s8], $0x18000  }
.Ltmp0:
0x25: {  	[sflag:s8] =	ssyncset.done $0x0;
	(pc) =	sbr.rel @!p0 .LBB2_2-.Ltmp0, $4  }
0x26: {  	s14 =	sadd.s32 $0x90600, s14;
	[sflag:s8] =	ssyncadd.s32 $0xFFFE8000  }
0x27: {  	[hbm4b:s14+s2] =	stream.linear.scatter [tilespmem:s7], [sflag:$0x2], $0x18000, $0x38;
	[tilespmem:$0x18C00] =	vst v63  }
0x28: {  	_ =	swait.ge [sflag:s3], $0x18000  }
0x29: {  	s15 =	sadd.s32 $0xFFFFFFFF, s15;
	[sflag:s3] =	ssyncset.done $0x0  }
.LBB2_1:
0x2a: {  	p0 =	sne.s32 s15, $0x1;
	s15 =	sadd.s32 $0xFFFFFFFF, s15;
	[sflag:s3] =	ssyncadd.s32 $0xFFFE8000  }
0x2b: {  	[tilespmem:s2], [sflag:$0x2] =	stream.linear.gather [hbm4b:s4+s2], $0xC00, $0x38;
	[tilespmem:$0x18C00] =	vst v63  }
0x2c: {  	_ =	swait.ge [sflag:s3], $0xC00  }
0x2d: {  	[sflag:s3] =	ssyncset.done $0x0  }
0x2e: {  	[sflag:s3] =	ssyncadd.s32 $0xFFFFF400  }
0x2f: {  	[tilespmem:s7], [sflag:$0x1] =	stream.indirect.gather [hbm4b:s5+s6], $0x80, s2, s6, $0xb8;
	[tilespmem:$0x18C00] =	vst v63  }
0x30: {  	_ =	swait.ge [sflag:s8], $0x18000  }
0x31: {  	[sflag:s8] =	ssyncset.done $0x0  }
0x32: {  	[sflag:s8] =	ssyncadd.s32 $0xFFFE8000  }
0x33: {  	[hbm4b:s9+s2] =	stream.linear.scatter [tilespmem:s7], [sflag:$0x2], $0x18000, $0x38;
	[tilespmem:$0x18C00] =	vst v63  }
0x34: {  	_ =	swait.ge [sflag:s3], $0x18000  }
0x35: {  	[sflag:s3] =	ssyncset.done $0x0  }
0x36: {  	[sflag:s3] =	ssyncadd.s32 $0xFFFE8000  }
0x37: {  	[tilespmem:s7], [sflag:$0x1] =	stream.indirect.gather [hbm4b:s5+s6], $0x80, s6, s6, $0xb8;
	[tilespmem:$0x18C00] =	vst v63  }
0x38: {  	_ =	swait.ge [sflag:s8], $0x18000  }
0x39: {  	[sflag:s8] =	ssyncset.done $0x0  }
0x3a: {  	[sflag:s8] =	ssyncadd.s32 $0xFFFE8000  }
0x3b: {  	[hbm4b:s10+s2] =	stream.linear.scatter [tilespmem:s7], [sflag:$0x2], $0x18000, $0x38;
	[tilespmem:$0x18C00] =	vst v63  }
0x3c: {  	_ =	swait.ge [sflag:s3], $0x18000  }
0x3d: {  	[sflag:s3] =	ssyncset.done $0x0  }
0x3e: {  	[sflag:s3] =	ssyncadd.s32 $0xFFFE8000  }
0x3f: {  	[tilespmem:s7], [sflag:$0x1] =	stream.indirect.gather [hbm4b:s5+s6], $0x80, s11, s6, $0xb8;
	[tilespmem:$0x18C00] =	vst v63  }
0x40: {  	_ =	swait.ge [sflag:s8], $0x18000  }
0x41: {  	[sflag:s8] =	ssyncset.done $0x0  }
0x42: {  	[sflag:s8] =	ssyncadd.s32 $0xFFFE8000  }
0x43: {  	[hbm4b:s12+s2] =	stream.linear.scatter [tilespmem:s7], [sflag:$0x2], $0x18000, $0x38;
	[tilespmem:$0x18C00] =	vst v63  }
0x44: {  	_ =	swait.ge [sflag:s3], $0x18000  }
0x45: {  	[sflag:s3] =	ssyncset.done $0x0  }
0x46: {  	[sflag:s3] =	ssyncadd.s32 $0xFFFE8000  }
0x47: {  	[tilespmem:s7], [sflag:$0x1] =	stream.indirect.gather [hbm4b:s5+s6], $0x80, s13, s6, $0xb8;
	[tilespmem:$0x18C00] =	vst v63  }
0x48: {  	_ =	swait.ge [sflag:s8], $0x18000  }
.Ltmp1:
0x49: {  	[sflag:s8] =	ssyncset.done $0x0;
	(pc) =	sbr.rel @p0 .LBB2_1-.Ltmp1, $4  }
0x4a: {  	[sflag:s8] =	ssyncadd.s32 $0xFFFE8000  }
0x4b: {  	[hbm4b:s14+s2] =	stream.linear.scatter [tilespmem:s7], [sflag:$0x2], $0x18000, $0x38;
	[tilespmem:$0x18C00] =	vst v63  }
0x4c: {  	_ =	swait.ge [sflag:s3], $0x18000  }
0x4d: {  	[sflag:s3] =	ssyncset.done $0x0  }
.LBB2_2:
0x4e: {  	[sflag:s3] =	ssyncadd.s32 $0xFFFE8000  }
0x4f: {  	_ =	sfence.sel $0x180000  }
0x50: {  	[bflag:$0x0] =	sbarrier.arrive $0xFFFF  }
0x51: {  	p0 =	sne.s32 s0, $0x0;
	_ =	strace $0x9000005C  }
0x52: {  	s0 =	sadd.s32 @!p0 $0x100000, s1;
	[bflag:$0x2] =	sbarrier.arrive $0xFFFF  }
0x53: {  	[sflag:s0] =	ssyncadd.tile.s32 @!p0 $0x1;
	_ =	shalt  }
.Lfunc_end2:
_tile_overlayer_lowered:
.L_overlay_start_2:
0x54: {  	(tag) =	ssettag $0x2  }
0x55: {  	s0 =	rddreg [dreg:$0x0];
	s2 =	stileid.u32  }
0x56: {  	s1 =	rddreg [dreg:$0x1];
	p0 =	sne.s32 s2, $0x0  }
0x57: {  	s3 =	rddreg [dreg:$0x2];
	[bflag:$0x3] =	sbarrier.arrive $0xFFFF;
	s2 =	simm.s32 @!p0 $0x1C02  }
0x58: {  	[timem:s3], [sflag:s2] =	dma.local @!p0 [hbm:s0], s1  }
0x59: {  	s0 =	simm.s32 @!p0 $0x2  }
0x5a: {  	_ =	swait.ge @!p0 [sflag:s0], s1  }
0x5b: {  	s1 =	ssub.s32 @!p0 $0x0, s1;
	[sflag:s0] =	ssyncset.done @!p0 $0x0  }
0x5c: {  	[sflag:s0] =	ssyncadd.s32 @!p0 s1  }
0x5d: {  	[bflag:$0x3] =	sbarrier.arrive $0xFFFF  }
0x5e: {  	_ =	shalt  }

</sc_bundles>
